<compile_context>
chip_gen: v7x
topology: tpu7x:2x2x1
jax: 0.10.2.dev20260603
libtpu: 0.0.44.dev20260713+nightly
codegen_flags: <defaults>
</compile_context>

<pallas_src>
import functools

import jax
import jax.numpy as jnp
from jax import lax
from jax.experimental import pallas as pl
from jax.experimental.pallas import tpu as pltpu
from jax.experimental.pallas import tpu_sc as plsc

_NC, _NS, _L = 2, 16, 16
_NW = _NC * _NS
_CHUNK = 80


def _stats_body(p_ref, q_ref):
    p = p_ref[...]
    q_ref[...] = lax.dot_general(
        p, p, (((0,), (0,)), ((), ())), preferred_element_type=jnp.float32)


def _main_body(xa_ref, xb_ref, pa_ref, pb_ref, w_ref, wx_ref, a_ref, c_ref,
               b2_ref, bias_ref, bx_ref, tp_ref, gmax_ref):
    def half(x, p):
        s = jnp.dot(x, w_ref[...], preferred_element_type=jnp.float32)
        hr = jnp.maximum(
            jnp.dot(p, a_ref[...],
                    preferred_element_type=jnp.float32) + c_ref[...], 0.0)
        s = s + jnp.dot(hr, b2_ref[...],
                        preferred_element_type=jnp.float32) + bias_ref[...]
        v = jnp.dot(x, wx_ref[...], preferred_element_type=jnp.float32) + bx_ref[...]
        return s, v

    sa, va = half(xa_ref[...], pa_ref[...])
    sb, vb = half(xb_ref[...], pb_ref[...])
    tp_ref[...] = jnp.concatenate([sa, va, sb, vb], axis=1)

    @pl.when(pl.program_id(0) == 0)
    def _():
        gmax_ref[0, 0] = -jnp.inf

    gmax_ref[0, 0] = jnp.maximum(
        gmax_ref[0, 0], jnp.maximum(jnp.max(sa), jnp.max(sb)))


def _make_scatter(mh, n_pad):
    nchunks = mh // _CHUNK
    iters = (nchunks + _NW - 1) // _NW
    rz = n_pad // _NS
    mesh = plsc.VectorSubcoreMesh(core_axis_name="c", subcore_axis_name="s")

    @functools.partial(
        pl.kernel,
        out_type=[
            jax.ShapeDtypeStruct((n_pad, 8 * _L), jnp.float32),
            jax.ShapeDtypeStruct((n_pad, 8 * _L), jnp.float32),
        ],
        mesh=mesh,
        scratch_types=[
            pltpu.VMEM((_CHUNK,), jnp.int32),
            pltpu.VMEM((_CHUNK,), jnp.int32),
            pltpu.VMEM((_CHUNK,), jnp.int32),
            pltpu.VMEM((_CHUNK,), jnp.int32),
            pltpu.VMEM((_CHUNK, 8 * _L), jnp.float32),
            pltpu.VMEM((_CHUNK, 8 * _L), jnp.float32),
            pltpu.VMEM((_CHUNK, 8 * _L), jnp.float32),
            pltpu.VMEM((_CHUNK, 8 * _L), jnp.float32),
            pltpu.VMEM((_L,), jnp.float32),
            pltpu.SemaphoreType.DMA,
            pltpu.SemaphoreType.DMA,
            pltpu.VMEM_SHARED((n_pad, 8 * _L), jnp.float32),
        ],
    )
    def _scatter(tp_hbm, ia_hbm, ib_hbm, g_hbm, out0_hbm, out1_hbm,
                 iab0, iab1, ibb0, ibb1, svb0, svb1, sva, svb2, gb,
                 sem0, sem1, acc):
        cid = lax.axis_index("c")
        sid = lax.axis_index("s")
        wid = sid * _NC + cid

        def zpay(r, carry):
            for j in range(8):
                svb0[r, pl.ds(j * _L, _L)] = jnp.zeros((_L,), jnp.float32)
            for j in range(4, 8):
                sva[r, pl.ds(j * _L, _L)] = jnp.zeros((_L,), jnp.float32)
                svb2[r, pl.ds(j * _L, _L)] = jnp.zeros((_L,), jnp.float32)
            return carry

        lax.fori_loop(0, _CHUNK, zpay, 0)

        def zslab(r, carry):
            pltpu.sync_copy(svb0.at[pl.ds(0, 8)],
                            acc.at[pl.ds(sid * rz + r * 8, 8)])
            return carry

        lax.fori_loop(0, rz // 8, zslab, 0)
        pltpu.sync_copy(g_hbm, gb)
        gv = gb[...]
        plsc.subcore_barrier()

        def start_load(j, buf, ia, ib, sem):
            chunk = wid + _NW * j

            @pl.when(chunk < nchunks)
            def _():
                base = chunk * _CHUNK
                pltpu.async_copy(ia_hbm.at[pl.ds(base, _CHUNK)], ia, sem)
                pltpu.async_copy(ib_hbm.at[pl.ds(base, _CHUNK)], ib, sem)
                pltpu.async_copy(tp_hbm.at[pl.ds(base, _CHUNK)], buf, sem)

        def process(j, buf, ia, ib, sem):
            chunk = wid + _NW * j

            @pl.when(chunk < nchunks)
            def _():
                base = chunk * _CHUNK
                pltpu.make_async_copy(
                    ia_hbm.at[pl.ds(base, _CHUNK)], ia, sem).wait()
                pltpu.make_async_copy(
                    ib_hbm.at[pl.ds(base, _CHUNK)], ib, sem).wait()
                pltpu.make_async_copy(
                    tp_hbm.at[pl.ds(base, _CHUNK)], buf, sem).wait()

                def rbody(r, c2):
                    ea0 = jnp.exp(buf[r, pl.ds(0, _L)] - gv)
                    ea1 = jnp.exp(buf[r, pl.ds(_L, _L)] - gv)
                    eb0 = jnp.exp(buf[r, pl.ds(4 * _L, _L)] - gv)
                    eb1 = jnp.exp(buf[r, pl.ds(5 * _L, _L)] - gv)
                    sva[r, pl.ds(0, _L)] = ea0
                    sva[r, pl.ds(_L, _L)] = ea1
                    sva[r, pl.ds(2 * _L, _L)] = buf[r, pl.ds(2 * _L, _L)] * ea0
                    sva[r, pl.ds(3 * _L, _L)] = buf[r, pl.ds(3 * _L, _L)] * ea1
                    svb2[r, pl.ds(0, _L)] = eb0
                    svb2[r, pl.ds(_L, _L)] = eb1
                    svb2[r, pl.ds(2 * _L, _L)] = buf[r, pl.ds(6 * _L, _L)] * eb0
                    svb2[r, pl.ds(3 * _L, _L)] = buf[r, pl.ds(7 * _L, _L)] * eb1
                    return c2

                lax.fori_loop(0, _CHUNK, rbody, 0)
                pltpu.sync_copy(sva, acc.at[ia], add=True)
                pltpu.sync_copy(svb2, acc.at[ib], add=True)

        start_load(0, svb0, iab0, ibb0, sem0)

        def pair(g, carry):
            j0 = 2 * g
            start_load(j0 + 1, svb1, iab1, ibb1, sem1)
            process(j0, svb0, iab0, ibb0, sem0)
            start_load(j0 + 2, svb0, iab0, ibb0, sem0)
            process(j0 + 1, svb1, iab1, ibb1, sem1)
            return carry

        lax.fori_loop(0, (iters + 1) // 2, pair, 0)
        plsc.subcore_barrier()

        @pl.when(cid == 0)
        def _():
            pltpu.sync_copy(acc.at[pl.ds(sid * rz, rz)],
                            out0_hbm.at[pl.ds(sid * rz, rz)])

        @pl.when(cid == 1)
        def _():
            pltpu.sync_copy(acc.at[pl.ds(sid * rz, rz)],
                            out1_hbm.at[pl.ds(sid * rz, rz)])

    return _scatter


def _make_combine_body(hid, share):
    def _combine_body(pa0_ref, pa1_ref, pb0_ref, pb1_ref, fa_ref, fb_ref,
                      x_ref, out_ref):
        fa = fa_ref[0, 0]
        fb = fb_ref[0, 0]
        pa = pa0_ref[...] + pa1_ref[...]
        pb = pb0_ref[...] + pb1_ref[...]
        den = fa * pa[:, 0:hid] + fb * pb[:, 0:hid]
        num = fa * pa[:, hid:2 * hid] + fb * pb[:, hid:2 * hid]
        res = jnp.where(den > 0.0, num / den, 0.0)
        out_ref[...] = x_ref[...] + jnp.concatenate([res] * share, axis=1)
    return _combine_body


def kernel(x, x_knn, knn_idx, p_r, W, b, Wx, bx, Wp1, gamma, beta, Wp2, bp2):
    n, k, c = x_knn.shape
    hid = W.shape[1]
    share = c // hid
    m = n * k
    mh = m // 2
    f32 = jnp.float32

    xe = x_knn.reshape(m, c)
    p49 = jnp.concatenate(
        [p_r.reshape(n, k * 3), jnp.ones((n, 1), f32)], axis=1)

    q = pl.pallas_call(
        _stats_body,
        out_shape=jax.ShapeDtypeStruct((k * 3 + 1, k * 3 + 1), f32),
    )(p49)

    q48 = q[:k * 3, :k * 3].reshape(k, 3, k, 3)
    c3 = jnp.einsum('iaib->ab', q48)
    s3 = q[k * 3, :k * 3].reshape(k, 3).sum(axis=0)
    mean = (s3 / m) @ Wp1
    eh2 = jnp.einsum('ij,ik,kj->j', Wp1, c3 / m, Wp1)
    var = eh2 - mean * mean
    a = gamma * lax.rsqrt(var + 1e-5)
    cshift = beta - mean * a
    a4 = jnp.zeros((4, 4), f32).at[:3, :3].set(Wp1 * a[None, :])
    c4 = jnp.zeros((1, 4), f32).at[0, :3].set(cshift)
    b24 = jnp.zeros((4, hid), f32).at[:3, :].set(Wp2 @ W)
    b2 = (b + bp2 @ W).reshape(1, hid)
    bx2 = bx.reshape(1, hid)
    p4 = jnp.pad(p_r.reshape(m, 3), ((0, 0), (0, 1)))

    be = 640
    mA = 81920
    qA = mA // 2
    qB = (m - mA) // 2

    def run_main(o1, o2, nq):
        return pl.pallas_call(
            _main_body,
            grid=(nq,),
            in_specs=[
                pl.BlockSpec((be, c), lambda i: (i + o1, 0)),
                pl.BlockSpec((be, c), lambda i: (i + o2, 0)),
                pl.BlockSpec((be, 4), lambda i: (i + o1, 0)),
                pl.BlockSpec((be, 4), lambda i: (i + o2, 0)),
                pl.BlockSpec((c, hid), lambda i: (0, 0)),
                pl.BlockSpec((c, hid), lambda i: (0, 0)),
                pl.BlockSpec((4, 4), lambda i: (0, 0)),
                pl.BlockSpec((1, 4), lambda i: (0, 0)),
                pl.BlockSpec((4, hid), lambda i: (0, 0)),
                pl.BlockSpec((1, hid), lambda i: (0, 0)),
                pl.BlockSpec((1, hid), lambda i: (0, 0)),
            ],
            out_specs=[
                pl.BlockSpec((be, 8 * _L), lambda i: (i, 0)),
                pl.BlockSpec((1, 1), lambda i: (0, 0),
                             memory_space=pltpu.SMEM),
            ],
            out_shape=[
                jax.ShapeDtypeStruct((nq * be, 8 * _L), f32),
                jax.ShapeDtypeStruct((1, 1), f32),
            ],
        )(xe, xe, p4, p4, W, Wx, a4, c4, b24, b2, bx2)

    nqA = qA // be
    nqB = qB // be
    tpA, gA = run_main(0, nqA, nqA)
    tpB, gB = run_main(2 * nqA, 2 * nqA + nqB, nqB)

    gvA = jnp.full((_L,), gA[0, 0], f32)
    gvB = jnp.full((_L,), gB[0, 0], f32)

    n_pad = ((n + _NS * 8 - 1) // (_NS * 8)) * (_NS * 8)
    idx = knn_idx.reshape(m)
    pa0, pa1 = _make_scatter(qA, n_pad)(tpA, idx[:qA], idx[qA:mA], gvA)
    pb0, pb1 = _make_scatter(qB, n_pad)(
        tpB, idx[mA:mA + qB], idx[mA + qB:], gvB)

    gC = jnp.maximum(gA[0, 0], gB[0, 0])
    fa = jnp.exp(gA[0, 0] - gC).reshape(1, 1)
    fb = jnp.exp(gB[0, 0] - gC).reshape(1, 1)

    bn = 2000
    nb = n // bn
    out = pl.pallas_call(
        _make_combine_body(hid, share),
        grid=(nb,),
        in_specs=[
            pl.BlockSpec((bn, 8 * _L), lambda i: (i, 0)),
            pl.BlockSpec((bn, 8 * _L), lambda i: (i, 0)),
            pl.BlockSpec((bn, 8 * _L), lambda i: (i, 0)),
            pl.BlockSpec((bn, 8 * _L), lambda i: (i, 0)),
            pl.BlockSpec((1, 1), lambda i: (0, 0), memory_space=pltpu.SMEM),
            pl.BlockSpec((1, 1), lambda i: (0, 0), memory_space=pltpu.SMEM),
            pl.BlockSpec((bn, c), lambda i: (i, 0)),
        ],
        out_specs=pl.BlockSpec((bn, c), lambda i: (i, 0)),
        out_shape=jax.ShapeDtypeStruct((n, c), f32),
    )(pa0, pa1, pb0, pb1, fa, fb, x)
    return out

# --- scband reference (transcript-rebuilt; emitter-appended) ---
"""Pipeline reference for scband-point-mixer-inter-set-layer-group-mlpv3-20899310862383 (READ-ONLY COPY).

The authoritative reference and input builder live on the scoring server;
editing this copy changes nothing except your own understanding.
"""

import jax, jax.numpy as jnp
import numpy as np

N = 10000
K = 16
IN_PLANES = 256
SHARE = 8
HID = IN_PLANES // SHARE


def setup_inputs(seed: int = 0) -> dict:
    key = jax.random.key(seed)
    ks = jax.random.split(key, 12)
    x = jax.random.normal(ks[0], (N, IN_PLANES), dtype=jnp.float32)
    x_knn = jax.random.normal(ks[1], (N, K, IN_PLANES), dtype=jnp.float32)
    knn_idx = jax.random.randint(ks[2], (N, K), 0, N, dtype=jnp.int32)
    p_r = jax.random.normal(ks[3], (N, K, 3), dtype=jnp.float32)
    # parameters (torch nn.Linear equivalents, stored as [in, out])
    W = jax.random.normal(ks[4], (IN_PLANES, HID), dtype=jnp.float32) * 0.05
    b = jnp.zeros((HID,), dtype=jnp.float32)
    Wx = jax.random.normal(ks[5], (IN_PLANES, HID), dtype=jnp.float32) * 0.05
    bx = jnp.zeros((HID,), dtype=jnp.float32)
    Wp1 = jax.random.normal(ks[6], (3, 3), dtype=jnp.float32) * 0.5
    gamma = jnp.ones((3,), dtype=jnp.float32)
    beta = jnp.zeros((3,), dtype=jnp.float32)
    Wp2 = jax.random.normal(ks[7], (3, IN_PLANES), dtype=jnp.float32) * 0.3
    bp2 = jnp.zeros((IN_PLANES,), dtype=jnp.float32)
    return {"x": x, "x_knn": x_knn, "knn_idx": knn_idx, "p_r": p_r,
            "W": W, "b": b, "Wx": Wx, "bx": bx,
            "Wp1": Wp1, "gamma": gamma, "beta": beta, "Wp2": Wp2, "bp2": bp2}


def reference(x, x_knn, knn_idx, p_r, W, b, Wx, bx, Wp1, gamma, beta, Wp2, bp2):
    n, k, c = x_knn.shape
    idx = knn_idx.reshape(-1)  # (n*k,), dst-node ids
    # linear_p: Linear(3,3,bias=False) -> BatchNorm1d(3) (training-mode batch stats) -> ReLU -> Linear(3, in_planes)
    p_flat = p_r.reshape(-1, 3)
    h = p_flat @ Wp1
    mean = jnp.mean(h, axis=0)
    var = jnp.var(h, axis=0)
    hn = (h - mean) / jnp.sqrt(var + 1e-5) * gamma + beta
    hr = jax.nn.relu(hn)
    p_embed = hr @ Wp2 + bp2  # (n*k, c)
    x_knn_flat = x_knn.reshape(-1, c)
    shrink = (x_knn_flat + p_embed) @ W + b  # (n*k, hid)
    # scatter_softmax over rows grouped by idx (index broadcast across channels)
    seg_max = jax.ops.segment_max(jax.lax.stop_gradient(shrink), idx, num_segments=n)
    seg_max = jnp.where(jnp.isfinite(seg_max), seg_max, 0.0)
    ex = jnp.exp(shrink - seg_max[idx])
    denom = jax.ops.segment_sum(ex, idx, num_segments=n)
    prob = ex / denom[idx]
    # linear_x value path
    xv = x_knn_flat @ Wx + bx
    weighted = xv * prob
    residual = jax.ops.segment_sum(weighted, idx, num_segments=n)  # (n, hid)
    # repeat 'n c -> n (repeat c)' with repeat=share_planes (outer tiling)
    residual = jnp.tile(residual, (1, SHARE))  # (n, c)
    return x + residual

if __name__ == "__main__":
    import jax
    _d = setup_inputs()
    print(jax.jit(kernel)(*tuple(_d.values())))

</pallas_src>

<mosaic_0001>
#map = affine_map<(d0, d1) -> (0, 0)>
#map1 = affine_map<(d0, d1) -> (0)>
module attributes {stable_mosaic.version = 14 : i64} {
  func.func @_scatter(%arg0: i32, %arg1: i32, %arg2: memref<40960x128xf32, #tpu.memory_space<hbm>>, %arg3: memref<40960xi32, #tpu.memory_space<hbm>>, %arg4: memref<40960xi32, #tpu.memory_space<hbm>>, %arg5: memref<16xf32, #tpu.memory_space<hbm>>, %arg6: memref<10112x128xf32, #tpu.memory_space<hbm>>, %arg7: memref<10112x128xf32, #tpu.memory_space<hbm>>, %arg8: memref<80xi32, #tpu.memory_space<vmem>>, %arg9: memref<80xi32, #tpu.memory_space<vmem>>, %arg10: memref<80xi32, #tpu.memory_space<vmem>>, %arg11: memref<80xi32, #tpu.memory_space<vmem>>, %arg12: memref<80x128xf32, #tpu.memory_space<vmem>>, %arg13: memref<80x128xf32, #tpu.memory_space<vmem>>, %arg14: memref<80x128xf32, #tpu.memory_space<vmem>>, %arg15: memref<80x128xf32, #tpu.memory_space<vmem>>, %arg16: memref<16xf32, #tpu.memory_space<vmem>>, %arg17: memref<!tpu.dma_semaphore, #tpu.memory_space<semaphore_mem>>, %arg18: memref<!tpu.dma_semaphore, #tpu.memory_space<semaphore_mem>>, %arg19: memref<10112x128xf32, #tpu.memory_space<vmem_shared>>) attributes {dimension_semantics = [#tpu.dimension_semantics<core_parallel>, #tpu.dimension_semantics<subcore_parallel>], iteration_bounds = array<i64: 2, 16>, scalar_prefetch = 0 : i64, scratch_operands = 12 : i64, tpu.core_type = #tpu.core_type<sc_vector_subcore>, window_params = [{transform_indices = #map}, {transform_indices = #map1}, {transform_indices = #map1}, {transform_indices = #map1}, {transform_indices = #map}, {transform_indices = #map}]} {
    %mul3A = arith.constant 2 : i32
    %mul3A_0 = arith.muli %arg1, %mul3A : i32
    %add3A = arith.addi %mul3A_0, %arg0 : i32
    %scan3A = arith.constant 0 : i32
    %scan3A_1 = arith.constant 0 : i32
    %scan3A_2 = arith.constant 80 : i32
    %scan3A_3 = arith.addi %scan3A_1, %scan3A_2 : i32
    %scan3A_4 = arith.constant 1 : i32
    scf.for %scan3A_34 = %scan3A_1 to %scan3A_3 step %scan3A_4  : i32 {
      %broadcast_in_dim3A = arith.constant 0.000000e+00 : f32
      %broadcast_in_dim3A_35 = vector.broadcast %broadcast_in_dim3A : f32 to vector<16xf32>
      %swap3A = arith.index_cast %scan3A_34 : i32 to index
      %swap3A_36 = arith.constant 0 : index
      %swap3A_37 = tpu.vector_load %arg12[%swap3A, %swap3A_36] {strides = array<i32>} : memref<80x128xf32, #tpu.memory_space<vmem>>, vector<1x16xf32>,
      %swap3A_38 = vector.shape_cast %swap3A_37 : vector<1x16xf32> to vector<16xf32>
      %swap3A_39 = vector.shape_cast %broadcast_in_dim3A_35 : vector<16xf32> to vector<1x16xf32>
      tpu.vector_store %arg12[%swap3A, %swap3A_36], %swap3A_39 {strides = array<i32>} : memref<80x128xf32, #tpu.memory_space<vmem>>, vector<1x16xf32>,
      %broadcast_in_dim3A_40 = arith.constant 0.000000e+00 : f32
      %broadcast_in_dim3A_41 = vector.broadcast %broadcast_in_dim3A_40 : f32 to vector<16xf32>
      %swap3A_42 = arith.index_cast %scan3A_34 : i32 to index
      %swap3A_43 = arith.constant 16 : index
      %swap3A_44 = tpu.vector_load %arg12[%swap3A_42, %swap3A_43] {strides = array<i32>} : memref<80x128xf32, #tpu.memory_space<vmem>>, vector<1x16xf32>,
      %swap3A_45 = vector.shape_cast %swap3A_44 : vector<1x16xf32> to vector<16xf32>
      %swap3A_46 = vector.shape_cast %broadcast_in_dim3A_41 : vector<16xf32> to vector<1x16xf32>
      tpu.vector_store %arg12[%swap3A_42, %swap3A_43], %swap3A_46 {strides = array<i32>} : memref<80x128xf32, #tpu.memory_space<vmem>>, vector<1x16xf32>,
      %broadcast_in_dim3A_47 = arith.constant 0.000000e+00 : f32
      %broadcast_in_dim3A_48 = vector.broadcast %broadcast_in_dim3A_47 : f32 to vector<16xf32>
      %swap3A_49 = arith.index_cast %scan3A_34 : i32 to index
      %swap3A_50 = arith.constant 32 : index
      %swap3A_51 = tpu.vector_load %arg12[%swap3A_49, %swap3A_50] {strides = array<i32>} : memref<80x128xf32, #tpu.memory_space<vmem>>, vector<1x16xf32>,
      %swap3A_52 = vector.shape_cast %swap3A_51 : vector<1x16xf32> to vector<16xf32>
      %swap3A_53 = vector.shape_cast %broadcast_in_dim3A_48 : vector<16xf32> to vector<1x16xf32>
      tpu.vector_store %arg12[%swap3A_49, %swap3A_50], %swap3A_53 {strides = array<i32>} : memref<80x128xf32, #tpu.memory_space<vmem>>, vector<1x16xf32>,
      %broadcast_in_dim3A_54 = arith.constant 0.000000e+00 : f32
      %broadcast_in_dim3A_55 = vector.broadcast %broadcast_in_dim3A_54 : f32 to vector<16xf32>
      %swap3A_56 = arith.index_cast %scan3A_34 : i32 to index
      %swap3A_57 = arith.constant 48 : index
      %swap3A_58 = tpu.vector_load %arg12[%swap3A_56, %swap3A_57] {strides = array<i32>} : memref<80x128xf32, #tpu.memory_space<vmem>>, vector<1x16xf32>,
      %swap3A_59 = vector.shape_cast %swap3A_58 : vector<1x16xf32> to vector<16xf32>
      %swap3A_60 = vector.shape_cast %broadcast_in_dim3A_55 : vector<16xf32> to vector<1x16xf32>
      tpu.vector_store %arg12[%swap3A_56, %swap3A_57], %swap3A_60 {strides = array<i32>} : memref<80x128xf32, #tpu.memory_space<vmem>>, vector<1x16xf32>,
      %broadcast_in_dim3A_61 = arith.constant 0.000000e+00 : f32
      %broadcast_in_dim3A_62 = vector.broadcast %broadcast_in_dim3A_61 : f32 to vector<16xf32>
      %swap3A_63 = arith.index_cast %scan3A_34 : i32 to index
      %swap3A_64 = arith.constant 64 : index
      %swap3A_65 = tpu.vector_load %arg12[%swap3A_63, %swap3A_64] {strides = array<i32>} : memref<80x128xf32, #tpu.memory_space<vmem>>, vector<1x16xf32>,
      %swap3A_66 = vector.shape_cast %swap3A_65 : vector<1x16xf32> to vector<16xf32>
      %swap3A_67 = vector.shape_cast %broadcast_in_dim3A_62 : vector<16xf32> to vector<1x16xf32>
      tpu.vector_store %arg12[%swap3A_63, %swap3A_64], %swap3A_67 {strides = array<i32>} : memref<80x128xf32, #tpu.memory_space<vmem>>, vector<1x16xf32>,
      %broadcast_in_dim3A_68 = arith.constant 0.000000e+00 : f32
      %broadcast_in_dim3A_69 = vector.broadcast %broadcast_in_dim3A_68 : f32 to vector<16xf32>
      %swap3A_70 = arith.index_cast %scan3A_34 : i32 to index
      %swap3A_71 = arith.constant 80 : index
      %swap3A_72 = tpu.vector_load %arg12[%swap3A_70, %swap3A_71] {strides = array<i32>} : memref<80x128xf32, #tpu.memory_space<vmem>>, vector<1x16xf32>,
      %swap3A_73 = vector.shape_cast %swap3A_72 : vector<1x16xf32> to vector<16xf32>
      %swap3A_74 = vector.shape_cast %broadcast_in_dim3A_69 : vector<16xf32> to vector<1x16xf32>
      tpu.vector_store %arg12[%swap3A_70, %swap3A_71], %swap3A_74 {strides = array<i32>} : memref<80x128xf32, #tpu.memory_space<vmem>>, vector<1x16xf32>,
      %broadcast_in_dim3A_75 = arith.constant 0.000000e+00 : f32
      %broadcast_in_dim3A_76 = vector.broadcast %broadcast_in_dim3A_75 : f32 to vector<16xf32>
      %swap3A_77 = arith.index_cast %scan3A_34 : i32 to index
      %swap3A_78 = arith.constant 96 : index
      %swap3A_79 = tpu.vector_load %arg12[%swap3A_77, %swap3A_78] {strides = array<i32>} : memref<80x128xf32, #tpu.memory_space<vmem>>, vector<1x16xf32>,
      %swap3A_80 = vector.shape_cast %swap3A_79 : vector<1x16xf32> to vector<16xf32>
      %swap3A_81 = vector.shape_cast %broadcast_in_dim3A_76 : vector<16xf32> to vector<1x16xf32>
      tpu.vector_store %arg12[%swap3A_77, %swap3A_78], %swap3A_81 {strides = array<i32>} : memref<80x128xf32, #tpu.memory_space<vmem>>, vector<1x16xf32>,
      %broadcast_in_dim3A_82 = arith.constant 0.000000e+00 : f32
      %broadcast_in_dim3A_83 = vector.broadcast %broadcast_in_dim3A_82 : f32 to vector<16xf32>
      %swap3A_84 = arith.index_cast %scan3A_34 : i32 to index
      %swap3A_85 = arith.constant 112 : index
      %swap3A_86 = tpu.vector_load %arg12[%swap3A_84, %swap3A_85] {strides = array<i32>} : memref<80x128xf32, #tpu.memory_space<vmem>>, vector<1x16xf32>,
      %swap3A_87 = vector.shape_cast %swap3A_86 : vector<1x16xf32> to vector<16xf32>
      %swap3A_88 = vector.shape_cast %broadcast_in_dim3A_83 : vector<16xf32> to vector<1x16xf32>
      tpu.vector_store %arg12[%swap3A_84, %swap3A_85], %swap3A_88 {strides = array<i32>} : memref<80x128xf32, #tpu.memory_space<vmem>>, vector<1x16xf32>,
      %broadcast_in_dim3A_89 = arith.constant 0.000000e+00 : f32
      %broadcast_in_dim3A_90 = vector.broadcast %broadcast_in_dim3A_89 : f32 to vector<16xf32>
      %swap3A_91 = arith.index_cast %scan3A_34 : i32 to index
      %swap3A_92 = arith.constant 64 : index
      %swap3A_93 = tpu.vector_load %arg14[%swap3A_91, %swap3A_92] {strides = array<i32>} : memref<80x128xf32, #tpu.memory_space<vmem>>, vector<1x16xf32>,
      %swap3A_94 = vector.shape_cast %swap3A_93 : vector<1x16xf32> to vector<16xf32>
      %swap3A_95 = vector.shape_cast %broadcast_in_dim3A_90 : vector<16xf32> to vector<1x16xf32>
      tpu.vector_store %arg14[%swap3A_91, %swap3A_92], %swap3A_95 {strides = array<i32>} : memref<80x128xf32, #tpu.memory_space<vmem>>, vector<1x16xf32>,
      %broadcast_in_dim3A_96 = arith.constant 0.000000e+00 : f32
      %broadcast_in_dim3A_97 = vector.broadcast %broadcast_in_dim3A_96 : f32 to vector<16xf32>
      %swap3A_98 = arith.index_cast %scan3A_34 : i32 to index
      %swap3A_99 = arith.constant 64 : index
      %swap3A_100 = tpu.vector_load %arg15[%swap3A_98, %swap3A_99] {strides = array<i32>} : memref<80x128xf32, #tpu.memory_space<vmem>>, vector<1x16xf32>,
      %swap3A_101 = vector.shape_cast %swap3A_100 : vector<1x16xf32> to vector<16xf32>
      %swap3A_102 = vector.shape_cast %broadcast_in_dim3A_97 : vector<16xf32> to vector<1x16xf32>
      tpu.vector_store %arg15[%swap3A_98, %swap3A_99], %swap3A_102 {strides = array<i32>} : memref<80x128xf32, #tpu.memory_space<vmem>>, vector<1x16xf32>,
      %broadcast_in_dim3A_103 = arith.constant 0.000000e+00 : f32
      %broadcast_in_dim3A_104 = vector.broadcast %broadcast_in_dim3A_103 : f32 to vector<16xf32>
      %swap3A_105 = arith.index_cast %scan3A_34 : i32 to index
      %swap3A_106 = arith.constant 80 : index
      %swap3A_107 = tpu.vector_load %arg14[%swap3A_105, %swap3A_106] {strides = array<i32>} : memref<80x128xf32, #tpu.memory_space<vmem>>, vector<1x16xf32>,
      %swap3A_108 = vector.shape_cast %swap3A_107 : vector<1x16xf32> to vector<16xf32>
      %swap3A_109 = vector.shape_cast %broadcast_in_dim3A_104 : vector<16xf32> to vector<1x16xf32>
      tpu.vector_store %arg14[%swap3A_105, %swap3A_106], %swap3A_109 {strides = array<i32>} : memref<80x128xf32, #tpu.memory_space<vmem>>, vector<1x16xf32>,
      %broadcast_in_dim3A_110 = arith.constant 0.000000e+00 : f32
      %broadcast_in_dim3A_111 = vector.broadcast %broadcast_in_dim3A_110 : f32 to vector<16xf32>
      %swap3A_112 = arith.index_cast %scan3A_34 : i32 to index
      %swap3A_113 = arith.constant 80 : index
      %swap3A_114 = tpu.vector_load %arg15[%swap3A_112, %swap3A_113] {strides = array<i32>} : memref<80x128xf32, #tpu.memory_space<vmem>>, vector<1x16xf32>,
      %swap3A_115 = vector.shape_cast %swap3A_114 : vector<1x16xf32> to vector<16xf32>
      %swap3A_116 = vector.shape_cast %broadcast_in_dim3A_111 : vector<16xf32> to vector<1x16xf32>
      tpu.vector_store %arg15[%swap3A_112, %swap3A_113], %swap3A_116 {strides = array<i32>} : memref<80x128xf32, #tpu.memory_space<vmem>>, vector<1x16xf32>,
      %broadcast_in_dim3A_117 = arith.constant 0.000000e+00 : f32
      %broadcast_in_dim3A_118 = vector.broadcast %broadcast_in_dim3A_117 : f32 to vector<16xf32>
      %swap3A_119 = arith.index_cast %scan3A_34 : i32 to index
      %swap3A_120 = arith.constant 96 : index
      %swap3A_121 = tpu.vector_load %arg14[%swap3A_119, %swap3A_120] {strides = array<i32>} : memref<80x128xf32, #tpu.memory_space<vmem>>, vector<1x16xf32>,
      %swap3A_122 = vector.shape_cast %swap3A_121 : vector<1x16xf32> to vector<16xf32>
      %swap3A_123 = vector.shape_cast %broadcast_in_dim3A_118 : vector<16xf32> to vector<1x16xf32>
      tpu.vector_store %arg14[%swap3A_119, %swap3A_120], %swap3A_123 {strides = array<i32>} : memref<80x128xf32, #tpu.memory_space<vmem>>, vector<1x16xf32>,
      %broadcast_in_dim3A_124 = arith.constant 0.000000e+00 : f32
      %broadcast_in_dim3A_125 = vector.broadcast %broadcast_in_dim3A_124 : f32 to vector<16xf32>
      %swap3A_126 = arith.index_cast %scan3A_34 : i32 to index
      %swap3A_127 = arith.constant 96 : index
      %swap3A_128 = tpu.vector_load %arg15[%swap3A_126, %swap3A_127] {strides = array<i32>} : memref<80x128xf32, #tpu.memory_space<vmem>>, vector<1x16xf32>,
      %swap3A_129 = vector.shape_cast %swap3A_128 : vector<1x16xf32> to vector<16xf32>
      %swap3A_130 = vector.shape_cast %broadcast_in_dim3A_125 : vector<16xf32> to vector<1x16xf32>
      tpu.vector_store %arg15[%swap3A_126, %swap3A_127], %swap3A_130 {strides = array<i32>} : memref<80x128xf32, #tpu.memory_space<vmem>>, vector<1x16xf32>,
      %broadcast_in_dim3A_131 = arith.constant 0.000000e+00 : f32
      %broadcast_in_dim3A_132 = vector.broadcast %broadcast_in_dim3A_131 : f32 to vector<16xf32>
      %swap3A_133 = arith.index_cast %scan3A_34 : i32 to index
      %swap3A_134 = arith.constant 112 : index
      %swap3A_135 = tpu.vector_load %arg14[%swap3A_133, %swap3A_134] {strides = array<i32>} : memref<80x128xf32, #tpu.memory_space<vmem>>, vector<1x16xf32>,
      %swap3A_136 = vector.shape_cast %swap3A_135 : vector<1x16xf32> to vector<16xf32>
      %swap3A_137 = vector.shape_cast %broadcast_in_dim3A_132 : vector<16xf32> to vector<1x16xf32>
      tpu.vector_store %arg14[%swap3A_133, %swap3A_134], %swap3A_137 {strides = array<i32>} : memref<80x128xf32, #tpu.memory_space<vmem>>, vector<1x16xf32>,
      %broadcast_in_dim3A_138 = arith.constant 0.000000e+00 : f32
      %broadcast_in_dim3A_139 = vector.broadcast %broadcast_in_dim3A_138 : f32 to vector<16xf32>
      %swap3A_140 = arith.index_cast %scan3A_34 : i32 to index
      %swap3A_141 = arith.constant 112 : index
      %swap3A_142 = tpu.vector_load %arg15[%swap3A_140, %swap3A_141] {strides = array<i32>} : memref<80x128xf32, #tpu.memory_space<vmem>>, vector<1x16xf32>,
      %swap3A_143 = vector.shape_cast %swap3A_142 : vector<1x16xf32> to vector<16xf32>
      %swap3A_144 = vector.shape_cast %broadcast_in_dim3A_139 : vector<16xf32> to vector<1x16xf32>
      tpu.vector_store %arg15[%swap3A_140, %swap3A_141], %swap3A_144 {strides = array<i32>} : memref<80x128xf32, #tpu.memory_space<vmem>>, vector<1x16xf32>,
    }
    %scan3A_5 = arith.constant 80 : i32
    %scan3A_6 = arith.constant 0 : i32
    %scan3A_7 = arith.constant 0 : i32
    %scan3A_8 = arith.constant 79 : i32
    %scan3A_9 = arith.addi %scan3A_7, %scan3A_8 : i32
    %scan3A_10 = arith.constant 1 : i32
    scf.for %scan3A_34 = %scan3A_7 to %scan3A_9 step %scan3A_10  : i32 {
      %mul3A_35 = arith.constant 632 : i32
      %mul3A_36 = arith.muli %arg1, %mul3A_35 : i32
      %mul3A_37 = arith.constant 8 : i32
      %mul3A_38 = arith.muli %scan3A_34, %mul3A_37 : i32
      %add3A_39 = arith.addi %mul3A_36, %mul3A_38 : i32
      "tpu.region"() ({
        %run_scoped3A = tpu.sem_alloc : memref<!tpu.dma_semaphore, #tpu.memory_space<semaphore_mem>>
        %dma_start3A = arith.constant 0 : i32
        %dma_start3A_40 = arith.constant 0 : i32
        %dma_start3A_41 = tpu.memref_slice %arg12[%dma_start3A, %dma_start3A_40] : memref<80x128xf32, #tpu.memory_space<vmem>> -> memref<8x128xf32, #tpu.memory_space<vmem>>
        %dma_start3A_42 = arith.constant 0 : i32
        %dma_start3A_43 = tpu.memref_slice %arg19[%add3A_39, %dma_start3A_42] : memref<10112x128xf32, #tpu.memory_space<vmem_shared>> -> memref<8x128xf32, #tpu.memory_space<vmem_shared>>
        %dma_start3A_44 = arith.constant 0 : i32
        %dma_start3A_45 = tpu.memref_slice %arg19[%add3A_39, %dma_start3A_44] : memref<10112x128xf32, #tpu.memory_space<vmem_shared>> -> memref<8x128xf32, #tpu.memory_space<vmem_shared>>
        %dma_start3A_46 = arith.constant 0 : i32
        %dma_start3A_47 = arith.constant 0 : i32
        %dma_start3A_48 = tpu.memref_slice %arg12[%dma_start3A_46, %dma_start3A_47] : memref<80x128xf32, #tpu.memory_space<vmem>> -> memref<8x128xf32, #tpu.memory_space<vmem>>
        tpu.enqueue_dma source(%dma_start3A_48 : memref<8x128xf32, #tpu.memory_space<vmem>>) target(%dma_start3A_45 : memref<8x128xf32, #tpu.memory_space<vmem_shared>>) target_semaphore(%run_scoped3A : memref<!tpu.dma_semaphore, #tpu.memory_space<semaphore_mem>>)
        %dma_wait3A = arith.constant 0 : i32
        %dma_wait3A_49 = arith.constant 0 : i32
        %dma_wait3A_50 = tpu.memref_slice %arg12[%dma_wait3A, %dma_wait3A_49] : memref<80x128xf32, #tpu.memory_space<vmem>> -> memref<8x128xf32, #tpu.memory_space<vmem>>
        %dma_wait3A_51 = arith.constant 0 : i32
        %dma_wait3A_52 = tpu.memref_slice %arg19[%add3A_39, %dma_wait3A_51] : memref<10112x128xf32, #tpu.memory_space<vmem_shared>> -> memref<8x128xf32, #tpu.memory_space<vmem_shared>>
        %dma_wait3A_53 = arith.constant 0 : i32
        %dma_wait3A_54 = tpu.memref_slice %arg19[%add3A_39, %dma_wait3A_53] : memref<10112x128xf32, #tpu.memory_space<vmem_shared>> -> memref<8x128xf32, #tpu.memory_space<vmem_shared>>
        %dma_wait3A_55 = arith.constant 0 : i32
        %dma_wait3A_56 = arith.constant 0 : i32
        %dma_wait3A_57 = tpu.memref_slice %arg12[%dma_wait3A_55, %dma_wait3A_56] : memref<80x128xf32, #tpu.memory_space<vmem>> -> memref<8x128xf32, #tpu.memory_space<vmem>>
        tpu.wait_dma2 semaphore(%run_scoped3A : memref<!tpu.dma_semaphore, #tpu.memory_space<semaphore_mem>>) src(%dma_wait3A_57 : memref<8x128xf32, #tpu.memory_space<vmem>>) dst(%dma_wait3A_54 : memref<8x128xf32, #tpu.memory_space<vmem_shared>>)
        tpu.yield
      }) : () -> ()
    }
    %scan3A_11 = arith.constant 79 : i32
    "tpu.region"() ({
      %run_scoped3A = tpu.sem_alloc : memref<!tpu.dma_semaphore, #tpu.memory_space<semaphore_mem>>
      tpu.enqueue_dma source(%arg5 : memref<16xf32, #tpu.memory_space<hbm>>) target(%arg16 : memref<16xf32, #tpu.memory_space<vmem>>) target_semaphore(%run_scoped3A : memref<!tpu.dma_semaphore, #tpu.memory_space<semaphore_mem>>)
      tpu.wait_dma2 semaphore(%run_scoped3A : memref<!tpu.dma_semaphore, #tpu.memory_space<semaphore_mem>>) src(%arg5 : memref<16xf32, #tpu.memory_space<hbm>>) dst(%arg16 : memref<16xf32, #tpu.memory_space<vmem>>)
      tpu.yield
    }) : () -> ()
    %get3A = arith.constant 0 : index
    %get3A_12 = tpu.vector_load %arg16[%get3A] {strides = array<i32>} : memref<16xf32, #tpu.memory_space<vmem>>, vector<16xf32>,
    %get3A_13 = vector.shape_cast %get3A_12 : vector<16xf32> to vector<16xf32>
    %barrier3A = arith.constant 0 : index
    tpu.barrier barrier_id(%barrier3A)
    %add3A_14 = arith.constant 0 : i32
    %add3A_15 = arith.addi %add3A, %add3A_14 : i32
    %lt3A = arith.constant 512 : i32
    %lt3A_16 = arith.cmpi slt, %add3A_15, %lt3A : i32
    %convert_element_type3A = arith.extui %lt3A_16 : i1 to i32
    %cond3A = arith.constant 0 : i32
    %cond3A_17 = arith.cmpi ne, %convert_element_type3A, %cond3A : i32
    scf.if %cond3A_17 {
      %mul3A_34 = arith.constant 80 : i32
      %mul3A_35 = arith.muli %add3A_15, %mul3A_34 : i32
      %dma_start3A = tpu.memref_slice %arg3[%mul3A_35] : memref<40960xi32, #tpu.memory_space<hbm>> -> memref<80xi32, #tpu.memory_space<hbm>>
      %dma_start3A_36 = tpu.memref_slice %arg3[%mul3A_35] : memref<40960xi32, #tpu.memory_space<hbm>> -> memref<80xi32, #tpu.memory_space<hbm>>
      tpu.enqueue_dma source(%dma_start3A_36 : memref<80xi32, #tpu.memory_space<hbm>>) target(%arg8 : memref<80xi32, #tpu.memory_space<vmem>>) target_semaphore(%arg17 : memref<!tpu.dma_semaphore, #tpu.memory_space<semaphore_mem>>)
      %dma_start3A_37 = tpu.memref_slice %arg4[%mul3A_35] : memref<40960xi32, #tpu.memory_space<hbm>> -> memref<80xi32, #tpu.memory_space<hbm>>
      %dma_start3A_38 = tpu.memref_slice %arg4[%mul3A_35] : memref<40960xi32, #tpu.memory_space<hbm>> -> memref<80xi32, #tpu.memory_space<hbm>>
      tpu.enqueue_dma source(%dma_start3A_38 : memref<80xi32, #tpu.memory_space<hbm>>) target(%arg10 : memref<80xi32, #tpu.memory_space<vmem>>) target_semaphore(%arg17 : memref<!tpu.dma_semaphore, #tpu.memory_space<semaphore_mem>>)
      %dma_start3A_39 = arith.constant 0 : i32
      %dma_start3A_40 = tpu.memref_slice %arg2[%mul3A_35, %dma_start3A_39] : memref<40960x128xf32, #tpu.memory_space<hbm>> -> memref<80x128xf32, #tpu.memory_space<hbm>>
      %dma_start3A_41 = arith.constant 0 : i32
      %dma_start3A_42 = tpu.memref_slice %arg2[%mul3A_35, %dma_start3A_41] : memref<40960x128xf32, #tpu.memory_space<hbm>> -> memref<80x128xf32, #tpu.memory_space<hbm>>
      tpu.enqueue_dma source(%dma_start3A_42 : memref<80x128xf32, #tpu.memory_space<hbm>>) target(%arg12 : memref<80x128xf32, #tpu.memory_space<vmem>>) target_semaphore(%arg17 : memref<!tpu.dma_semaphore, #tpu.memory_space<semaphore_mem>>)
    } else {
    }
    %scan3A_18 = arith.constant 0 : i32
    %scan3A_19 = arith.constant 0 : i32
    %scan3A_20 = arith.constant 8 : i32
    %scan3A_21 = arith.addi %scan3A_19, %scan3A_20 : i32
    %scan3A_22 = arith.constant 1 : i32
    scf.for %scan3A_34 = %scan3A_19 to %scan3A_21 step %scan3A_22  : i32 {
      %mul3A_35 = arith.constant 2 : i32
      %mul3A_36 = arith.muli %mul3A_35, %scan3A_34 : i32
      %add3A_37 = arith.constant 1 : i32
      %add3A_38 = arith.addi %mul3A_36, %add3A_37 : i32
      %mul3A_39 = arith.constant 32 : i32
      %mul3A_40 = arith.muli %mul3A_39, %add3A_38 : i32
      %add3A_41 = arith.addi %add3A, %mul3A_40 : i32
      %lt3A_42 = arith.constant 512 : i32
      %lt3A_43 = arith.cmpi slt, %add3A_41, %lt3A_42 : i32
      %convert_element_type3A_44 = arith.extui %lt3A_43 : i1 to i32
      %cond3A_45 = arith.constant 0 : i32
      %cond3A_46 = arith.cmpi ne, %convert_element_type3A_44, %cond3A_45 : i32
      scf.if %cond3A_46 {
        %mul3A_75 = arith.constant 80 : i32
        %mul3A_76 = arith.muli %add3A_41, %mul3A_75 : i32
        %dma_start3A = tpu.memref_slice %arg3[%mul3A_76] : memref<40960xi32, #tpu.memory_space<hbm>> -> memref<80xi32, #tpu.memory_space<hbm>>
        %dma_start3A_77 = tpu.memref_slice %arg3[%mul3A_76] : memref<40960xi32, #tpu.memory_space<hbm>> -> memref<80xi32, #tpu.memory_space<hbm>>
        tpu.enqueue_dma source(%dma_start3A_77 : memref<80xi32, #tpu.memory_space<hbm>>) target(%arg9 : memref<80xi32, #tpu.memory_space<vmem>>) target_semaphore(%arg18 : memref<!tpu.dma_semaphore, #tpu.memory_space<semaphore_mem>>)
        %dma_start3A_78 = tpu.memref_slice %arg4[%mul3A_76] : memref<40960xi32, #tpu.memory_space<hbm>> -> memref<80xi32, #tpu.memory_space<hbm>>
        %dma_start3A_79 = tpu.memref_slice %arg4[%mul3A_76] : memref<40960xi32, #tpu.memory_space<hbm>> -> memref<80xi32, #tpu.memory_space<hbm>>
        tpu.enqueue_dma source(%dma_start3A_79 : memref<80xi32, #tpu.memory_space<hbm>>) target(%arg11 : memref<80xi32, #tpu.memory_space<vmem>>) target_semaphore(%arg18 : memref<!tpu.dma_semaphore, #tpu.memory_space<semaphore_mem>>)
        %dma_start3A_80 = arith.constant 0 : i32
        %dma_start3A_81 = tpu.memref_slice %arg2[%mul3A_76, %dma_start3A_80] : memref<40960x128xf32, #tpu.memory_space<hbm>> -> memref<80x128xf32, #tpu.memory_space<hbm>>
        %dma_start3A_82 = arith.constant 0 : i32
        %dma_start3A_83 = tpu.memref_slice %arg2[%mul3A_76, %dma_start3A_82] : memref<40960x128xf32, #tpu.memory_space<hbm>> -> memref<80x128xf32, #tpu.memory_space<hbm>>
        tpu.enqueue_dma source(%dma_start3A_83 : memref<80x128xf32, #tpu.memory_space<hbm>>) target(%arg13 : memref<80x128xf32, #tpu.memory_space<vmem>>) target_semaphore(%arg18 : memref<!tpu.dma_semaphore, #tpu.memory_space<semaphore_mem>>)
      } else {
      }
      %mul3A_47 = arith.constant 32 : i32
      %mul3A_48 = arith.muli %mul3A_47, %mul3A_36 : i32
      %add3A_49 = arith.addi %add3A, %mul3A_48 : i32
      %lt3A_50 = arith.constant 512 : i32
      %lt3A_51 = arith.cmpi slt, %add3A_49, %lt3A_50 : i32
      %convert_element_type3A_52 = arith.extui %lt3A_51 : i1 to i32
      %cond3A_53 = arith.constant 0 : i32
      %cond3A_54 = arith.cmpi ne, %convert_element_type3A_52, %cond3A_53 : i32
      scf.if %cond3A_54 {
        %mul3A_75 = arith.constant 80 : i32
        %mul3A_76 = arith.muli %add3A_49, %mul3A_75 : i32
        %dma_wait3A = tpu.memref_slice %arg3[%mul3A_76] : memref<40960xi32, #tpu.memory_space<hbm>> -> memref<80xi32, #tpu.memory_space<hbm>>
        %dma_wait3A_77 = tpu.memref_slice %arg3[%mul3A_76] : memref<40960xi32, #tpu.memory_space<hbm>> -> memref<80xi32, #tpu.memory_space<hbm>>
        tpu.wait_dma2 semaphore(%arg17 : memref<!tpu.dma_semaphore, #tpu.memory_space<semaphore_mem>>) src(%dma_wait3A_77 : memref<80xi32, #tpu.memory_space<hbm>>) dst(%arg8 : memref<80xi32, #tpu.memory_space<vmem>>)
        %dma_wait3A_78 = tpu.memref_slice %arg4[%mul3A_76] : memref<40960xi32, #tpu.memory_space<hbm>> -> memref<80xi32, #tpu.memory_space<hbm>>
        %dma_wait3A_79 = tpu.memref_slice %arg4[%mul3A_76] : memref<40960xi32, #tpu.memory_space<hbm>> -> memref<80xi32, #tpu.memory_space<hbm>>
        tpu.wait_dma2 semaphore(%arg17 : memref<!tpu.dma_semaphore, #tpu.memory_space<semaphore_mem>>) src(%dma_wait3A_79 : memref<80xi32, #tpu.memory_space<hbm>>) dst(%arg10 : memref<80xi32, #tpu.memory_space<vmem>>)
        %dma_wait3A_80 = arith.constant 0 : i32
        %dma_wait3A_81 = tpu.memref_slice %arg2[%mul3A_76, %dma_wait3A_80] : memref<40960x128xf32, #tpu.memory_space<hbm>> -> memref<80x128xf32, #tpu.memory_space<hbm>>
        %dma_wait3A_82 = arith.constant 0 : i32
        %dma_wait3A_83 = tpu.memref_slice %arg2[%mul3A_76, %dma_wait3A_82] : memref<40960x128xf32, #tpu.memory_space<hbm>> -> memref<80x128xf32, #tpu.memory_space<hbm>>
        tpu.wait_dma2 semaphore(%arg17 : memref<!tpu.dma_semaphore, #tpu.memory_space<semaphore_mem>>) src(%dma_wait3A_83 : memref<80x128xf32, #tpu.memory_space<hbm>>) dst(%arg12 : memref<80x128xf32, #tpu.memory_space<vmem>>)
        %scan3A_84 = arith.constant 0 : i32
        %scan3A_85 = arith.constant 0 : i32
        %scan3A_86 = arith.constant 80 : i32
        %scan3A_87 = arith.addi %scan3A_85, %scan3A_86 : i32
        %scan3A_88 = arith.constant 1 : i32
        scf.for %scan3A_90 = %scan3A_85 to %scan3A_87 step %scan3A_88  : i32 {
          %get3A_91 = arith.index_cast %scan3A_90 : i32 to index
          %get3A_92 = arith.constant 0 : index
          %get3A_93 = tpu.vector_load %arg12[%get3A_91, %get3A_92] {strides = array<i32>} : memref<80x128xf32, #tpu.memory_space<vmem>>, vector<1x16xf32>,
          %get3A_94 = vector.shape_cast %get3A_93 : vector<1x16xf32> to vector<16xf32>
          %sub3A = arith.subf %get3A_94, %get3A_13 : vector<16xf32>
          %exp3A = math.exp %sub3A : vector<16xf32>
          %get3A_95 = arith.index_cast %scan3A_90 : i32 to index
          %get3A_96 = arith.constant 16 : index
          %get3A_97 = tpu.vector_load %arg12[%get3A_95, %get3A_96] {strides = array<i32>} : memref<80x128xf32, #tpu.memory_space<vmem>>, vector<1x16xf32>,
          %get3A_98 = vector.shape_cast %get3A_97 : vector<1x16xf32> to vector<16xf32>
          %sub3A_99 = arith.subf %get3A_98, %get3A_13 : vector<16xf32>
          %exp3A_100 = math.exp %sub3A_99 : vector<16xf32>
          %get3A_101 = arith.index_cast %scan3A_90 : i32 to index
          %get3A_102 = arith.constant 64 : index
          %get3A_103 = tpu.vector_load %arg12[%get3A_101, %get3A_102] {strides = array<i32>} : memref<80x128xf32, #tpu.memory_space<vmem>>, vector<1x16xf32>,
          %get3A_104 = vector.shape_cast %get3A_103 : vector<1x16xf32> to vector<16xf32>
          %sub3A_105 = arith.subf %get3A_104, %get3A_13 : vector<16xf32>
          %exp3A_106 = math.exp %sub3A_105 : vector<16xf32>
          %get3A_107 = arith.index_cast %scan3A_90 : i32 to index
          %get3A_108 = arith.constant 80 : index
          %get3A_109 = tpu.vector_load %arg12[%get3A_107, %get3A_108] {strides = array<i32>} : memref<80x128xf32, #tpu.memory_space<vmem>>, vector<1x16xf32>,
          %get3A_110 = vector.shape_cast %get3A_109 : vector<1x16xf32> to vector<16xf32>
          %sub3A_111 = arith.subf %get3A_110, %get3A_13 : vector<16xf32>
          %exp3A_112 = math.exp %sub3A_111 : vector<16xf32>
          %swap3A = arith.index_cast %scan3A_90 : i32 to index
          %swap3A_113 = arith.constant 0 : index
          %swap3A_114 = tpu.vector_load %arg14[%swap3A, %swap3A_113] {strides = array<i32>} : memref<80x128xf32, #tpu.memory_space<vmem>>, vector<1x16xf32>,
          %swap3A_115 = vector.shape_cast %swap3A_114 : vector<1x16xf32> to vector<16xf32>
          %swap3A_116 = vector.shape_cast %exp3A : vector<16xf32> to vector<1x16xf32>
          tpu.vector_store %arg14[%swap3A, %swap3A_113], %swap3A_116 {strides = array<i32>} : memref<80x128xf32, #tpu.memory_space<vmem>>, vector<1x16xf32>,
          %swap3A_117 = arith.index_cast %scan3A_90 : i32 to index
          %swap3A_118 = arith.constant 16 : index
          %swap3A_119 = tpu.vector_load %arg14[%swap3A_117, %swap3A_118] {strides = array<i32>} : memref<80x128xf32, #tpu.memory_space<vmem>>, vector<1x16xf32>,
          %swap3A_120 = vector.shape_cast %swap3A_119 : vector<1x16xf32> to vector<16xf32>
          %swap3A_121 = vector.shape_cast %exp3A_100 : vector<16xf32> to vector<1x16xf32>
          tpu.vector_store %arg14[%swap3A_117, %swap3A_118], %swap3A_121 {strides = array<i32>} : memref<80x128xf32, #tpu.memory_space<vmem>>, vector<1x16xf32>,
          %get3A_122 = arith.index_cast %scan3A_90 : i32 to index
          %get3A_123 = arith.constant 32 : index
          %get3A_124 = tpu.vector_load %arg12[%get3A_122, %get3A_123] {strides = array<i32>} : memref<80x128xf32, #tpu.memory_space<vmem>>, vector<1x16xf32>,
          %get3A_125 = vector.shape_cast %get3A_124 : vector<1x16xf32> to vector<16xf32>
          %mul3A_126 = arith.mulf %get3A_125, %exp3A : vector<16xf32>
          %swap3A_127 = arith.index_cast %scan3A_90 : i32 to index
          %swap3A_128 = arith.constant 32 : index
          %swap3A_129 = tpu.vector_load %arg14[%swap3A_127, %swap3A_128] {strides = array<i32>} : memref<80x128xf32, #tpu.memory_space<vmem>>, vector<1x16xf32>,
          %swap3A_130 = vector.shape_cast %swap3A_129 : vector<1x16xf32> to vector<16xf32>
          %swap3A_131 = vector.shape_cast %mul3A_126 : vector<16xf32> to vector<1x16xf32>
          tpu.vector_store %arg14[%swap3A_127, %swap3A_128], %swap3A_131 {strides = array<i32>} : memref<80x128xf32, #tpu.memory_space<vmem>>, vector<1x16xf32>,
          %get3A_132 = arith.index_cast %scan3A_90 : i32 to index
          %get3A_133 = arith.constant 48 : index
          %get3A_134 = tpu.vector_load %arg12[%get3A_132, %get3A_133] {strides = array<i32>} : memref<80x128xf32, #tpu.memory_space<vmem>>, vector<1x16xf32>,
          %get3A_135 = vector.shape_cast %get3A_134 : vector<1x16xf32> to vector<16xf32>
          %mul3A_136 = arith.mulf %get3A_135, %exp3A_100 : vector<16xf32>
          %swap3A_137 = arith.index_cast %scan3A_90 : i32 to index
          %swap3A_138 = arith.constant 48 : index
          %swap3A_139 = tpu.vector_load %arg14[%swap3A_137, %swap3A_138] {strides = array<i32>} : memref<80x128xf32, #tpu.memory_space<vmem>>, vector<1x16xf32>,
          %swap3A_140 = vector.shape_cast %swap3A_139 : vector<1x16xf32> to vector<16xf32>
          %swap3A_141 = vector.shape_cast %mul3A_136 : vector<16xf32> to vector<1x16xf32>
          tpu.vector_store %arg14[%swap3A_137, %swap3A_138], %swap3A_141 {strides = array<i32>} : memref<80x128xf32, #tpu.memory_space<vmem>>, vector<1x16xf32>,
          %swap3A_142 = arith.index_cast %scan3A_90 : i32 to index
          %swap3A_143 = arith.constant 0 : index
          %swap3A_144 = tpu.vector_load %arg15[%swap3A_142, %swap3A_143] {strides = array<i32>} : memref<80x128xf32, #tpu.memory_space<vmem>>, vector<1x16xf32>,
          %swap3A_145 = vector.shape_cast %swap3A_144 : vector<1x16xf32> to vector<16xf32>
          %swap3A_146 = vector.shape_cast %exp3A_106 : vector<16xf32> to vector<1x16xf32>
          tpu.vector_store %arg15[%swap3A_142, %swap3A_143], %swap3A_146 {strides = array<i32>} : memref<80x128xf32, #tpu.memory_space<vmem>>, vector<1x16xf32>,
          %swap3A_147 = arith.index_cast %scan3A_90 : i32 to index
          %swap3A_148 = arith.constant 16 : index
          %swap3A_149 = tpu.vector_load %arg15[%swap3A_147, %swap3A_148] {strides = array<i32>} : memref<80x128xf32, #tpu.memory_space<vmem>>, vector<1x16xf32>,
          %swap3A_150 = vector.shape_cast %swap3A_149 : vector<1x16xf32> to vector<16xf32>
          %swap3A_151 = vector.shape_cast %exp3A_112 : vector<16xf32> to vector<1x16xf32>
          tpu.vector_store %arg15[%swap3A_147, %swap3A_148], %swap3A_151 {strides = array<i32>} : memref<80x128xf32, #tpu.memory_space<vmem>>, vector<1x16xf32>,
          %get3A_152 = arith.index_cast %scan3A_90 : i32 to index
          %get3A_153 = arith.constant 96 : index
          %get3A_154 = tpu.vector_load %arg12[%get3A_152, %get3A_153] {strides = array<i32>} : memref<80x128xf32, #tpu.memory_space<vmem>>, vector<1x16xf32>,
          %get3A_155 = vector.shape_cast %get3A_154 : vector<1x16xf32> to vector<16xf32>
          %mul3A_156 = arith.mulf %get3A_155, %exp3A_106 : vector<16xf32>
          %swap3A_157 = arith.index_cast %scan3A_90 : i32 to index
          %swap3A_158 = arith.constant 32 : index
          %swap3A_159 = tpu.vector_load %arg15[%swap3A_157, %swap3A_158] {strides = array<i32>} : memref<80x128xf32, #tpu.memory_space<vmem>>, vector<1x16xf32>,
          %swap3A_160 = vector.shape_cast %swap3A_159 : vector<1x16xf32> to vector<16xf32>
          %swap3A_161 = vector.shape_cast %mul3A_156 : vector<16xf32> to vector<1x16xf32>
          tpu.vector_store %arg15[%swap3A_157, %swap3A_158], %swap3A_161 {strides = array<i32>} : memref<80x128xf32, #tpu.memory_space<vmem>>, vector<1x16xf32>,
          %get3A_162 = arith.index_cast %scan3A_90 : i32 to index
          %get3A_163 = arith.constant 112 : index
          %get3A_164 = tpu.vector_load %arg12[%get3A_162, %get3A_163] {strides = array<i32>} : memref<80x128xf32, #tpu.memory_space<vmem>>, vector<1x16xf32>,
          %get3A_165 = vector.shape_cast %get3A_164 : vector<1x16xf32> to vector<16xf32>
          %mul3A_166 = arith.mulf %get3A_165, %exp3A_112 : vector<16xf32>
          %swap3A_167 = arith.index_cast %scan3A_90 : i32 to index
          %swap3A_168 = arith.constant 48 : index
          %swap3A_169 = tpu.vector_load %arg15[%swap3A_167, %swap3A_168] {strides = array<i32>} : memref<80x128xf32, #tpu.memory_space<vmem>>, vector<1x16xf32>,
          %swap3A_170 = vector.shape_cast %swap3A_169 : vector<1x16xf32> to vector<16xf32>
          %swap3A_171 = vector.shape_cast %mul3A_166 : vector<16xf32> to vector<1x16xf32>
          tpu.vector_store %arg15[%swap3A_167, %swap3A_168], %swap3A_171 {strides = array<i32>} : memref<80x128xf32, #tpu.memory_space<vmem>>, vector<1x16xf32>,
        }
        %scan3A_89 = arith.constant 80 : i32
        "tpu.region"() ({
          %run_scoped3A = tpu.sem_alloc : memref<!tpu.dma_semaphore, #tpu.memory_space<semaphore_mem>>
          %dma_start3A = arith.constant 0 : i32
          %dma_start3A_90 = arith.constant 0 : i32
          %dma_start3A_91 = tpu.memref_slice %arg19[%dma_start3A, %dma_start3A_90] : memref<10112x128xf32, #tpu.memory_space<vmem_shared>> -> memref<10112x128xf32, #tpu.memory_space<vmem_shared>>
          tpu.enqueue_indirect_dma source(%arg14 : memref<80x128xf32, #tpu.memory_space<vmem>>) target(%dma_start3A_91 : memref<10112x128xf32, #tpu.memory_space<vmem_shared>>) offsets(%arg8 : memref<80xi32, #tpu.memory_space<vmem>>) semaphore(%run_scoped3A : memref<!tpu.dma_semaphore, #tpu.memory_space<semaphore_mem>>) {add = true}
          %dma_wait3A_92 = arith.constant 0 : i32
          %dma_wait3A_93 = arith.constant 0 : i32
          %dma_wait3A_94 = tpu.memref_slice %arg19[%dma_wait3A_92, %dma_wait3A_93] : memref<10112x128xf32, #tpu.memory_space<vmem_shared>> -> memref<10112x128xf32, #tpu.memory_space<vmem_shared>>
          tpu.wait_indirect_dma semaphore(%run_scoped3A : memref<!tpu.dma_semaphore, #tpu.memory_space<semaphore_mem>>) src(%arg14 : memref<80x128xf32, #tpu.memory_space<vmem>>) dst(%dma_wait3A_94 : memref<10112x128xf32, #tpu.memory_space<vmem_shared>>)
          tpu.yield
        }) : () -> ()
        "tpu.region"() ({
          %run_scoped3A = tpu.sem_alloc : memref<!tpu.dma_semaphore, #tpu.memory_space<semaphore_mem>>
          %dma_start3A = arith.constant 0 : i32
          %dma_start3A_90 = arith.constant 0 : i32
          %dma_start3A_91 = tpu.memref_slice %arg19[%dma_start3A, %dma_start3A_90] : memref<10112x128xf32, #tpu.memory_space<vmem_shared>> -> memref<10112x128xf32, #tpu.memory_space<vmem_shared>>
          tpu.enqueue_indirect_dma source(%arg15 : memref<80x128xf32, #tpu.memory_space<vmem>>) target(%dma_start3A_91 : memref<10112x128xf32, #tpu.memory_space<vmem_shared>>) offsets(%arg10 : memref<80xi32, #tpu.memory_space<vmem>>) semaphore(%run_scoped3A : memref<!tpu.dma_semaphore, #tpu.memory_space<semaphore_mem>>) {add = true}
          %dma_wait3A_92 = arith.constant 0 : i32
          %dma_wait3A_93 = arith.constant 0 : i32
          %dma_wait3A_94 = tpu.memref_slice %arg19[%dma_wait3A_92, %dma_wait3A_93] : memref<10112x128xf32, #tpu.memory_space<vmem_shared>> -> memref<10112x128xf32, #tpu.memory_space<vmem_shared>>
          tpu.wait_indirect_dma semaphore(%run_scoped3A : memref<!tpu.dma_semaphore, #tpu.memory_space<semaphore_mem>>) src(%arg15 : memref<80x128xf32, #tpu.memory_space<vmem>>) dst(%dma_wait3A_94 : memref<10112x128xf32, #tpu.memory_space<vmem_shared>>)
          tpu.yield
        }) : () -> ()
      } else {
      }
      %add3A_55 = arith.constant 2 : i32
      %add3A_56 = arith.addi %mul3A_36, %add3A_55 : i32
      %mul3A_57 = arith.constant 32 : i32
      %mul3A_58 = arith.muli %mul3A_57, %add3A_56 : i32
      %add3A_59 = arith.addi %add3A, %mul3A_58 : i32
      %lt3A_60 = arith.constant 512 : i32
      %lt3A_61 = arith.cmpi slt, %add3A_59, %lt3A_60 : i32
      %convert_element_type3A_62 = arith.extui %lt3A_61 : i1 to i32
      %cond3A_63 = arith.constant 0 : i32
      %cond3A_64 = arith.cmpi ne, %convert_element_type3A_62, %cond3A_63 : i32
      scf.if %cond3A_64 {
        %mul3A_75 = arith.constant 80 : i32
        %mul3A_76 = arith.muli %add3A_59, %mul3A_75 : i32
        %dma_start3A = tpu.memref_slice %arg3[%mul3A_76] : memref<40960xi32, #tpu.memory_space<hbm>> -> memref<80xi32, #tpu.memory_space<hbm>>
        %dma_start3A_77 = tpu.memref_slice %arg3[%mul3A_76] : memref<40960xi32, #tpu.memory_space<hbm>> -> memref<80xi32, #tpu.memory_space<hbm>>
        tpu.enqueue_dma source(%dma_start3A_77 : memref<80xi32, #tpu.memory_space<hbm>>) target(%arg8 : memref<80xi32, #tpu.memory_space<vmem>>) target_semaphore(%arg17 : memref<!tpu.dma_semaphore, #tpu.memory_space<semaphore_mem>>)
        %dma_start3A_78 = tpu.memref_slice %arg4[%mul3A_76] : memref<40960xi32, #tpu.memory_space<hbm>> -> memref<80xi32, #tpu.memory_space<hbm>>
        %dma_start3A_79 = tpu.memref_slice %arg4[%mul3A_76] : memref<40960xi32, #tpu.memory_space<hbm>> -> memref<80xi32, #tpu.memory_space<hbm>>
        tpu.enqueue_dma source(%dma_start3A_79 : memref<80xi32, #tpu.memory_space<hbm>>) target(%arg10 : memref<80xi32, #tpu.memory_space<vmem>>) target_semaphore(%arg17 : memref<!tpu.dma_semaphore, #tpu.memory_space<semaphore_mem>>)
        %dma_start3A_80 = arith.constant 0 : i32
        %dma_start3A_81 = tpu.memref_slice %arg2[%mul3A_76, %dma_start3A_80] : memref<40960x128xf32, #tpu.memory_space<hbm>> -> memref<80x128xf32, #tpu.memory_space<hbm>>
        %dma_start3A_82 = arith.constant 0 : i32
        %dma_start3A_83 = tpu.memref_slice %arg2[%mul3A_76, %dma_start3A_82] : memref<40960x128xf32, #tpu.memory_space<hbm>> -> memref<80x128xf32, #tpu.memory_space<hbm>>
        tpu.enqueue_dma source(%dma_start3A_83 : memref<80x128xf32, #tpu.memory_space<hbm>>) target(%arg12 : memref<80x128xf32, #tpu.memory_space<vmem>>) target_semaphore(%arg17 : memref<!tpu.dma_semaphore, #tpu.memory_space<semaphore_mem>>)
      } else {
      }
      %add3A_65 = arith.constant 1 : i32
      %add3A_66 = arith.addi %mul3A_36, %add3A_65 : i32
      %mul3A_67 = arith.constant 32 : i32
      %mul3A_68 = arith.muli %mul3A_67, %add3A_66 : i32
      %add3A_69 = arith.addi %add3A, %mul3A_68 : i32
      %lt3A_70 = arith.constant 512 : i32
      %lt3A_71 = arith.cmpi slt, %add3A_69, %lt3A_70 : i32
      %convert_element_type3A_72 = arith.extui %lt3A_71 : i1 to i32
      %cond3A_73 = arith.constant 0 : i32
      %cond3A_74 = arith.cmpi ne, %convert_element_type3A_72, %cond3A_73 : i32
      scf.if %cond3A_74 {
        %mul3A_75 = arith.constant 80 : i32
        %mul3A_76 = arith.muli %add3A_69, %mul3A_75 : i32
        %dma_wait3A = tpu.memref_slice %arg3[%mul3A_76] : memref<40960xi32, #tpu.memory_space<hbm>> -> memref<80xi32, #tpu.memory_space<hbm>>
        %dma_wait3A_77 = tpu.memref_slice %arg3[%mul3A_76] : memref<40960xi32, #tpu.memory_space<hbm>> -> memref<80xi32, #tpu.memory_space<hbm>>
        tpu.wait_dma2 semaphore(%arg18 : memref<!tpu.dma_semaphore, #tpu.memory_space<semaphore_mem>>) src(%dma_wait3A_77 : memref<80xi32, #tpu.memory_space<hbm>>) dst(%arg9 : memref<80xi32, #tpu.memory_space<vmem>>)
        %dma_wait3A_78 = tpu.memref_slice %arg4[%mul3A_76] : memref<40960xi32, #tpu.memory_space<hbm>> -> memref<80xi32, #tpu.memory_space<hbm>>
        %dma_wait3A_79 = tpu.memref_slice %arg4[%mul3A_76] : memref<40960xi32, #tpu.memory_space<hbm>> -> memref<80xi32, #tpu.memory_space<hbm>>
        tpu.wait_dma2 semaphore(%arg18 : memref<!tpu.dma_semaphore, #tpu.memory_space<semaphore_mem>>) src(%dma_wait3A_79 : memref<80xi32, #tpu.memory_space<hbm>>) dst(%arg11 : memref<80xi32, #tpu.memory_space<vmem>>)
        %dma_wait3A_80 = arith.constant 0 : i32
        %dma_wait3A_81 = tpu.memref_slice %arg2[%mul3A_76, %dma_wait3A_80] : memref<40960x128xf32, #tpu.memory_space<hbm>> -> memref<80x128xf32, #tpu.memory_space<hbm>>
        %dma_wait3A_82 = arith.constant 0 : i32
        %dma_wait3A_83 = tpu.memref_slice %arg2[%mul3A_76, %dma_wait3A_82] : memref<40960x128xf32, #tpu.memory_space<hbm>> -> memref<80x128xf32, #tpu.memory_space<hbm>>
        tpu.wait_dma2 semaphore(%arg18 : memref<!tpu.dma_semaphore, #tpu.memory_space<semaphore_mem>>) src(%dma_wait3A_83 : memref<80x128xf32, #tpu.memory_space<hbm>>) dst(%arg13 : memref<80x128xf32, #tpu.memory_space<vmem>>)
        %scan3A_84 = arith.constant 0 : i32
        %scan3A_85 = arith.constant 0 : i32
        %scan3A_86 = arith.constant 80 : i32
        %scan3A_87 = arith.addi %scan3A_85, %scan3A_86 : i32
        %scan3A_88 = arith.constant 1 : i32
        scf.for %scan3A_90 = %scan3A_85 to %scan3A_87 step %scan3A_88  : i32 {
          %get3A_91 = arith.index_cast %scan3A_90 : i32 to index
          %get3A_92 = arith.constant 0 : index
          %get3A_93 = tpu.vector_load %arg13[%get3A_91, %get3A_92] {strides = array<i32>} : memref<80x128xf32, #tpu.memory_space<vmem>>, vector<1x16xf32>,
          %get3A_94 = vector.shape_cast %get3A_93 : vector<1x16xf32> to vector<16xf32>
          %sub3A = arith.subf %get3A_94, %get3A_13 : vector<16xf32>
          %exp3A = math.exp %sub3A : vector<16xf32>
          %get3A_95 = arith.index_cast %scan3A_90 : i32 to index
          %get3A_96 = arith.constant 16 : index
          %get3A_97 = tpu.vector_load %arg13[%get3A_95, %get3A_96] {strides = array<i32>} : memref<80x128xf32, #tpu.memory_space<vmem>>, vector<1x16xf32>,
          %get3A_98 = vector.shape_cast %get3A_97 : vector<1x16xf32> to vector<16xf32>
          %sub3A_99 = arith.subf %get3A_98, %get3A_13 : vector<16xf32>
          %exp3A_100 = math.exp %sub3A_99 : vector<16xf32>
          %get3A_101 = arith.index_cast %scan3A_90 : i32 to index
          %get3A_102 = arith.constant 64 : index
          %get3A_103 = tpu.vector_load %arg13[%get3A_101, %get3A_102] {strides = array<i32>} : memref<80x128xf32, #tpu.memory_space<vmem>>, vector<1x16xf32>,
          %get3A_104 = vector.shape_cast %get3A_103 : vector<1x16xf32> to vector<16xf32>
          %sub3A_105 = arith.subf %get3A_104, %get3A_13 : vector<16xf32>
          %exp3A_106 = math.exp %sub3A_105 : vector<16xf32>
          %get3A_107 = arith.index_cast %scan3A_90 : i32 to index
          %get3A_108 = arith.constant 80 : index
          %get3A_109 = tpu.vector_load %arg13[%get3A_107, %get3A_108] {strides = array<i32>} : memref<80x128xf32, #tpu.memory_space<vmem>>, vector<1x16xf32>,
          %get3A_110 = vector.shape_cast %get3A_109 : vector<1x16xf32> to vector<16xf32>
          %sub3A_111 = arith.subf %get3A_110, %get3A_13 : vector<16xf32>
          %exp3A_112 = math.exp %sub3A_111 : vector<16xf32>
          %swap3A = arith.index_cast %scan3A_90 : i32 to index
          %swap3A_113 = arith.constant 0 : index
          %swap3A_114 = tpu.vector_load %arg14[%swap3A, %swap3A_113] {strides = array<i32>} : memref<80x128xf32, #tpu.memory_space<vmem>>, vector<1x16xf32>,
          %swap3A_115 = vector.shape_cast %swap3A_114 : vector<1x16xf32> to vector<16xf32>
          %swap3A_116 = vector.shape_cast %exp3A : vector<16xf32> to vector<1x16xf32>
          tpu.vector_store %arg14[%swap3A, %swap3A_113], %swap3A_116 {strides = array<i32>} : memref<80x128xf32, #tpu.memory_space<vmem>>, vector<1x16xf32>,
          %swap3A_117 = arith.index_cast %scan3A_90 : i32 to index
          %swap3A_118 = arith.constant 16 : index
          %swap3A_119 = tpu.vector_load %arg14[%swap3A_117, %swap3A_118] {strides = array<i32>} : memref<80x128xf32, #tpu.memory_space<vmem>>, vector<1x16xf32>,
          %swap3A_120 = vector.shape_cast %swap3A_119 : vector<1x16xf32> to vector<16xf32>
          %swap3A_121 = vector.shape_cast %exp3A_100 : vector<16xf32> to vector<1x16xf32>
          tpu.vector_store %arg14[%swap3A_117, %swap3A_118], %swap3A_121 {strides = array<i32>} : memref<80x128xf32, #tpu.memory_space<vmem>>, vector<1x16xf32>,
          %get3A_122 = arith.index_cast %scan3A_90 : i32 to index
          %get3A_123 = arith.constant 32 : index
          %get3A_124 = tpu.vector_load %arg13[%get3A_122, %get3A_123] {strides = array<i32>} : memref<80x128xf32, #tpu.memory_space<vmem>>, vector<1x16xf32>,
          %get3A_125 = vector.shape_cast %get3A_124 : vector<1x16xf32> to vector<16xf32>
          %mul3A_126 = arith.mulf %get3A_125, %exp3A : vector<16xf32>
          %swap3A_127 = arith.index_cast %scan3A_90 : i32 to index
          %swap3A_128 = arith.constant 32 : index
          %swap3A_129 = tpu.vector_load %arg14[%swap3A_127, %swap3A_128] {strides = array<i32>} : memref<80x128xf32, #tpu.memory_space<vmem>>, vector<1x16xf32>,
          %swap3A_130 = vector.shape_cast %swap3A_129 : vector<1x16xf32> to vector<16xf32>
          %swap3A_131 = vector.shape_cast %mul3A_126 : vector<16xf32> to vector<1x16xf32>
          tpu.vector_store %arg14[%swap3A_127, %swap3A_128], %swap3A_131 {strides = array<i32>} : memref<80x128xf32, #tpu.memory_space<vmem>>, vector<1x16xf32>,
          %get3A_132 = arith.index_cast %scan3A_90 : i32 to index
          %get3A_133 = arith.constant 48 : index
          %get3A_134 = tpu.vector_load %arg13[%get3A_132, %get3A_133] {strides = array<i32>} : memref<80x128xf32, #tpu.memory_space<vmem>>, vector<1x16xf32>,
          %get3A_135 = vector.shape_cast %get3A_134 : vector<1x16xf32> to vector<16xf32>
          %mul3A_136 = arith.mulf %get3A_135, %exp3A_100 : vector<16xf32>
          %swap3A_137 = arith.index_cast %scan3A_90 : i32 to index
          %swap3A_138 = arith.constant 48 : index
          %swap3A_139 = tpu.vector_load %arg14[%swap3A_137, %swap3A_138] {strides = array<i32>} : memref<80x128xf32, #tpu.memory_space<vmem>>, vector<1x16xf32>,
          %swap3A_140 = vector.shape_cast %swap3A_139 : vector<1x16xf32> to vector<16xf32>
          %swap3A_141 = vector.shape_cast %mul3A_136 : vector<16xf32> to vector<1x16xf32>
          tpu.vector_store %arg14[%swap3A_137, %swap3A_138], %swap3A_141 {strides = array<i32>} : memref<80x128xf32, #tpu.memory_space<vmem>>, vector<1x16xf32>,
          %swap3A_142 = arith.index_cast %scan3A_90 : i32 to index
          %swap3A_143 = arith.constant 0 : index
          %swap3A_144 = tpu.vector_load %arg15[%swap3A_142, %swap3A_143] {strides = array<i32>} : memref<80x128xf32, #tpu.memory_space<vmem>>, vector<1x16xf32>,
          %swap3A_145 = vector.shape_cast %swap3A_144 : vector<1x16xf32> to vector<16xf32>
          %swap3A_146 = vector.shape_cast %exp3A_106 : vector<16xf32> to vector<1x16xf32>
          tpu.vector_store %arg15[%swap3A_142, %swap3A_143], %swap3A_146 {strides = array<i32>} : memref<80x128xf32, #tpu.memory_space<vmem>>, vector<1x16xf32>,
          %swap3A_147 = arith.index_cast %scan3A_90 : i32 to index
          %swap3A_148 = arith.constant 16 : index
          %swap3A_149 = tpu.vector_load %arg15[%swap3A_147, %swap3A_148] {strides = array<i32>} : memref<80x128xf32, #tpu.memory_space<vmem>>, vector<1x16xf32>,
          %swap3A_150 = vector.shape_cast %swap3A_149 : vector<1x16xf32> to vector<16xf32>
          %swap3A_151 = vector.shape_cast %exp3A_112 : vector<16xf32> to vector<1x16xf32>
          tpu.vector_store %arg15[%swap3A_147, %swap3A_148], %swap3A_151 {strides = array<i32>} : memref<80x128xf32, #tpu.memory_space<vmem>>, vector<1x16xf32>,
          %get3A_152 = arith.index_cast %scan3A_90 : i32 to index
          %get3A_153 = arith.constant 96 : index
          %get3A_154 = tpu.vector_load %arg13[%get3A_152, %get3A_153] {strides = array<i32>} : memref<80x128xf32, #tpu.memory_space<vmem>>, vector<1x16xf32>,
          %get3A_155 = vector.shape_cast %get3A_154 : vector<1x16xf32> to vector<16xf32>
          %mul3A_156 = arith.mulf %get3A_155, %exp3A_106 : vector<16xf32>
          %swap3A_157 = arith.index_cast %scan3A_90 : i32 to index
          %swap3A_158 = arith.constant 32 : index
          %swap3A_159 = tpu.vector_load %arg15[%swap3A_157, %swap3A_158] {strides = array<i32>} : memref<80x128xf32, #tpu.memory_space<vmem>>, vector<1x16xf32>,
          %swap3A_160 = vector.shape_cast %swap3A_159 : vector<1x16xf32> to vector<16xf32>
          %swap3A_161 = vector.shape_cast %mul3A_156 : vector<16xf32> to vector<1x16xf32>
          tpu.vector_store %arg15[%swap3A_157, %swap3A_158], %swap3A_161 {strides = array<i32>} : memref<80x128xf32, #tpu.memory_space<vmem>>, vector<1x16xf32>,
          %get3A_162 = arith.index_cast %scan3A_90 : i32 to index
          %get3A_163 = arith.constant 112 : index
          %get3A_164 = tpu.vector_load %arg13[%get3A_162, %get3A_163] {strides = array<i32>} : memref<80x128xf32, #tpu.memory_space<vmem>>, vector<1x16xf32>,
          %get3A_165 = vector.shape_cast %get3A_164 : vector<1x16xf32> to vector<16xf32>
          %mul3A_166 = arith.mulf %get3A_165, %exp3A_112 : vector<16xf32>
          %swap3A_167 = arith.index_cast %scan3A_90 : i32 to index
          %swap3A_168 = arith.constant 48 : index
          %swap3A_169 = tpu.vector_load %arg15[%swap3A_167, %swap3A_168] {strides = array<i32>} : memref<80x128xf32, #tpu.memory_space<vmem>>, vector<1x16xf32>,
          %swap3A_170 = vector.shape_cast %swap3A_169 : vector<1x16xf32> to vector<16xf32>
          %swap3A_171 = vector.shape_cast %mul3A_166 : vector<16xf32> to vector<1x16xf32>
          tpu.vector_store %arg15[%swap3A_167, %swap3A_168], %swap3A_171 {strides = array<i32>} : memref<80x128xf32, #tpu.memory_space<vmem>>, vector<1x16xf32>,
        }
        %scan3A_89 = arith.constant 80 : i32
        "tpu.region"() ({
          %run_scoped3A = tpu.sem_alloc : memref<!tpu.dma_semaphore, #tpu.memory_space<semaphore_mem>>
          %dma_start3A = arith.constant 0 : i32
          %dma_start3A_90 = arith.constant 0 : i32
          %dma_start3A_91 = tpu.memref_slice %arg19[%dma_start3A, %dma_start3A_90] : memref<10112x128xf32, #tpu.memory_space<vmem_shared>> -> memref<10112x128xf32, #tpu.memory_space<vmem_shared>>
          tpu.enqueue_indirect_dma source(%arg14 : memref<80x128xf32, #tpu.memory_space<vmem>>) target(%dma_start3A_91 : memref<10112x128xf32, #tpu.memory_space<vmem_shared>>) offsets(%arg9 : memref<80xi32, #tpu.memory_space<vmem>>) semaphore(%run_scoped3A : memref<!tpu.dma_semaphore, #tpu.memory_space<semaphore_mem>>) {add = true}
          %dma_wait3A_92 = arith.constant 0 : i32
          %dma_wait3A_93 = arith.constant 0 : i32
          %dma_wait3A_94 = tpu.memref_slice %arg19[%dma_wait3A_92, %dma_wait3A_93] : memref<10112x128xf32, #tpu.memory_space<vmem_shared>> -> memref<10112x128xf32, #tpu.memory_space<vmem_shared>>
          tpu.wait_indirect_dma semaphore(%run_scoped3A : memref<!tpu.dma_semaphore, #tpu.memory_space<semaphore_mem>>) src(%arg14 : memref<80x128xf32, #tpu.memory_space<vmem>>) dst(%dma_wait3A_94 : memref<10112x128xf32, #tpu.memory_space<vmem_shared>>)
          tpu.yield
        }) : () -> ()
        "tpu.region"() ({
          %run_scoped3A = tpu.sem_alloc : memref<!tpu.dma_semaphore, #tpu.memory_space<semaphore_mem>>
          %dma_start3A = arith.constant 0 : i32
          %dma_start3A_90 = arith.constant 0 : i32
          %dma_start3A_91 = tpu.memref_slice %arg19[%dma_start3A, %dma_start3A_90] : memref<10112x128xf32, #tpu.memory_space<vmem_shared>> -> memref<10112x128xf32, #tpu.memory_space<vmem_shared>>
          tpu.enqueue_indirect_dma source(%arg15 : memref<80x128xf32, #tpu.memory_space<vmem>>) target(%dma_start3A_91 : memref<10112x128xf32, #tpu.memory_space<vmem_shared>>) offsets(%arg11 : memref<80xi32, #tpu.memory_space<vmem>>) semaphore(%run_scoped3A : memref<!tpu.dma_semaphore, #tpu.memory_space<semaphore_mem>>) {add = true}
          %dma_wait3A_92 = arith.constant 0 : i32
          %dma_wait3A_93 = arith.constant 0 : i32
          %dma_wait3A_94 = tpu.memref_slice %arg19[%dma_wait3A_92, %dma_wait3A_93] : memref<10112x128xf32, #tpu.memory_space<vmem_shared>> -> memref<10112x128xf32, #tpu.memory_space<vmem_shared>>
          tpu.wait_indirect_dma semaphore(%run_scoped3A : memref<!tpu.dma_semaphore, #tpu.memory_space<semaphore_mem>>) src(%arg15 : memref<80x128xf32, #tpu.memory_space<vmem>>) dst(%dma_wait3A_94 : memref<10112x128xf32, #tpu.memory_space<vmem_shared>>)
          tpu.yield
        }) : () -> ()
      } else {
      }
    }
    %scan3A_23 = arith.constant 8 : i32
    %barrier3A_24 = arith.constant 0 : index
    tpu.barrier barrier_id(%barrier3A_24)
    %eq3A = arith.constant 0 : i32
    %eq3A_25 = arith.cmpi eq, %arg0, %eq3A : i32
    %convert_element_type3A_26 = arith.extui %eq3A_25 : i1 to i32
    %cond3A_27 = arith.constant 0 : i32
    %cond3A_28 = arith.cmpi ne, %convert_element_type3A_26, %cond3A_27 : i32
    scf.if %cond3A_28 {
      %mul3A_34 = arith.constant 632 : i32
      %mul3A_35 = arith.muli %arg1, %mul3A_34 : i32
      %mul3A_36 = arith.constant 632 : i32
      %mul3A_37 = arith.muli %arg1, %mul3A_36 : i32
      "tpu.region"() ({
        %run_scoped3A = tpu.sem_alloc : memref<!tpu.dma_semaphore, #tpu.memory_space<semaphore_mem>>
        %dma_start3A = arith.constant 0 : i32
        %dma_start3A_38 = tpu.memref_slice %arg6[%mul3A_37, %dma_start3A] : memref<10112x128xf32, #tpu.memory_space<hbm>> -> memref<632x128xf32, #tpu.memory_space<hbm>>
        %dma_start3A_39 = arith.constant 0 : i32
        %dma_start3A_40 = tpu.memref_slice %arg19[%mul3A_35, %dma_start3A_39] : memref<10112x128xf32, #tpu.memory_space<vmem_shared>> -> memref<632x128xf32, #tpu.memory_space<vmem_shared>>
        tpu.enqueue_dma source(%dma_start3A_40 : memref<632x128xf32, #tpu.memory_space<vmem_shared>>) target(%dma_start3A_38 : memref<632x128xf32, #tpu.memory_space<hbm>>) target_semaphore(%run_scoped3A : memref<!tpu.dma_semaphore, #tpu.memory_space<semaphore_mem>>)
        %dma_wait3A = arith.constant 0 : i32
        %dma_wait3A_41 = tpu.memref_slice %arg6[%mul3A_37, %dma_wait3A] : memref<10112x128xf32, #tpu.memory_space<hbm>> -> memref<632x128xf32, #tpu.memory_space<hbm>>
        %dma_wait3A_42 = arith.constant 0 : i32
        %dma_wait3A_43 = tpu.memref_slice %arg19[%mul3A_35, %dma_wait3A_42] : memref<10112x128xf32, #tpu.memory_space<vmem_shared>> -> memref<632x128xf32, #tpu.memory_space<vmem_shared>>
        tpu.wait_dma2 semaphore(%run_scoped3A : memref<!tpu.dma_semaphore, #tpu.memory_space<semaphore_mem>>) src(%dma_wait3A_43 : memref<632x128xf32, #tpu.memory_space<vmem_shared>>) dst(%dma_wait3A_41 : memref<632x128xf32, #tpu.memory_space<hbm>>)
        tpu.yield
      }) : () -> ()
    } else {
    }
    %eq3A_29 = arith.constant 1 : i32
    %eq3A_30 = arith.cmpi eq, %arg0, %eq3A_29 : i32
    %convert_element_type3A_31 = arith.extui %eq3A_30 : i1 to i32
    %cond3A_32 = arith.constant 0 : i32
    %cond3A_33 = arith.cmpi ne, %convert_element_type3A_31, %cond3A_32 : i32
    scf.if %cond3A_33 {
      %mul3A_34 = arith.constant 632 : i32
      %mul3A_35 = arith.muli %arg1, %mul3A_34 : i32
      %mul3A_36 = arith.constant 632 : i32
      %mul3A_37 = arith.muli %arg1, %mul3A_36 : i32
      "tpu.region"() ({
        %run_scoped3A = tpu.sem_alloc : memref<!tpu.dma_semaphore, #tpu.memory_space<semaphore_mem>>
        %dma_start3A = arith.constant 0 : i32
        %dma_start3A_38 = tpu.memref_slice %arg7[%mul3A_37, %dma_start3A] : memref<10112x128xf32, #tpu.memory_space<hbm>> -> memref<632x128xf32, #tpu.memory_space<hbm>>
        %dma_start3A_39 = arith.constant 0 : i32
        %dma_start3A_40 = tpu.memref_slice %arg19[%mul3A_35, %dma_start3A_39] : memref<10112x128xf32, #tpu.memory_space<vmem_shared>> -> memref<632x128xf32, #tpu.memory_space<vmem_shared>>
        tpu.enqueue_dma source(%dma_start3A_40 : memref<632x128xf32, #tpu.memory_space<vmem_shared>>) target(%dma_start3A_38 : memref<632x128xf32, #tpu.memory_space<hbm>>) target_semaphore(%run_scoped3A : memref<!tpu.dma_semaphore, #tpu.memory_space<semaphore_mem>>)
        %dma_wait3A = arith.constant 0 : i32
        %dma_wait3A_41 = tpu.memref_slice %arg7[%mul3A_37, %dma_wait3A] : memref<10112x128xf32, #tpu.memory_space<hbm>> -> memref<632x128xf32, #tpu.memory_space<hbm>>
        %dma_wait3A_42 = arith.constant 0 : i32
        %dma_wait3A_43 = tpu.memref_slice %arg19[%mul3A_35, %dma_wait3A_42] : memref<10112x128xf32, #tpu.memory_space<vmem_shared>> -> memref<632x128xf32, #tpu.memory_space<vmem_shared>>
        tpu.wait_dma2 semaphore(%run_scoped3A : memref<!tpu.dma_semaphore, #tpu.memory_space<semaphore_mem>>) src(%dma_wait3A_43 : memref<632x128xf32, #tpu.memory_space<vmem_shared>>) dst(%dma_wait3A_41 : memref<632x128xf32, #tpu.memory_space<hbm>>)
        tpu.yield
      }) : () -> ()
    } else {
    }
    return
  }
}

#map = affine_map<(d0, d1) -> (0, 0)>
#map1 = affine_map<(d0, d1) -> (0)>
module attributes {stable_mosaic.version = 14 : i64} {
  func.func @_scatter(%arg0: i32, %arg1: i32, %arg2: memref<39040x128xf32, #tpu.memory_space<hbm>>, %arg3: memref<39040xi32, #tpu.memory_space<hbm>>, %arg4: memref<39040xi32, #tpu.memory_space<hbm>>, %arg5: memref<16xf32, #tpu.memory_space<hbm>>, %arg6: memref<10112x128xf32, #tpu.memory_space<hbm>>, %arg7: memref<10112x128xf32, #tpu.memory_space<hbm>>, %arg8: memref<80xi32, #tpu.memory_space<vmem>>, %arg9: memref<80xi32, #tpu.memory_space<vmem>>, %arg10: memref<80xi32, #tpu.memory_space<vmem>>, %arg11: memref<80xi32, #tpu.memory_space<vmem>>, %arg12: memref<80x128xf32, #tpu.memory_space<vmem>>, %arg13: memref<80x128xf32, #tpu.memory_space<vmem>>, %arg14: memref<80x128xf32, #tpu.memory_space<vmem>>, %arg15: memref<80x128xf32, #tpu.memory_space<vmem>>, %arg16: memref<16xf32, #tpu.memory_space<vmem>>, %arg17: memref<!tpu.dma_semaphore, #tpu.memory_space<semaphore_mem>>, %arg18: memref<!tpu.dma_semaphore, #tpu.memory_space<semaphore_mem>>, %arg19: memref<10112x128xf32, #tpu.memory_space<vmem_shared>>) attributes {dimension_semantics = [#tpu.dimension_semantics<core_parallel>, #tpu.dimension_semantics<subcore_parallel>], iteration_bounds = array<i64: 2, 16>, scalar_prefetch = 0 : i64, scratch_operands = 12 : i64, tpu.core_type = #tpu.core_type<sc_vector_subcore>, window_params = [{transform_indices = #map}, {transform_indices = #map1}, {transform_indices = #map1}, {transform_indices = #map1}, {transform_indices = #map}, {transform_indices = #map}]} {
    %mul3A = arith.constant 2 : i32
    %mul3A_0 = arith.muli %arg1, %mul3A : i32
    %add3A = arith.addi %mul3A_0, %arg0 : i32
    %scan3A = arith.constant 0 : i32
    %scan3A_1 = arith.constant 0 : i32
    %scan3A_2 = arith.constant 80 : i32
    %scan3A_3 = arith.addi %scan3A_1, %scan3A_2 : i32
    %scan3A_4 = arith.constant 1 : i32
    scf.for %scan3A_34 = %scan3A_1 to %scan3A_3 step %scan3A_4  : i32 {
      %broadcast_in_dim3A = arith.constant 0.000000e+00 : f32
      %broadcast_in_dim3A_35 = vector.broadcast %broadcast_in_dim3A : f32 to vector<16xf32>
      %swap3A = arith.index_cast %scan3A_34 : i32 to index
      %swap3A_36 = arith.constant 0 : index
      %swap3A_37 = tpu.vector_load %arg12[%swap3A, %swap3A_36] {strides = array<i32>} : memref<80x128xf32, #tpu.memory_space<vmem>>, vector<1x16xf32>,
      %swap3A_38 = vector.shape_cast %swap3A_37 : vector<1x16xf32> to vector<16xf32>
      %swap3A_39 = vector.shape_cast %broadcast_in_dim3A_35 : vector<16xf32> to vector<1x16xf32>
      tpu.vector_store %arg12[%swap3A, %swap3A_36], %swap3A_39 {strides = array<i32>} : memref<80x128xf32, #tpu.memory_space<vmem>>, vector<1x16xf32>,
      %broadcast_in_dim3A_40 = arith.constant 0.000000e+00 : f32
      %broadcast_in_dim3A_41 = vector.broadcast %broadcast_in_dim3A_40 : f32 to vector<16xf32>
      %swap3A_42 = arith.index_cast %scan3A_34 : i32 to index
      %swap3A_43 = arith.constant 16 : index
      %swap3A_44 = tpu.vector_load %arg12[%swap3A_42, %swap3A_43] {strides = array<i32>} : memref<80x128xf32, #tpu.memory_space<vmem>>, vector<1x16xf32>,
      %swap3A_45 = vector.shape_cast %swap3A_44 : vector<1x16xf32> to vector<16xf32>
      %swap3A_46 = vector.shape_cast %broadcast_in_dim3A_41 : vector<16xf32> to vector<1x16xf32>
      tpu.vector_store %arg12[%swap3A_42, %swap3A_43], %swap3A_46 {strides = array<i32>} : memref<80x128xf32, #tpu.memory_space<vmem>>, vector<1x16xf32>,
      %broadcast_in_dim3A_47 = arith.constant 0.000000e+00 : f32
      %broadcast_in_dim3A_48 = vector.broadcast %broadcast_in_dim3A_47 : f32 to vector<16xf32>
      %swap3A_49 = arith.index_cast %scan3A_34 : i32 to index
      %swap3A_50 = arith.constant 32 : index
      %swap3A_51 = tpu.vector_load %arg12[%swap3A_49, %swap3A_50] {strides = array<i32>} : memref<80x128xf32, #tpu.memory_space<vmem>>, vector<1x16xf32>,
      %swap3A_52 = vector.shape_cast %swap3A_51 : vector<1x16xf32> to vector<16xf32>
      %swap3A_53 = vector.shape_cast %broadcast_in_dim3A_48 : vector<16xf32> to vector<1x16xf32>
      tpu.vector_store %arg12[%swap3A_49, %swap3A_50], %swap3A_53 {strides = array<i32>} : memref<80x128xf32, #tpu.memory_space<vmem>>, vector<1x16xf32>,
      %broadcast_in_dim3A_54 = arith.constant 0.000000e+00 : f32
      %broadcast_in_dim3A_55 = vector.broadcast %broadcast_in_dim3A_54 : f32 to vector<16xf32>
      %swap3A_56 = arith.index_cast %scan3A_34 : i32 to index
      %swap3A_57 = arith.constant 48 : index
      %swap3A_58 = tpu.vector_load %arg12[%swap3A_56, %swap3A_57] {strides = array<i32>} : memref<80x128xf32, #tpu.memory_space<vmem>>, vector<1x16xf32>,
      %swap3A_59 = vector.shape_cast %swap3A_58 : vector<1x16xf32> to vector<16xf32>
      %swap3A_60 = vector.shape_cast %broadcast_in_dim3A_55 : vector<16xf32> to vector<1x16xf32>
      tpu.vector_store %arg12[%swap3A_56, %swap3A_57], %swap3A_60 {strides = array<i32>} : memref<80x128xf32, #tpu.memory_space<vmem>>, vector<1x16xf32>,
      %broadcast_in_dim3A_61 = arith.constant 0.000000e+00 : f32
      %broadcast_in_dim3A_62 = vector.broadcast %broadcast_in_dim3A_61 : f32 to vector<16xf32>
      %swap3A_63 = arith.index_cast %scan3A_34 : i32 to index
      %swap3A_64 = arith.constant 64 : index
      %swap3A_65 = tpu.vector_load %arg12[%swap3A_63, %swap3A_64] {strides = array<i32>} : memref<80x128xf32, #tpu.memory_space<vmem>>, vector<1x16xf32>,
      %swap3A_66 = vector.shape_cast %swap3A_65 : vector<1x16xf32> to vector<16xf32>
      %swap3A_67 = vector.shape_cast %broadcast_in_dim3A_62 : vector<16xf32> to vector<1x16xf32>
      tpu.vector_store %arg12[%swap3A_63, %swap3A_64], %swap3A_67 {strides = array<i32>} : memref<80x128xf32, #tpu.memory_space<vmem>>, vector<1x16xf32>,
      %broadcast_in_dim3A_68 = arith.constant 0.000000e+00 : f32
      %broadcast_in_dim3A_69 = vector.broadcast %broadcast_in_dim3A_68 : f32 to vector<16xf32>
      %swap3A_70 = arith.index_cast %scan3A_34 : i32 to index
      %swap3A_71 = arith.constant 80 : index
      %swap3A_72 = tpu.vector_load %arg12[%swap3A_70, %swap3A_71] {strides = array<i32>} : memref<80x128xf32, #tpu.memory_space<vmem>>, vector<1x16xf32>,
      %swap3A_73 = vector.shape_cast %swap3A_72 : vector<1x16xf32> to vector<16xf32>
      %swap3A_74 = vector.shape_cast %broadcast_in_dim3A_69 : vector<16xf32> to vector<1x16xf32>
      tpu.vector_store %arg12[%swap3A_70, %swap3A_71], %swap3A_74 {strides = array<i32>} : memref<80x128xf32, #tpu.memory_space<vmem>>, vector<1x16xf32>,
      %broadcast_in_dim3A_75 = arith.constant 0.000000e+00 : f32
      %broadcast_in_dim3A_76 = vector.broadcast %broadcast_in_dim3A_75 : f32 to vector<16xf32>
      %swap3A_77 = arith.index_cast %scan3A_34 : i32 to index
      %swap3A_78 = arith.constant 96 : index
      %swap3A_79 = tpu.vector_load %arg12[%swap3A_77, %swap3A_78] {strides = array<i32>} : memref<80x128xf32, #tpu.memory_space<vmem>>, vector<1x16xf32>,
      %swap3A_80 = vector.shape_cast %swap3A_79 : vector<1x16xf32> to vector<16xf32>
      %swap3A_81 = vector.shape_cast %broadcast_in_dim3A_76 : vector<16xf32> to vector<1x16xf32>
      tpu.vector_store %arg12[%swap3A_77, %swap3A_78], %swap3A_81 {strides = array<i32>} : memref<80x128xf32, #tpu.memory_space<vmem>>, vector<1x16xf32>,
      %broadcast_in_dim3A_82 = arith.constant 0.000000e+00 : f32
      %broadcast_in_dim3A_83 = vector.broadcast %broadcast_in_dim3A_82 : f32 to vector<16xf32>
      %swap3A_84 = arith.index_cast %scan3A_34 : i32 to index
      %swap3A_85 = arith.constant 112 : index
      %swap3A_86 = tpu.vector_load %arg12[%swap3A_84, %swap3A_85] {strides = array<i32>} : memref<80x128xf32, #tpu.memory_space<vmem>>, vector<1x16xf32>,
      %swap3A_87 = vector.shape_cast %swap3A_86 : vector<1x16xf32> to vector<16xf32>
      %swap3A_88 = vector.shape_cast %broadcast_in_dim3A_83 : vector<16xf32> to vector<1x16xf32>
      tpu.vector_store %arg12[%swap3A_84, %swap3A_85], %swap3A_88 {strides = array<i32>} : memref<80x128xf32, #tpu.memory_space<vmem>>, vector<1x16xf32>,
      %broadcast_in_dim3A_89 = arith.constant 0.000000e+00 : f32
      %broadcast_in_dim3A_90 = vector.broadcast %broadcast_in_dim3A_89 : f32 to vector<16xf32>
      %swap3A_91 = arith.index_cast %scan3A_34 : i32 to index
      %swap3A_92 = arith.constant 64 : index
      %swap3A_93 = tpu.vector_load %arg14[%swap3A_91, %swap3A_92] {strides = array<i32>} : memref<80x128xf32, #tpu.memory_space<vmem>>, vector<1x16xf32>,
      %swap3A_94 = vector.shape_cast %swap3A_93 : vector<1x16xf32> to vector<16xf32>
      %swap3A_95 = vector.shape_cast %broadcast_in_dim3A_90 : vector<16xf32> to vector<1x16xf32>
      tpu.vector_store %arg14[%swap3A_91, %swap3A_92], %swap3A_95 {strides = array<i32>} : memref<80x128xf32, #tpu.memory_space<vmem>>, vector<1x16xf32>,
      %broadcast_in_dim3A_96 = arith.constant 0.000000e+00 : f32
      %broadcast_in_dim3A_97 = vector.broadcast %broadcast_in_dim3A_96 : f32 to vector<16xf32>
      %swap3A_98 = arith.index_cast %scan3A_34 : i32 to index
      %swap3A_99 = arith.constant 64 : index
      %swap3A_100 = tpu.vector_load %arg15[%swap3A_98, %swap3A_99] {strides = array<i32>} : memref<80x128xf32, #tpu.memory_space<vmem>>, vector<1x16xf32>,
      %swap3A_101 = vector.shape_cast %swap3A_100 : vector<1x16xf32> to vector<16xf32>
      %swap3A_102 = vector.shape_cast %broadcast_in_dim3A_97 : vector<16xf32> to vector<1x16xf32>
      tpu.vector_store %arg15[%swap3A_98, %swap3A_99], %swap3A_102 {strides = array<i32>} : memref<80x128xf32, #tpu.memory_space<vmem>>, vector<1x16xf32>,
      %broadcast_in_dim3A_103 = arith.constant 0.000000e+00 : f32
      %broadcast_in_dim3A_104 = vector.broadcast %broadcast_in_dim3A_103 : f32 to vector<16xf32>
      %swap3A_105 = arith.index_cast %scan3A_34 : i32 to index
      %swap3A_106 = arith.constant 80 : index
      %swap3A_107 = tpu.vector_load %arg14[%swap3A_105, %swap3A_106] {strides = array<i32>} : memref<80x128xf32, #tpu.memory_space<vmem>>, vector<1x16xf32>,
      %swap3A_108 = vector.shape_cast %swap3A_107 : vector<1x16xf32> to vector<16xf32>
      %swap3A_109 = vector.shape_cast %broadcast_in_dim3A_104 : vector<16xf32> to vector<1x16xf32>
      tpu.vector_store %arg14[%swap3A_105, %swap3A_106], %swap3A_109 {strides = array<i32>} : memref<80x128xf32, #tpu.memory_space<vmem>>, vector<1x16xf32>,
      %broadcast_in_dim3A_110 = arith.constant 0.000000e+00 : f32
      %broadcast_in_dim3A_111 = vector.broadcast %broadcast_in_dim3A_110 : f32 to vector<16xf32>
      %swap3A_112 = arith.index_cast %scan3A_34 : i32 to index
      %swap3A_113 = arith.constant 80 : index
      %swap3A_114 = tpu.vector_load %arg15[%swap3A_112, %swap3A_113] {strides = array<i32>} : memref<80x128xf32, #tpu.memory_space<vmem>>, vector<1x16xf32>,
      %swap3A_115 = vector.shape_cast %swap3A_114 : vector<1x16xf32> to vector<16xf32>
      %swap3A_116 = vector.shape_cast %broadcast_in_dim3A_111 : vector<16xf32> to vector<1x16xf32>
      tpu.vector_store %arg15[%swap3A_112, %swap3A_113], %swap3A_116 {strides = array<i32>} : memref<80x128xf32, #tpu.memory_space<vmem>>, vector<1x16xf32>,
      %broadcast_in_dim3A_117 = arith.constant 0.000000e+00 : f32
      %broadcast_in_dim3A_118 = vector.broadcast %broadcast_in_dim3A_117 : f32 to vector<16xf32>
      %swap3A_119 = arith.index_cast %scan3A_34 : i32 to index
      %swap3A_120 = arith.constant 96 : index
      %swap3A_121 = tpu.vector_load %arg14[%swap3A_119, %swap3A_120] {strides = array<i32>} : memref<80x128xf32, #tpu.memory_space<vmem>>, vector<1x16xf32>,
      %swap3A_122 = vector.shape_cast %swap3A_121 : vector<1x16xf32> to vector<16xf32>
      %swap3A_123 = vector.shape_cast %broadcast_in_dim3A_118 : vector<16xf32> to vector<1x16xf32>
      tpu.vector_store %arg14[%swap3A_119, %swap3A_120], %swap3A_123 {strides = array<i32>} : memref<80x128xf32, #tpu.memory_space<vmem>>, vector<1x16xf32>,
      %broadcast_in_dim3A_124 = arith.constant 0.000000e+00 : f32
      %broadcast_in_dim3A_125 = vector.broadcast %broadcast_in_dim3A_124 : f32 to vector<16xf32>
      %swap3A_126 = arith.index_cast %scan3A_34 : i32 to index
      %swap3A_127 = arith.constant 96 : index
      %swap3A_128 = tpu.vector_load %arg15[%swap3A_126, %swap3A_127] {strides = array<i32>} : memref<80x128xf32, #tpu.memory_space<vmem>>, vector<1x16xf32>,
      %swap3A_129 = vector.shape_cast %swap3A_128 : vector<1x16xf32> to vector<16xf32>
      %swap3A_130 = vector.shape_cast %broadcast_in_dim3A_125 : vector<16xf32> to vector<1x16xf32>
      tpu.vector_store %arg15[%swap3A_126, %swap3A_127], %swap3A_130 {strides = array<i32>} : memref<80x128xf32, #tpu.memory_space<vmem>>, vector<1x16xf32>,
      %broadcast_in_dim3A_131 = arith.constant 0.000000e+00 : f32
      %broadcast_in_dim3A_132 = vector.broadcast %broadcast_in_dim3A_131 : f32 to vector<16xf32>
      %swap3A_133 = arith.index_cast %scan3A_34 : i32 to index
      %swap3A_134 = arith.constant 112 : index
      %swap3A_135 = tpu.vector_load %arg14[%swap3A_133, %swap3A_134] {strides = array<i32>} : memref<80x128xf32, #tpu.memory_space<vmem>>, vector<1x16xf32>,
      %swap3A_136 = vector.shape_cast %swap3A_135 : vector<1x16xf32> to vector<16xf32>
      %swap3A_137 = vector.shape_cast %broadcast_in_dim3A_132 : vector<16xf32> to vector<1x16xf32>
      tpu.vector_store %arg14[%swap3A_133, %swap3A_134], %swap3A_137 {strides = array<i32>} : memref<80x128xf32, #tpu.memory_space<vmem>>, vector<1x16xf32>,
      %broadcast_in_dim3A_138 = arith.constant 0.000000e+00 : f32
      %broadcast_in_dim3A_139 = vector.broadcast %broadcast_in_dim3A_138 : f32 to vector<16xf32>
      %swap3A_140 = arith.index_cast %scan3A_34 : i32 to index
      %swap3A_141 = arith.constant 112 : index
      %swap3A_142 = tpu.vector_load %arg15[%swap3A_140, %swap3A_141] {strides = array<i32>} : memref<80x128xf32, #tpu.memory_space<vmem>>, vector<1x16xf32>,
      %swap3A_143 = vector.shape_cast %swap3A_142 : vector<1x16xf32> to vector<16xf32>
      %swap3A_144 = vector.shape_cast %broadcast_in_dim3A_139 : vector<16xf32> to vector<1x16xf32>
      tpu.vector_store %arg15[%swap3A_140, %swap3A_141], %swap3A_144 {strides = array<i32>} : memref<80x128xf32, #tpu.memory_space<vmem>>, vector<1x16xf32>,
    }
    %scan3A_5 = arith.constant 80 : i32
    %scan3A_6 = arith.constant 0 : i32
    %scan3A_7 = arith.constant 0 : i32
    %scan3A_8 = arith.constant 79 : i32
    %scan3A_9 = arith.addi %scan3A_7, %scan3A_8 : i32
    %scan3A_10 = arith.constant 1 : i32
    scf.for %scan3A_34 = %scan3A_7 to %scan3A_9 step %scan3A_10  : i32 {
      %mul3A_35 = arith.constant 632 : i32
      %mul3A_36 = arith.muli %arg1, %mul3A_35 : i32
      %mul3A_37 = arith.constant 8 : i32
      %mul3A_38 = arith.muli %scan3A_34, %mul3A_37 : i32
      %add3A_39 = arith.addi %mul3A_36, %mul3A_38 : i32
      "tpu.region"() ({
        %run_scoped3A = tpu.sem_alloc : memref<!tpu.dma_semaphore, #tpu.memory_space<semaphore_mem>>
        %dma_start3A = arith.constant 0 : i32
        %dma_start3A_40 = arith.constant 0 : i32
        %dma_start3A_41 = tpu.memref_slice %arg12[%dma_start3A, %dma_start3A_40] : memref<80x128xf32, #tpu.memory_space<vmem>> -> memref<8x128xf32, #tpu.memory_space<vmem>>
        %dma_start3A_42 = arith.constant 0 : i32
        %dma_start3A_43 = tpu.memref_slice %arg19[%add3A_39, %dma_start3A_42] : memref<10112x128xf32, #tpu.memory_space<vmem_shared>> -> memref<8x128xf32, #tpu.memory_space<vmem_shared>>
        %dma_start3A_44 = arith.constant 0 : i32
        %dma_start3A_45 = tpu.memref_slice %arg19[%add3A_39, %dma_start3A_44] : memref<10112x128xf32, #tpu.memory_space<vmem_shared>> -> memref<8x128xf32, #tpu.memory_space<vmem_shared>>
        %dma_start3A_46 = arith.constant 0 : i32
        %dma_start3A_47 = arith.constant 0 : i32
        %dma_start3A_48 = tpu.memref_slice %arg12[%dma_start3A_46, %dma_start3A_47] : memref<80x128xf32, #tpu.memory_space<vmem>> -> memref<8x128xf32, #tpu.memory_space<vmem>>
        tpu.enqueue_dma source(%dma_start3A_48 : memref<8x128xf32, #tpu.memory_space<vmem>>) target(%dma_start3A_45 : memref<8x128xf32, #tpu.memory_space<vmem_shared>>) target_semaphore(%run_scoped3A : memref<!tpu.dma_semaphore, #tpu.memory_space<semaphore_mem>>)
        %dma_wait3A = arith.constant 0 : i32
        %dma_wait3A_49 = arith.constant 0 : i32
        %dma_wait3A_50 = tpu.memref_slice %arg12[%dma_wait3A, %dma_wait3A_49] : memref<80x128xf32, #tpu.memory_space<vmem>> -> memref<8x128xf32, #tpu.memory_space<vmem>>
        %dma_wait3A_51 = arith.constant 0 : i32
        %dma_wait3A_52 = tpu.memref_slice %arg19[%add3A_39, %dma_wait3A_51] : memref<10112x128xf32, #tpu.memory_space<vmem_shared>> -> memref<8x128xf32, #tpu.memory_space<vmem_shared>>
        %dma_wait3A_53 = arith.constant 0 : i32
        %dma_wait3A_54 = tpu.memref_slice %arg19[%add3A_39, %dma_wait3A_53] : memref<10112x128xf32, #tpu.memory_space<vmem_shared>> -> memref<8x128xf32, #tpu.memory_space<vmem_shared>>
        %dma_wait3A_55 = arith.constant 0 : i32
        %dma_wait3A_56 = arith.constant 0 : i32
        %dma_wait3A_57 = tpu.memref_slice %arg12[%dma_wait3A_55, %dma_wait3A_56] : memref<80x128xf32, #tpu.memory_space<vmem>> -> memref<8x128xf32, #tpu.memory_space<vmem>>
        tpu.wait_dma2 semaphore(%run_scoped3A : memref<!tpu.dma_semaphore, #tpu.memory_space<semaphore_mem>>) src(%dma_wait3A_57 : memref<8x128xf32, #tpu.memory_space<vmem>>) dst(%dma_wait3A_54 : memref<8x128xf32, #tpu.memory_space<vmem_shared>>)
        tpu.yield
      }) : () -> ()
    }
    %scan3A_11 = arith.constant 79 : i32
    "tpu.region"() ({
      %run_scoped3A = tpu.sem_alloc : memref<!tpu.dma_semaphore, #tpu.memory_space<semaphore_mem>>
      tpu.enqueue_dma source(%arg5 : memref<16xf32, #tpu.memory_space<hbm>>) target(%arg16 : memref<16xf32, #tpu.memory_space<vmem>>) target_semaphore(%run_scoped3A : memref<!tpu.dma_semaphore, #tpu.memory_space<semaphore_mem>>)
      tpu.wait_dma2 semaphore(%run_scoped3A : memref<!tpu.dma_semaphore, #tpu.memory_space<semaphore_mem>>) src(%arg5 : memref<16xf32, #tpu.memory_space<hbm>>) dst(%arg16 : memref<16xf32, #tpu.memory_space<vmem>>)
      tpu.yield
    }) : () -> ()
    %get3A = arith.constant 0 : index
    %get3A_12 = tpu.vector_load %arg16[%get3A] {strides = array<i32>} : memref<16xf32, #tpu.memory_space<vmem>>, vector<16xf32>,
    %get3A_13 = vector.shape_cast %get3A_12 : vector<16xf32> to vector<16xf32>
    %barrier3A = arith.constant 0 : index
    tpu.barrier barrier_id(%barrier3A)
    %add3A_14 = arith.constant 0 : i32
    %add3A_15 = arith.addi %add3A, %add3A_14 : i32
    %lt3A = arith.constant 488 : i32
    %lt3A_16 = arith.cmpi slt, %add3A_15, %lt3A : i32
    %convert_element_type3A = arith.extui %lt3A_16 : i1 to i32
    %cond3A = arith.constant 0 : i32
    %cond3A_17 = arith.cmpi ne, %convert_element_type3A, %cond3A : i32
    scf.if %cond3A_17 {
      %mul3A_34 = arith.constant 80 : i32
      %mul3A_35 = arith.muli %add3A_15, %mul3A_34 : i32
      %dma_start3A = tpu.memref_slice %arg3[%mul3A_35] : memref<39040xi32, #tpu.memory_space<hbm>> -> memref<80xi32, #tpu.memory_space<hbm>>
      %dma_start3A_36 = tpu.memref_slice %arg3[%mul3A_35] : memref<39040xi32, #tpu.memory_space<hbm>> -> memref<80xi32, #tpu.memory_space<hbm>>
      tpu.enqueue_dma source(%dma_start3A_36 : memref<80xi32, #tpu.memory_space<hbm>>) target(%arg8 : memref<80xi32, #tpu.memory_space<vmem>>) target_semaphore(%arg17 : memref<!tpu.dma_semaphore, #tpu.memory_space<semaphore_mem>>)
      %dma_start3A_37 = tpu.memref_slice %arg4[%mul3A_35] : memref<39040xi32, #tpu.memory_space<hbm>> -> memref<80xi32, #tpu.memory_space<hbm>>
      %dma_start3A_38 = tpu.memref_slice %arg4[%mul3A_35] : memref<39040xi32, #tpu.memory_space<hbm>> -> memref<80xi32, #tpu.memory_space<hbm>>
      tpu.enqueue_dma source(%dma_start3A_38 : memref<80xi32, #tpu.memory_space<hbm>>) target(%arg10 : memref<80xi32, #tpu.memory_space<vmem>>) target_semaphore(%arg17 : memref<!tpu.dma_semaphore, #tpu.memory_space<semaphore_mem>>)
      %dma_start3A_39 = arith.constant 0 : i32
      %dma_start3A_40 = tpu.memref_slice %arg2[%mul3A_35, %dma_start3A_39] : memref<39040x128xf32, #tpu.memory_space<hbm>> -> memref<80x128xf32, #tpu.memory_space<hbm>>
      %dma_start3A_41 = arith.constant 0 : i32
      %dma_start3A_42 = tpu.memref_slice %arg2[%mul3A_35, %dma_start3A_41] : memref<39040x128xf32, #tpu.memory_space<hbm>> -> memref<80x128xf32, #tpu.memory_space<hbm>>
      tpu.enqueue_dma source(%dma_start3A_42 : memref<80x128xf32, #tpu.memory_space<hbm>>) target(%arg12 : memref<80x128xf32, #tpu.memory_space<vmem>>) target_semaphore(%arg17 : memref<!tpu.dma_semaphore, #tpu.memory_space<semaphore_mem>>)
    } else {
    }
    %scan3A_18 = arith.constant 0 : i32
    %scan3A_19 = arith.constant 0 : i32
    %scan3A_20 = arith.constant 8 : i32
    %scan3A_21 = arith.addi %scan3A_19, %scan3A_20 : i32
    %scan3A_22 = arith.constant 1 : i32
    scf.for %scan3A_34 = %scan3A_19 to %scan3A_21 step %scan3A_22  : i32 {
      %mul3A_35 = arith.constant 2 : i32
      %mul3A_36 = arith.muli %mul3A_35, %scan3A_34 : i32
      %add3A_37 = arith.constant 1 : i32
      %add3A_38 = arith.addi %mul3A_36, %add3A_37 : i32
      %mul3A_39 = arith.constant 32 : i32
      %mul3A_40 = arith.muli %mul3A_39, %add3A_38 : i32
      %add3A_41 = arith.addi %add3A, %mul3A_40 : i32
      %lt3A_42 = arith.constant 488 : i32
      %lt3A_43 = arith.cmpi slt, %add3A_41, %lt3A_42 : i32
      %convert_element_type3A_44 = arith.extui %lt3A_43 : i1 to i32
      %cond3A_45 = arith.constant 0 : i32
      %cond3A_46 = arith.cmpi ne, %convert_element_type3A_44, %cond3A_45 : i32
      scf.if %cond3A_46 {
        %mul3A_75 = arith.constant 80 : i32
        %mul3A_76 = arith.muli %add3A_41, %mul3A_75 : i32
        %dma_start3A = tpu.memref_slice %arg3[%mul3A_76] : memref<39040xi32, #tpu.memory_space<hbm>> -> memref<80xi32, #tpu.memory_space<hbm>>
        %dma_start3A_77 = tpu.memref_slice %arg3[%mul3A_76] : memref<39040xi32, #tpu.memory_space<hbm>> -> memref<80xi32, #tpu.memory_space<hbm>>
        tpu.enqueue_dma source(%dma_start3A_77 : memref<80xi32, #tpu.memory_space<hbm>>) target(%arg9 : memref<80xi32, #tpu.memory_space<vmem>>) target_semaphore(%arg18 : memref<!tpu.dma_semaphore, #tpu.memory_space<semaphore_mem>>)
        %dma_start3A_78 = tpu.memref_slice %arg4[%mul3A_76] : memref<39040xi32, #tpu.memory_space<hbm>> -> memref<80xi32, #tpu.memory_space<hbm>>
        %dma_start3A_79 = tpu.memref_slice %arg4[%mul3A_76] : memref<39040xi32, #tpu.memory_space<hbm>> -> memref<80xi32, #tpu.memory_space<hbm>>
        tpu.enqueue_dma source(%dma_start3A_79 : memref<80xi32, #tpu.memory_space<hbm>>) target(%arg11 : memref<80xi32, #tpu.memory_space<vmem>>) target_semaphore(%arg18 : memref<!tpu.dma_semaphore, #tpu.memory_space<semaphore_mem>>)
        %dma_start3A_80 = arith.constant 0 : i32
        %dma_start3A_81 = tpu.memref_slice %arg2[%mul3A_76, %dma_start3A_80] : memref<39040x128xf32, #tpu.memory_space<hbm>> -> memref<80x128xf32, #tpu.memory_space<hbm>>
        %dma_start3A_82 = arith.constant 0 : i32
        %dma_start3A_83 = tpu.memref_slice %arg2[%mul3A_76, %dma_start3A_82] : memref<39040x128xf32, #tpu.memory_space<hbm>> -> memref<80x128xf32, #tpu.memory_space<hbm>>
        tpu.enqueue_dma source(%dma_start3A_83 : memref<80x128xf32, #tpu.memory_space<hbm>>) target(%arg13 : memref<80x128xf32, #tpu.memory_space<vmem>>) target_semaphore(%arg18 : memref<!tpu.dma_semaphore, #tpu.memory_space<semaphore_mem>>)
      } else {
      }
      %mul3A_47 = arith.constant 32 : i32
      %mul3A_48 = arith.muli %mul3A_47, %mul3A_36 : i32
      %add3A_49 = arith.addi %add3A, %mul3A_48 : i32
      %lt3A_50 = arith.constant 488 : i32
      %lt3A_51 = arith.cmpi slt, %add3A_49, %lt3A_50 : i32
      %convert_element_type3A_52 = arith.extui %lt3A_51 : i1 to i32
      %cond3A_53 = arith.constant 0 : i32
      %cond3A_54 = arith.cmpi ne, %convert_element_type3A_52, %cond3A_53 : i32
      scf.if %cond3A_54 {
        %mul3A_75 = arith.constant 80 : i32
        %mul3A_76 = arith.muli %add3A_49, %mul3A_75 : i32
        %dma_wait3A = tpu.memref_slice %arg3[%mul3A_76] : memref<39040xi32, #tpu.memory_space<hbm>> -> memref<80xi32, #tpu.memory_space<hbm>>
        %dma_wait3A_77 = tpu.memref_slice %arg3[%mul3A_76] : memref<39040xi32, #tpu.memory_space<hbm>> -> memref<80xi32, #tpu.memory_space<hbm>>
        tpu.wait_dma2 semaphore(%arg17 : memref<!tpu.dma_semaphore, #tpu.memory_space<semaphore_mem>>) src(%dma_wait3A_77 : memref<80xi32, #tpu.memory_space<hbm>>) dst(%arg8 : memref<80xi32, #tpu.memory_space<vmem>>)
        %dma_wait3A_78 = tpu.memref_slice %arg4[%mul3A_76] : memref<39040xi32, #tpu.memory_space<hbm>> -> memref<80xi32, #tpu.memory_space<hbm>>
        %dma_wait3A_79 = tpu.memref_slice %arg4[%mul3A_76] : memref<39040xi32, #tpu.memory_space<hbm>> -> memref<80xi32, #tpu.memory_space<hbm>>
        tpu.wait_dma2 semaphore(%arg17 : memref<!tpu.dma_semaphore, #tpu.memory_space<semaphore_mem>>) src(%dma_wait3A_79 : memref<80xi32, #tpu.memory_space<hbm>>) dst(%arg10 : memref<80xi32, #tpu.memory_space<vmem>>)
        %dma_wait3A_80 = arith.constant 0 : i32
        %dma_wait3A_81 = tpu.memref_slice %arg2[%mul3A_76, %dma_wait3A_80] : memref<39040x128xf32, #tpu.memory_space<hbm>> -> memref<80x128xf32, #tpu.memory_space<hbm>>
        %dma_wait3A_82 = arith.constant 0 : i32
        %dma_wait3A_83 = tpu.memref_slice %arg2[%mul3A_76, %dma_wait3A_82] : memref<39040x128xf32, #tpu.memory_space<hbm>> -> memref<80x128xf32, #tpu.memory_space<hbm>>
        tpu.wait_dma2 semaphore(%arg17 : memref<!tpu.dma_semaphore, #tpu.memory_space<semaphore_mem>>) src(%dma_wait3A_83 : memref<80x128xf32, #tpu.memory_space<hbm>>) dst(%arg12 : memref<80x128xf32, #tpu.memory_space<vmem>>)
        %scan3A_84 = arith.constant 0 : i32
        %scan3A_85 = arith.constant 0 : i32
        %scan3A_86 = arith.constant 80 : i32
        %scan3A_87 = arith.addi %scan3A_85, %scan3A_86 : i32
        %scan3A_88 = arith.constant 1 : i32
        scf.for %scan3A_90 = %scan3A_85 to %scan3A_87 step %scan3A_88  : i32 {
          %get3A_91 = arith.index_cast %scan3A_90 : i32 to index
          %get3A_92 = arith.constant 0 : index
          %get3A_93 = tpu.vector_load %arg12[%get3A_91, %get3A_92] {strides = array<i32>} : memref<80x128xf32, #tpu.memory_space<vmem>>, vector<1x16xf32>,
          %get3A_94 = vector.shape_cast %get3A_93 : vector<1x16xf32> to vector<16xf32>
          %sub3A = arith.subf %get3A_94, %get3A_13 : vector<16xf32>
          %exp3A = math.exp %sub3A : vector<16xf32>
          %get3A_95 = arith.index_cast %scan3A_90 : i32 to index
          %get3A_96 = arith.constant 16 : index
          %get3A_97 = tpu.vector_load %arg12[%get3A_95, %get3A_96] {strides = array<i32>} : memref<80x128xf32, #tpu.memory_space<vmem>>, vector<1x16xf32>,
          %get3A_98 = vector.shape_cast %get3A_97 : vector<1x16xf32> to vector<16xf32>
          %sub3A_99 = arith.subf %get3A_98, %get3A_13 : vector<16xf32>
          %exp3A_100 = math.exp %sub3A_99 : vector<16xf32>
          %get3A_101 = arith.index_cast %scan3A_90 : i32 to index
          %get3A_102 = arith.constant 64 : index
          %get3A_103 = tpu.vector_load %arg12[%get3A_101, %get3A_102] {strides = array<i32>} : memref<80x128xf32, #tpu.memory_space<vmem>>, vector<1x16xf32>,
          %get3A_104 = vector.shape_cast %get3A_103 : vector<1x16xf32> to vector<16xf32>
          %sub3A_105 = arith.subf %get3A_104, %get3A_13 : vector<16xf32>
          %exp3A_106 = math.exp %sub3A_105 : vector<16xf32>
          %get3A_107 = arith.index_cast %scan3A_90 : i32 to index
          %get3A_108 = arith.constant 80 : index
          %get3A_109 = tpu.vector_load %arg12[%get3A_107, %get3A_108] {strides = array<i32>} : memref<80x128xf32, #tpu.memory_space<vmem>>, vector<1x16xf32>,
          %get3A_110 = vector.shape_cast %get3A_109 : vector<1x16xf32> to vector<16xf32>
          %sub3A_111 = arith.subf %get3A_110, %get3A_13 : vector<16xf32>
          %exp3A_112 = math.exp %sub3A_111 : vector<16xf32>
          %swap3A = arith.index_cast %scan3A_90 : i32 to index
          %swap3A_113 = arith.constant 0 : index
          %swap3A_114 = tpu.vector_load %arg14[%swap3A, %swap3A_113] {strides = array<i32>} : memref<80x128xf32, #tpu.memory_space<vmem>>, vector<1x16xf32>,
          %swap3A_115 = vector.shape_cast %swap3A_114 : vector<1x16xf32> to vector<16xf32>
          %swap3A_116 = vector.shape_cast %exp3A : vector<16xf32> to vector<1x16xf32>
          tpu.vector_store %arg14[%swap3A, %swap3A_113], %swap3A_116 {strides = array<i32>} : memref<80x128xf32, #tpu.memory_space<vmem>>, vector<1x16xf32>,
          %swap3A_117 = arith.index_cast %scan3A_90 : i32 to index
          %swap3A_118 = arith.constant 16 : index
          %swap3A_119 = tpu.vector_load %arg14[%swap3A_117, %swap3A_118] {strides = array<i32>} : memref<80x128xf32, #tpu.memory_space<vmem>>, vector<1x16xf32>,
          %swap3A_120 = vector.shape_cast %swap3A_119 : vector<1x16xf32> to vector<16xf32>
          %swap3A_121 = vector.shape_cast %exp3A_100 : vector<16xf32> to vector<1x16xf32>
          tpu.vector_store %arg14[%swap3A_117, %swap3A_118], %swap3A_121 {strides = array<i32>} : memref<80x128xf32, #tpu.memory_space<vmem>>, vector<1x16xf32>,
          %get3A_122 = arith.index_cast %scan3A_90 : i32 to index
          %get3A_123 = arith.constant 32 : index
          %get3A_124 = tpu.vector_load %arg12[%get3A_122, %get3A_123] {strides = array<i32>} : memref<80x128xf32, #tpu.memory_space<vmem>>, vector<1x16xf32>,
          %get3A_125 = vector.shape_cast %get3A_124 : vector<1x16xf32> to vector<16xf32>
          %mul3A_126 = arith.mulf %get3A_125, %exp3A : vector<16xf32>
          %swap3A_127 = arith.index_cast %scan3A_90 : i32 to index
          %swap3A_128 = arith.constant 32 : index
          %swap3A_129 = tpu.vector_load %arg14[%swap3A_127, %swap3A_128] {strides = array<i32>} : memref<80x128xf32, #tpu.memory_space<vmem>>, vector<1x16xf32>,
          %swap3A_130 = vector.shape_cast %swap3A_129 : vector<1x16xf32> to vector<16xf32>
          %swap3A_131 = vector.shape_cast %mul3A_126 : vector<16xf32> to vector<1x16xf32>
          tpu.vector_store %arg14[%swap3A_127, %swap3A_128], %swap3A_131 {strides = array<i32>} : memref<80x128xf32, #tpu.memory_space<vmem>>, vector<1x16xf32>,
          %get3A_132 = arith.index_cast %scan3A_90 : i32 to index
          %get3A_133 = arith.constant 48 : index
          %get3A_134 = tpu.vector_load %arg12[%get3A_132, %get3A_133] {strides = array<i32>} : memref<80x128xf32, #tpu.memory_space<vmem>>, vector<1x16xf32>,
          %get3A_135 = vector.shape_cast %get3A_134 : vector<1x16xf32> to vector<16xf32>
          %mul3A_136 = arith.mulf %get3A_135, %exp3A_100 : vector<16xf32>
          %swap3A_137 = arith.index_cast %scan3A_90 : i32 to index
          %swap3A_138 = arith.constant 48 : index
          %swap3A_139 = tpu.vector_load %arg14[%swap3A_137, %swap3A_138] {strides = array<i32>} : memref<80x128xf32, #tpu.memory_space<vmem>>, vector<1x16xf32>,
          %swap3A_140 = vector.shape_cast %swap3A_139 : vector<1x16xf32> to vector<16xf32>
          %swap3A_141 = vector.shape_cast %mul3A_136 : vector<16xf32> to vector<1x16xf32>
          tpu.vector_store %arg14[%swap3A_137, %swap3A_138], %swap3A_141 {strides = array<i32>} : memref<80x128xf32, #tpu.memory_space<vmem>>, vector<1x16xf32>,
          %swap3A_142 = arith.index_cast %scan3A_90 : i32 to index
          %swap3A_143 = arith.constant 0 : index
          %swap3A_144 = tpu.vector_load %arg15[%swap3A_142, %swap3A_143] {strides = array<i32>} : memref<80x128xf32, #tpu.memory_space<vmem>>, vector<1x16xf32>,
          %swap3A_145 = vector.shape_cast %swap3A_144 : vector<1x16xf32> to vector<16xf32>
          %swap3A_146 = vector.shape_cast %exp3A_106 : vector<16xf32> to vector<1x16xf32>
          tpu.vector_store %arg15[%swap3A_142, %swap3A_143], %swap3A_146 {strides = array<i32>} : memref<80x128xf32, #tpu.memory_space<vmem>>, vector<1x16xf32>,
          %swap3A_147 = arith.index_cast %scan3A_90 : i32 to index
          %swap3A_148 = arith.constant 16 : index
          %swap3A_149 = tpu.vector_load %arg15[%swap3A_147, %swap3A_148] {strides = array<i32>} : memref<80x128xf32, #tpu.memory_space<vmem>>, vector<1x16xf32>,
          %swap3A_150 = vector.shape_cast %swap3A_149 : vector<1x16xf32> to vector<16xf32>
          %swap3A_151 = vector.shape_cast %exp3A_112 : vector<16xf32> to vector<1x16xf32>
          tpu.vector_store %arg15[%swap3A_147, %swap3A_148], %swap3A_151 {strides = array<i32>} : memref<80x128xf32, #tpu.memory_space<vmem>>, vector<1x16xf32>,
          %get3A_152 = arith.index_cast %scan3A_90 : i32 to index
          %get3A_153 = arith.constant 96 : index
          %get3A_154 = tpu.vector_load %arg12[%get3A_152, %get3A_153] {strides = array<i32>} : memref<80x128xf32, #tpu.memory_space<vmem>>, vector<1x16xf32>,
          %get3A_155 = vector.shape_cast %get3A_154 : vector<1x16xf32> to vector<16xf32>
          %mul3A_156 = arith.mulf %get3A_155, %exp3A_106 : vector<16xf32>
          %swap3A_157 = arith.index_cast %scan3A_90 : i32 to index
          %swap3A_158 = arith.constant 32 : index
          %swap3A_159 = tpu.vector_load %arg15[%swap3A_157, %swap3A_158] {strides = array<i32>} : memref<80x128xf32, #tpu.memory_space<vmem>>, vector<1x16xf32>,
          %swap3A_160 = vector.shape_cast %swap3A_159 : vector<1x16xf32> to vector<16xf32>
          %swap3A_161 = vector.shape_cast %mul3A_156 : vector<16xf32> to vector<1x16xf32>
          tpu.vector_store %arg15[%swap3A_157, %swap3A_158], %swap3A_161 {strides = array<i32>} : memref<80x128xf32, #tpu.memory_space<vmem>>, vector<1x16xf32>,
          %get3A_162 = arith.index_cast %scan3A_90 : i32 to index
          %get3A_163 = arith.constant 112 : index
          %get3A_164 = tpu.vector_load %arg12[%get3A_162, %get3A_163] {strides = array<i32>} : memref<80x128xf32, #tpu.memory_space<vmem>>, vector<1x16xf32>,
          %get3A_165 = vector.shape_cast %get3A_164 : vector<1x16xf32> to vector<16xf32>
          %mul3A_166 = arith.mulf %get3A_165, %exp3A_112 : vector<16xf32>
          %swap3A_167 = arith.index_cast %scan3A_90 : i32 to index
          %swap3A_168 = arith.constant 48 : index
          %swap3A_169 = tpu.vector_load %arg15[%swap3A_167, %swap3A_168] {strides = array<i32>} : memref<80x128xf32, #tpu.memory_space<vmem>>, vector<1x16xf32>,
          %swap3A_170 = vector.shape_cast %swap3A_169 : vector<1x16xf32> to vector<16xf32>
          %swap3A_171 = vector.shape_cast %mul3A_166 : vector<16xf32> to vector<1x16xf32>
          tpu.vector_store %arg15[%swap3A_167, %swap3A_168], %swap3A_171 {strides = array<i32>} : memref<80x128xf32, #tpu.memory_space<vmem>>, vector<1x16xf32>,
        }
        %scan3A_89 = arith.constant 80 : i32
        "tpu.region"() ({
          %run_scoped3A = tpu.sem_alloc : memref<!tpu.dma_semaphore, #tpu.memory_space<semaphore_mem>>
          %dma_start3A = arith.constant 0 : i32
          %dma_start3A_90 = arith.constant 0 : i32
          %dma_start3A_91 = tpu.memref_slice %arg19[%dma_start3A, %dma_start3A_90] : memref<10112x128xf32, #tpu.memory_space<vmem_shared>> -> memref<10112x128xf32, #tpu.memory_space<vmem_shared>>
          tpu.enqueue_indirect_dma source(%arg14 : memref<80x128xf32, #tpu.memory_space<vmem>>) target(%dma_start3A_91 : memref<10112x128xf32, #tpu.memory_space<vmem_shared>>) offsets(%arg8 : memref<80xi32, #tpu.memory_space<vmem>>) semaphore(%run_scoped3A : memref<!tpu.dma_semaphore, #tpu.memory_space<semaphore_mem>>) {add = true}
          %dma_wait3A_92 = arith.constant 0 : i32
          %dma_wait3A_93 = arith.constant 0 : i32
          %dma_wait3A_94 = tpu.memref_slice %arg19[%dma_wait3A_92, %dma_wait3A_93] : memref<10112x128xf32, #tpu.memory_space<vmem_shared>> -> memref<10112x128xf32, #tpu.memory_space<vmem_shared>>
          tpu.wait_indirect_dma semaphore(%run_scoped3A : memref<!tpu.dma_semaphore, #tpu.memory_space<semaphore_mem>>) src(%arg14 : memref<80x128xf32, #tpu.memory_space<vmem>>) dst(%dma_wait3A_94 : memref<10112x128xf32, #tpu.memory_space<vmem_shared>>)
          tpu.yield
        }) : () -> ()
        "tpu.region"() ({
          %run_scoped3A = tpu.sem_alloc : memref<!tpu.dma_semaphore, #tpu.memory_space<semaphore_mem>>
          %dma_start3A = arith.constant 0 : i32
          %dma_start3A_90 = arith.constant 0 : i32
          %dma_start3A_91 = tpu.memref_slice %arg19[%dma_start3A, %dma_start3A_90] : memref<10112x128xf32, #tpu.memory_space<vmem_shared>> -> memref<10112x128xf32, #tpu.memory_space<vmem_shared>>
          tpu.enqueue_indirect_dma source(%arg15 : memref<80x128xf32, #tpu.memory_space<vmem>>) target(%dma_start3A_91 : memref<10112x128xf32, #tpu.memory_space<vmem_shared>>) offsets(%arg10 : memref<80xi32, #tpu.memory_space<vmem>>) semaphore(%run_scoped3A : memref<!tpu.dma_semaphore, #tpu.memory_space<semaphore_mem>>) {add = true}
          %dma_wait3A_92 = arith.constant 0 : i32
          %dma_wait3A_93 = arith.constant 0 : i32
          %dma_wait3A_94 = tpu.memref_slice %arg19[%dma_wait3A_92, %dma_wait3A_93] : memref<10112x128xf32, #tpu.memory_space<vmem_shared>> -> memref<10112x128xf32, #tpu.memory_space<vmem_shared>>
          tpu.wait_indirect_dma semaphore(%run_scoped3A : memref<!tpu.dma_semaphore, #tpu.memory_space<semaphore_mem>>) src(%arg15 : memref<80x128xf32, #tpu.memory_space<vmem>>) dst(%dma_wait3A_94 : memref<10112x128xf32, #tpu.memory_space<vmem_shared>>)
          tpu.yield
        }) : () -> ()
      } else {
      }
      %add3A_55 = arith.constant 2 : i32
      %add3A_56 = arith.addi %mul3A_36, %add3A_55 : i32
      %mul3A_57 = arith.constant 32 : i32
      %mul3A_58 = arith.muli %mul3A_57, %add3A_56 : i32
      %add3A_59 = arith.addi %add3A, %mul3A_58 : i32
      %lt3A_60 = arith.constant 488 : i32
      %lt3A_61 = arith.cmpi slt, %add3A_59, %lt3A_60 : i32
      %convert_element_type3A_62 = arith.extui %lt3A_61 : i1 to i32
      %cond3A_63 = arith.constant 0 : i32
      %cond3A_64 = arith.cmpi ne, %convert_element_type3A_62, %cond3A_63 : i32
      scf.if %cond3A_64 {
        %mul3A_75 = arith.constant 80 : i32
        %mul3A_76 = arith.muli %add3A_59, %mul3A_75 : i32
        %dma_start3A = tpu.memref_slice %arg3[%mul3A_76] : memref<39040xi32, #tpu.memory_space<hbm>> -> memref<80xi32, #tpu.memory_space<hbm>>
        %dma_start3A_77 = tpu.memref_slice %arg3[%mul3A_76] : memref<39040xi32, #tpu.memory_space<hbm>> -> memref<80xi32, #tpu.memory_space<hbm>>
        tpu.enqueue_dma source(%dma_start3A_77 : memref<80xi32, #tpu.memory_space<hbm>>) target(%arg8 : memref<80xi32, #tpu.memory_space<vmem>>) target_semaphore(%arg17 : memref<!tpu.dma_semaphore, #tpu.memory_space<semaphore_mem>>)
        %dma_start3A_78 = tpu.memref_slice %arg4[%mul3A_76] : memref<39040xi32, #tpu.memory_space<hbm>> -> memref<80xi32, #tpu.memory_space<hbm>>
        %dma_start3A_79 = tpu.memref_slice %arg4[%mul3A_76] : memref<39040xi32, #tpu.memory_space<hbm>> -> memref<80xi32, #tpu.memory_space<hbm>>
        tpu.enqueue_dma source(%dma_start3A_79 : memref<80xi32, #tpu.memory_space<hbm>>) target(%arg10 : memref<80xi32, #tpu.memory_space<vmem>>) target_semaphore(%arg17 : memref<!tpu.dma_semaphore, #tpu.memory_space<semaphore_mem>>)
        %dma_start3A_80 = arith.constant 0 : i32
        %dma_start3A_81 = tpu.memref_slice %arg2[%mul3A_76, %dma_start3A_80] : memref<39040x128xf32, #tpu.memory_space<hbm>> -> memref<80x128xf32, #tpu.memory_space<hbm>>
        %dma_start3A_82 = arith.constant 0 : i32
        %dma_start3A_83 = tpu.memref_slice %arg2[%mul3A_76, %dma_start3A_82] : memref<39040x128xf32, #tpu.memory_space<hbm>> -> memref<80x128xf32, #tpu.memory_space<hbm>>
        tpu.enqueue_dma source(%dma_start3A_83 : memref<80x128xf32, #tpu.memory_space<hbm>>) target(%arg12 : memref<80x128xf32, #tpu.memory_space<vmem>>) target_semaphore(%arg17 : memref<!tpu.dma_semaphore, #tpu.memory_space<semaphore_mem>>)
      } else {
      }
      %add3A_65 = arith.constant 1 : i32
      %add3A_66 = arith.addi %mul3A_36, %add3A_65 : i32
      %mul3A_67 = arith.constant 32 : i32
      %mul3A_68 = arith.muli %mul3A_67, %add3A_66 : i32
      %add3A_69 = arith.addi %add3A, %mul3A_68 : i32
      %lt3A_70 = arith.constant 488 : i32
      %lt3A_71 = arith.cmpi slt, %add3A_69, %lt3A_70 : i32
      %convert_element_type3A_72 = arith.extui %lt3A_71 : i1 to i32
      %cond3A_73 = arith.constant 0 : i32
      %cond3A_74 = arith.cmpi ne, %convert_element_type3A_72, %cond3A_73 : i32
      scf.if %cond3A_74 {
        %mul3A_75 = arith.constant 80 : i32
        %mul3A_76 = arith.muli %add3A_69, %mul3A_75 : i32
        %dma_wait3A = tpu.memref_slice %arg3[%mul3A_76] : memref<39040xi32, #tpu.memory_space<hbm>> -> memref<80xi32, #tpu.memory_space<hbm>>
        %dma_wait3A_77 = tpu.memref_slice %arg3[%mul3A_76] : memref<39040xi32, #tpu.memory_space<hbm>> -> memref<80xi32, #tpu.memory_space<hbm>>
        tpu.wait_dma2 semaphore(%arg18 : memref<!tpu.dma_semaphore, #tpu.memory_space<semaphore_mem>>) src(%dma_wait3A_77 : memref<80xi32, #tpu.memory_space<hbm>>) dst(%arg9 : memref<80xi32, #tpu.memory_space<vmem>>)
        %dma_wait3A_78 = tpu.memref_slice %arg4[%mul3A_76] : memref<39040xi32, #tpu.memory_space<hbm>> -> memref<80xi32, #tpu.memory_space<hbm>>
        %dma_wait3A_79 = tpu.memref_slice %arg4[%mul3A_76] : memref<39040xi32, #tpu.memory_space<hbm>> -> memref<80xi32, #tpu.memory_space<hbm>>
        tpu.wait_dma2 semaphore(%arg18 : memref<!tpu.dma_semaphore, #tpu.memory_space<semaphore_mem>>) src(%dma_wait3A_79 : memref<80xi32, #tpu.memory_space<hbm>>) dst(%arg11 : memref<80xi32, #tpu.memory_space<vmem>>)
        %dma_wait3A_80 = arith.constant 0 : i32
        %dma_wait3A_81 = tpu.memref_slice %arg2[%mul3A_76, %dma_wait3A_80] : memref<39040x128xf32, #tpu.memory_space<hbm>> -> memref<80x128xf32, #tpu.memory_space<hbm>>
        %dma_wait3A_82 = arith.constant 0 : i32
        %dma_wait3A_83 = tpu.memref_slice %arg2[%mul3A_76, %dma_wait3A_82] : memref<39040x128xf32, #tpu.memory_space<hbm>> -> memref<80x128xf32, #tpu.memory_space<hbm>>
        tpu.wait_dma2 semaphore(%arg18 : memref<!tpu.dma_semaphore, #tpu.memory_space<semaphore_mem>>) src(%dma_wait3A_83 : memref<80x128xf32, #tpu.memory_space<hbm>>) dst(%arg13 : memref<80x128xf32, #tpu.memory_space<vmem>>)
        %scan3A_84 = arith.constant 0 : i32
        %scan3A_85 = arith.constant 0 : i32
        %scan3A_86 = arith.constant 80 : i32
        %scan3A_87 = arith.addi %scan3A_85, %scan3A_86 : i32
        %scan3A_88 = arith.constant 1 : i32
        scf.for %scan3A_90 = %scan3A_85 to %scan3A_87 step %scan3A_88  : i32 {
          %get3A_91 = arith.index_cast %scan3A_90 : i32 to index
          %get3A_92 = arith.constant 0 : index
          %get3A_93 = tpu.vector_load %arg13[%get3A_91, %get3A_92] {strides = array<i32>} : memref<80x128xf32, #tpu.memory_space<vmem>>, vector<1x16xf32>,
          %get3A_94 = vector.shape_cast %get3A_93 : vector<1x16xf32> to vector<16xf32>
          %sub3A = arith.subf %get3A_94, %get3A_13 : vector<16xf32>
          %exp3A = math.exp %sub3A : vector<16xf32>
          %get3A_95 = arith.index_cast %scan3A_90 : i32 to index
          %get3A_96 = arith.constant 16 : index
          %get3A_97 = tpu.vector_load %arg13[%get3A_95, %get3A_96] {strides = array<i32>} : memref<80x128xf32, #tpu.memory_space<vmem>>, vector<1x16xf32>,
          %get3A_98 = vector.shape_cast %get3A_97 : vector<1x16xf32> to vector<16xf32>
          %sub3A_99 = arith.subf %get3A_98, %get3A_13 : vector<16xf32>
          %exp3A_100 = math.exp %sub3A_99 : vector<16xf32>
          %get3A_101 = arith.index_cast %scan3A_90 : i32 to index
          %get3A_102 = arith.constant 64 : index
          %get3A_103 = tpu.vector_load %arg13[%get3A_101, %get3A_102] {strides = array<i32>} : memref<80x128xf32, #tpu.memory_space<vmem>>, vector<1x16xf32>,
          %get3A_104 = vector.shape_cast %get3A_103 : vector<1x16xf32> to vector<16xf32>
          %sub3A_105 = arith.subf %get3A_104, %get3A_13 : vector<16xf32>
          %exp3A_106 = math.exp %sub3A_105 : vector<16xf32>
          %get3A_107 = arith.index_cast %scan3A_90 : i32 to index
          %get3A_108 = arith.constant 80 : index
          %get3A_109 = tpu.vector_load %arg13[%get3A_107, %get3A_108] {strides = array<i32>} : memref<80x128xf32, #tpu.memory_space<vmem>>, vector<1x16xf32>,
          %get3A_110 = vector.shape_cast %get3A_109 : vector<1x16xf32> to vector<16xf32>
          %sub3A_111 = arith.subf %get3A_110, %get3A_13 : vector<16xf32>
          %exp3A_112 = math.exp %sub3A_111 : vector<16xf32>
          %swap3A = arith.index_cast %scan3A_90 : i32 to index
          %swap3A_113 = arith.constant 0 : index
          %swap3A_114 = tpu.vector_load %arg14[%swap3A, %swap3A_113] {strides = array<i32>} : memref<80x128xf32, #tpu.memory_space<vmem>>, vector<1x16xf32>,
          %swap3A_115 = vector.shape_cast %swap3A_114 : vector<1x16xf32> to vector<16xf32>
          %swap3A_116 = vector.shape_cast %exp3A : vector<16xf32> to vector<1x16xf32>
          tpu.vector_store %arg14[%swap3A, %swap3A_113], %swap3A_116 {strides = array<i32>} : memref<80x128xf32, #tpu.memory_space<vmem>>, vector<1x16xf32>,
          %swap3A_117 = arith.index_cast %scan3A_90 : i32 to index
          %swap3A_118 = arith.constant 16 : index
          %swap3A_119 = tpu.vector_load %arg14[%swap3A_117, %swap3A_118] {strides = array<i32>} : memref<80x128xf32, #tpu.memory_space<vmem>>, vector<1x16xf32>,
          %swap3A_120 = vector.shape_cast %swap3A_119 : vector<1x16xf32> to vector<16xf32>
          %swap3A_121 = vector.shape_cast %exp3A_100 : vector<16xf32> to vector<1x16xf32>
          tpu.vector_store %arg14[%swap3A_117, %swap3A_118], %swap3A_121 {strides = array<i32>} : memref<80x128xf32, #tpu.memory_space<vmem>>, vector<1x16xf32>,
          %get3A_122 = arith.index_cast %scan3A_90 : i32 to index
          %get3A_123 = arith.constant 32 : index
          %get3A_124 = tpu.vector_load %arg13[%get3A_122, %get3A_123] {strides = array<i32>} : memref<80x128xf32, #tpu.memory_space<vmem>>, vector<1x16xf32>,
          %get3A_125 = vector.shape_cast %get3A_124 : vector<1x16xf32> to vector<16xf32>
          %mul3A_126 = arith.mulf %get3A_125, %exp3A : vector<16xf32>
          %swap3A_127 = arith.index_cast %scan3A_90 : i32 to index
          %swap3A_128 = arith.constant 32 : index
          %swap3A_129 = tpu.vector_load %arg14[%swap3A_127, %swap3A_128] {strides = array<i32>} : memref<80x128xf32, #tpu.memory_space<vmem>>, vector<1x16xf32>,
          %swap3A_130 = vector.shape_cast %swap3A_129 : vector<1x16xf32> to vector<16xf32>
          %swap3A_131 = vector.shape_cast %mul3A_126 : vector<16xf32> to vector<1x16xf32>
          tpu.vector_store %arg14[%swap3A_127, %swap3A_128], %swap3A_131 {strides = array<i32>} : memref<80x128xf32, #tpu.memory_space<vmem>>, vector<1x16xf32>,
          %get3A_132 = arith.index_cast %scan3A_90 : i32 to index
          %get3A_133 = arith.constant 48 : index
          %get3A_134 = tpu.vector_load %arg13[%get3A_132, %get3A_133] {strides = array<i32>} : memref<80x128xf32, #tpu.memory_space<vmem>>, vector<1x16xf32>,
          %get3A_135 = vector.shape_cast %get3A_134 : vector<1x16xf32> to vector<16xf32>
          %mul3A_136 = arith.mulf %get3A_135, %exp3A_100 : vector<16xf32>
          %swap3A_137 = arith.index_cast %scan3A_90 : i32 to index
          %swap3A_138 = arith.constant 48 : index
          %swap3A_139 = tpu.vector_load %arg14[%swap3A_137, %swap3A_138] {strides = array<i32>} : memref<80x128xf32, #tpu.memory_space<vmem>>, vector<1x16xf32>,
          %swap3A_140 = vector.shape_cast %swap3A_139 : vector<1x16xf32> to vector<16xf32>
          %swap3A_141 = vector.shape_cast %mul3A_136 : vector<16xf32> to vector<1x16xf32>
          tpu.vector_store %arg14[%swap3A_137, %swap3A_138], %swap3A_141 {strides = array<i32>} : memref<80x128xf32, #tpu.memory_space<vmem>>, vector<1x16xf32>,
          %swap3A_142 = arith.index_cast %scan3A_90 : i32 to index
          %swap3A_143 = arith.constant 0 : index
          %swap3A_144 = tpu.vector_load %arg15[%swap3A_142, %swap3A_143] {strides = array<i32>} : memref<80x128xf32, #tpu.memory_space<vmem>>, vector<1x16xf32>,
          %swap3A_145 = vector.shape_cast %swap3A_144 : vector<1x16xf32> to vector<16xf32>
          %swap3A_146 = vector.shape_cast %exp3A_106 : vector<16xf32> to vector<1x16xf32>
          tpu.vector_store %arg15[%swap3A_142, %swap3A_143], %swap3A_146 {strides = array<i32>} : memref<80x128xf32, #tpu.memory_space<vmem>>, vector<1x16xf32>,
          %swap3A_147 = arith.index_cast %scan3A_90 : i32 to index
          %swap3A_148 = arith.constant 16 : index
          %swap3A_149 = tpu.vector_load %arg15[%swap3A_147, %swap3A_148] {strides = array<i32>} : memref<80x128xf32, #tpu.memory_space<vmem>>, vector<1x16xf32>,
          %swap3A_150 = vector.shape_cast %swap3A_149 : vector<1x16xf32> to vector<16xf32>
          %swap3A_151 = vector.shape_cast %exp3A_112 : vector<16xf32> to vector<1x16xf32>
          tpu.vector_store %arg15[%swap3A_147, %swap3A_148], %swap3A_151 {strides = array<i32>} : memref<80x128xf32, #tpu.memory_space<vmem>>, vector<1x16xf32>,
          %get3A_152 = arith.index_cast %scan3A_90 : i32 to index
          %get3A_153 = arith.constant 96 : index
          %get3A_154 = tpu.vector_load %arg13[%get3A_152, %get3A_153] {strides = array<i32>} : memref<80x128xf32, #tpu.memory_space<vmem>>, vector<1x16xf32>,
          %get3A_155 = vector.shape_cast %get3A_154 : vector<1x16xf32> to vector<16xf32>
          %mul3A_156 = arith.mulf %get3A_155, %exp3A_106 : vector<16xf32>
          %swap3A_157 = arith.index_cast %scan3A_90 : i32 to index
          %swap3A_158 = arith.constant 32 : index
          %swap3A_159 = tpu.vector_load %arg15[%swap3A_157, %swap3A_158] {strides = array<i32>} : memref<80x128xf32, #tpu.memory_space<vmem>>, vector<1x16xf32>,
          %swap3A_160 = vector.shape_cast %swap3A_159 : vector<1x16xf32> to vector<16xf32>
          %swap3A_161 = vector.shape_cast %mul3A_156 : vector<16xf32> to vector<1x16xf32>
          tpu.vector_store %arg15[%swap3A_157, %swap3A_158], %swap3A_161 {strides = array<i32>} : memref<80x128xf32, #tpu.memory_space<vmem>>, vector<1x16xf32>,
          %get3A_162 = arith.index_cast %scan3A_90 : i32 to index
          %get3A_163 = arith.constant 112 : index
          %get3A_164 = tpu.vector_load %arg13[%get3A_162, %get3A_163] {strides = array<i32>} : memref<80x128xf32, #tpu.memory_space<vmem>>, vector<1x16xf32>,
          %get3A_165 = vector.shape_cast %get3A_164 : vector<1x16xf32> to vector<16xf32>
          %mul3A_166 = arith.mulf %get3A_165, %exp3A_112 : vector<16xf32>
          %swap3A_167 = arith.index_cast %scan3A_90 : i32 to index
          %swap3A_168 = arith.constant 48 : index
          %swap3A_169 = tpu.vector_load %arg15[%swap3A_167, %swap3A_168] {strides = array<i32>} : memref<80x128xf32, #tpu.memory_space<vmem>>, vector<1x16xf32>,
          %swap3A_170 = vector.shape_cast %swap3A_169 : vector<1x16xf32> to vector<16xf32>
          %swap3A_171 = vector.shape_cast %mul3A_166 : vector<16xf32> to vector<1x16xf32>
          tpu.vector_store %arg15[%swap3A_167, %swap3A_168], %swap3A_171 {strides = array<i32>} : memref<80x128xf32, #tpu.memory_space<vmem>>, vector<1x16xf32>,
        }
        %scan3A_89 = arith.constant 80 : i32
        "tpu.region"() ({
          %run_scoped3A = tpu.sem_alloc : memref<!tpu.dma_semaphore, #tpu.memory_space<semaphore_mem>>
          %dma_start3A = arith.constant 0 : i32
          %dma_start3A_90 = arith.constant 0 : i32
          %dma_start3A_91 = tpu.memref_slice %arg19[%dma_start3A, %dma_start3A_90] : memref<10112x128xf32, #tpu.memory_space<vmem_shared>> -> memref<10112x128xf32, #tpu.memory_space<vmem_shared>>
          tpu.enqueue_indirect_dma source(%arg14 : memref<80x128xf32, #tpu.memory_space<vmem>>) target(%dma_start3A_91 : memref<10112x128xf32, #tpu.memory_space<vmem_shared>>) offsets(%arg9 : memref<80xi32, #tpu.memory_space<vmem>>) semaphore(%run_scoped3A : memref<!tpu.dma_semaphore, #tpu.memory_space<semaphore_mem>>) {add = true}
          %dma_wait3A_92 = arith.constant 0 : i32
          %dma_wait3A_93 = arith.constant 0 : i32
          %dma_wait3A_94 = tpu.memref_slice %arg19[%dma_wait3A_92, %dma_wait3A_93] : memref<10112x128xf32, #tpu.memory_space<vmem_shared>> -> memref<10112x128xf32, #tpu.memory_space<vmem_shared>>
          tpu.wait_indirect_dma semaphore(%run_scoped3A : memref<!tpu.dma_semaphore, #tpu.memory_space<semaphore_mem>>) src(%arg14 : memref<80x128xf32, #tpu.memory_space<vmem>>) dst(%dma_wait3A_94 : memref<10112x128xf32, #tpu.memory_space<vmem_shared>>)
          tpu.yield
        }) : () -> ()
        "tpu.region"() ({
          %run_scoped3A = tpu.sem_alloc : memref<!tpu.dma_semaphore, #tpu.memory_space<semaphore_mem>>
          %dma_start3A = arith.constant 0 : i32
          %dma_start3A_90 = arith.constant 0 : i32
          %dma_start3A_91 = tpu.memref_slice %arg19[%dma_start3A, %dma_start3A_90] : memref<10112x128xf32, #tpu.memory_space<vmem_shared>> -> memref<10112x128xf32, #tpu.memory_space<vmem_shared>>
          tpu.enqueue_indirect_dma source(%arg15 : memref<80x128xf32, #tpu.memory_space<vmem>>) target(%dma_start3A_91 : memref<10112x128xf32, #tpu.memory_space<vmem_shared>>) offsets(%arg11 : memref<80xi32, #tpu.memory_space<vmem>>) semaphore(%run_scoped3A : memref<!tpu.dma_semaphore, #tpu.memory_space<semaphore_mem>>) {add = true}
          %dma_wait3A_92 = arith.constant 0 : i32
          %dma_wait3A_93 = arith.constant 0 : i32
          %dma_wait3A_94 = tpu.memref_slice %arg19[%dma_wait3A_92, %dma_wait3A_93] : memref<10112x128xf32, #tpu.memory_space<vmem_shared>> -> memref<10112x128xf32, #tpu.memory_space<vmem_shared>>
          tpu.wait_indirect_dma semaphore(%run_scoped3A : memref<!tpu.dma_semaphore, #tpu.memory_space<semaphore_mem>>) src(%arg15 : memref<80x128xf32, #tpu.memory_space<vmem>>) dst(%dma_wait3A_94 : memref<10112x128xf32, #tpu.memory_space<vmem_shared>>)
          tpu.yield
        }) : () -> ()
      } else {
      }
    }
    %scan3A_23 = arith.constant 8 : i32
    %barrier3A_24 = arith.constant 0 : index
    tpu.barrier barrier_id(%barrier3A_24)
    %eq3A = arith.constant 0 : i32
    %eq3A_25 = arith.cmpi eq, %arg0, %eq3A : i32
    %convert_element_type3A_26 = arith.extui %eq3A_25 : i1 to i32
    %cond3A_27 = arith.constant 0 : i32
    %cond3A_28 = arith.cmpi ne, %convert_element_type3A_26, %cond3A_27 : i32
    scf.if %cond3A_28 {
      %mul3A_34 = arith.constant 632 : i32
      %mul3A_35 = arith.muli %arg1, %mul3A_34 : i32
      %mul3A_36 = arith.constant 632 : i32
      %mul3A_37 = arith.muli %arg1, %mul3A_36 : i32
      "tpu.region"() ({
        %run_scoped3A = tpu.sem_alloc : memref<!tpu.dma_semaphore, #tpu.memory_space<semaphore_mem>>
        %dma_start3A = arith.constant 0 : i32
        %dma_start3A_38 = tpu.memref_slice %arg6[%mul3A_37, %dma_start3A] : memref<10112x128xf32, #tpu.memory_space<hbm>> -> memref<632x128xf32, #tpu.memory_space<hbm>>
        %dma_start3A_39 = arith.constant 0 : i32
        %dma_start3A_40 = tpu.memref_slice %arg19[%mul3A_35, %dma_start3A_39] : memref<10112x128xf32, #tpu.memory_space<vmem_shared>> -> memref<632x128xf32, #tpu.memory_space<vmem_shared>>
        tpu.enqueue_dma source(%dma_start3A_40 : memref<632x128xf32, #tpu.memory_space<vmem_shared>>) target(%dma_start3A_38 : memref<632x128xf32, #tpu.memory_space<hbm>>) target_semaphore(%run_scoped3A : memref<!tpu.dma_semaphore, #tpu.memory_space<semaphore_mem>>)
        %dma_wait3A = arith.constant 0 : i32
        %dma_wait3A_41 = tpu.memref_slice %arg6[%mul3A_37, %dma_wait3A] : memref<10112x128xf32, #tpu.memory_space<hbm>> -> memref<632x128xf32, #tpu.memory_space<hbm>>
        %dma_wait3A_42 = arith.constant 0 : i32
        %dma_wait3A_43 = tpu.memref_slice %arg19[%mul3A_35, %dma_wait3A_42] : memref<10112x128xf32, #tpu.memory_space<vmem_shared>> -> memref<632x128xf32, #tpu.memory_space<vmem_shared>>
        tpu.wait_dma2 semaphore(%run_scoped3A : memref<!tpu.dma_semaphore, #tpu.memory_space<semaphore_mem>>) src(%dma_wait3A_43 : memref<632x128xf32, #tpu.memory_space<vmem_shared>>) dst(%dma_wait3A_41 : memref<632x128xf32, #tpu.memory_space<hbm>>)
        tpu.yield
      }) : () -> ()
    } else {
    }
    %eq3A_29 = arith.constant 1 : i32
    %eq3A_30 = arith.cmpi eq, %arg0, %eq3A_29 : i32
    %convert_element_type3A_31 = arith.extui %eq3A_30 : i1 to i32
    %cond3A_32 = arith.constant 0 : i32
    %cond3A_33 = arith.cmpi ne, %convert_element_type3A_31, %cond3A_32 : i32
    scf.if %cond3A_33 {
      %mul3A_34 = arith.constant 632 : i32
      %mul3A_35 = arith.muli %arg1, %mul3A_34 : i32
      %mul3A_36 = arith.constant 632 : i32
      %mul3A_37 = arith.muli %arg1, %mul3A_36 : i32
      "tpu.region"() ({
        %run_scoped3A = tpu.sem_alloc : memref<!tpu.dma_semaphore, #tpu.memory_space<semaphore_mem>>
        %dma_start3A = arith.constant 0 : i32
        %dma_start3A_38 = tpu.memref_slice %arg7[%mul3A_37, %dma_start3A] : memref<10112x128xf32, #tpu.memory_space<hbm>> -> memref<632x128xf32, #tpu.memory_space<hbm>>
        %dma_start3A_39 = arith.constant 0 : i32
        %dma_start3A_40 = tpu.memref_slice %arg19[%mul3A_35, %dma_start3A_39] : memref<10112x128xf32, #tpu.memory_space<vmem_shared>> -> memref<632x128xf32, #tpu.memory_space<vmem_shared>>
        tpu.enqueue_dma source(%dma_start3A_40 : memref<632x128xf32, #tpu.memory_space<vmem_shared>>) target(%dma_start3A_38 : memref<632x128xf32, #tpu.memory_space<hbm>>) target_semaphore(%run_scoped3A : memref<!tpu.dma_semaphore, #tpu.memory_space<semaphore_mem>>)
        %dma_wait3A = arith.constant 0 : i32
        %dma_wait3A_41 = tpu.memref_slice %arg7[%mul3A_37, %dma_wait3A] : memref<10112x128xf32, #tpu.memory_space<hbm>> -> memref<632x128xf32, #tpu.memory_space<hbm>>
        %dma_wait3A_42 = arith.constant 0 : i32
        %dma_wait3A_43 = tpu.memref_slice %arg19[%mul3A_35, %dma_wait3A_42] : memref<10112x128xf32, #tpu.memory_space<vmem_shared>> -> memref<632x128xf32, #tpu.memory_space<vmem_shared>>
        tpu.wait_dma2 semaphore(%run_scoped3A : memref<!tpu.dma_semaphore, #tpu.memory_space<semaphore_mem>>) src(%dma_wait3A_43 : memref<632x128xf32, #tpu.memory_space<vmem_shared>>) dst(%dma_wait3A_41 : memref<632x128xf32, #tpu.memory_space<hbm>>)
        tpu.yield
      }) : () -> ()
    } else {
    }
    return
  }
}

module attributes {stable_mosaic.version = 14 : i64} {
  func.func @_stats_body(%arg0: memref<10000x49xf32, #tpu.memory_space<vmem>>, %arg1: memref<49x49xf32, #tpu.memory_space<vmem>>) attributes {dimension_semantics = [], scalar_prefetch = 0 : i64, scratch_operands = 0 : i64, tpu.core_type = #tpu.core_type<tc>} {
    %get3A = arith.constant 0 : index
    %get3A_0 = arith.constant 0 : index
    %get3A_1 = vector.load %arg0[%get3A, %get3A_0] : memref<10000x49xf32, #tpu.memory_space<vmem>>, vector<10000x49xf32>
    %dot_general3A = arith.constant dense<0.000000e+00> : vector<49x49xf32>
    %dot_general3A_2 = tpu.matmul %get3A_1, %get3A_1, %dot_general3A {dimension_numbers = #tpu.dot_dimension_numbers<[0], [0], [1], [1], [0, 1, 1, 1], [], []>, transpose_lhs_hint = false} : vector<10000x49xf32>, vector<10000x49xf32>, vector<49x49xf32> -> vector<49x49xf32>
    %swap3A = arith.constant 0 : index
    %swap3A_3 = arith.constant 0 : index
    %swap3A_4 = vector.load %arg1[%swap3A, %swap3A_3] : memref<49x49xf32, #tpu.memory_space<vmem>>, vector<49x49xf32>
    tpu.vector_store %arg1[%swap3A, %swap3A_3], %dot_general3A_2 {strides = array<i32>} : memref<49x49xf32, #tpu.memory_space<vmem>>, vector<49x49xf32>,
    return
  }
}

module attributes {stable_mosaic.version = 14 : i64} {
  func.func @_main_body(%arg0: i32, %arg1: memref<640x256xf32, #tpu.memory_space<vmem>>, %arg2: memref<640x256xf32, #tpu.memory_space<vmem>>, %arg3: memref<640x4xf32, #tpu.memory_space<vmem>>, %arg4: memref<640x4xf32, #tpu.memory_space<vmem>>, %arg5: memref<256x32xf32, #tpu.memory_space<vmem>>, %arg6: memref<256x32xf32, #tpu.memory_space<vmem>>, %arg7: memref<4x4xf32, #tpu.memory_space<vmem>>, %arg8: memref<1x4xf32, #tpu.memory_space<vmem>>, %arg9: memref<4x32xf32, #tpu.memory_space<vmem>>, %arg10: memref<1x32xf32, #tpu.memory_space<vmem>>, %arg11: memref<1x32xf32, #tpu.memory_space<vmem>>, %arg12: memref<640x128xf32, #tpu.memory_space<vmem>>, %arg13: memref<1x1xf32, #tpu.memory_space<smem>>) attributes {dimension_semantics = [#tpu.dimension_semantics<arbitrary>], iteration_bounds = array<i64: 61>, scalar_prefetch = 0 : i64, scratch_operands = 0 : i64, tpu.core_type = #tpu.core_type<tc>, window_params = [{transform_indices = @transform_0, window_bounds = array<i64: 640, 256>}, {transform_indices = @transform_1, window_bounds = array<i64: 640, 256>}, {transform_indices = @transform_2, window_bounds = array<i64: 640, 4>}, {transform_indices = @transform_3, window_bounds = array<i64: 640, 4>}, {pipeline_mode = #tpu.pipeline_mode<synchronous>, transform_indices = @transform_4, window_bounds = array<i64: 256, 32>}, {pipeline_mode = #tpu.pipeline_mode<synchronous>, transform_indices = @transform_5, window_bounds = array<i64: 256, 32>}, {pipeline_mode = #tpu.pipeline_mode<synchronous>, transform_indices = @transform_6, window_bounds = array<i64: 4, 4>}, {pipeline_mode = #tpu.pipeline_mode<synchronous>, transform_indices = @transform_7, window_bounds = array<i64: 1, 4>}, {pipeline_mode = #tpu.pipeline_mode<synchronous>, transform_indices = @transform_8, window_bounds = array<i64: 4, 32>}, {pipeline_mode = #tpu.pipeline_mode<synchronous>, transform_indices = @transform_9, window_bounds = array<i64: 1, 32>}, {pipeline_mode = #tpu.pipeline_mode<synchronous>, transform_indices = @transform_10, window_bounds = array<i64: 1, 32>}, {transform_indices = @transform_11, window_bounds = array<i64: 640, 128>}, {transform_indices = @transform_12, window_bounds = array<i64: 1, 1>}]} {
    %get3A = arith.constant 0 : index
    %get3A_0 = arith.constant 0 : index
    %get3A_1 = vector.load %arg1[%get3A, %get3A_0] : memref<640x256xf32, #tpu.memory_space<vmem>>, vector<640x256xf32>
    %get3A_2 = arith.constant 0 : index
    %get3A_3 = arith.constant 0 : index
    %get3A_4 = vector.load %arg3[%get3A_2, %get3A_3] : memref<640x4xf32, #tpu.memory_space<vmem>>, vector<640x4xf32>
    %get3A_5 = arith.constant 0 : index
    %get3A_6 = arith.constant 0 : index
    %get3A_7 = vector.load %arg5[%get3A_5, %get3A_6] : memref<256x32xf32, #tpu.memory_space<vmem>>, vector<256x32xf32>
    %dot_general3A = arith.constant dense<0.000000e+00> : vector<640x32xf32>
    %dot_general3A_8 = tpu.matmul %get3A_1, %get3A_7, %dot_general3A {dimension_numbers = #tpu.dot_dimension_numbers<[1], [0], [0], [1], [0, 0, 1, 1], [], []>, transpose_lhs_hint = false} : vector<640x256xf32>, vector<256x32xf32>, vector<640x32xf32> -> vector<640x32xf32>
    %get3A_9 = arith.constant 0 : index
    %get3A_10 = arith.constant 0 : index
    %get3A_11 = vector.load %arg7[%get3A_9, %get3A_10] : memref<4x4xf32, #tpu.memory_space<vmem>>, vector<4x4xf32>
    %dot_general3A_12 = arith.constant dense<0.000000e+00> : vector<640x4xf32>
    %dot_general3A_13 = tpu.matmul %get3A_4, %get3A_11, %dot_general3A_12 {dimension_numbers = #tpu.dot_dimension_numbers<[1], [0], [0], [1], [0, 0, 1, 1], [], []>, transpose_lhs_hint = false} : vector<640x4xf32>, vector<4x4xf32>, vector<640x4xf32> -> vector<640x4xf32>
    %get3A_14 = arith.constant 0 : index
    %get3A_15 = arith.constant 0 : index
    %get3A_16 = vector.load %arg8[%get3A_14, %get3A_15] : memref<1x4xf32, #tpu.memory_space<vmem>>, vector<1x4xf32>
    %add3A = vector.broadcast %get3A_16 : vector<1x4xf32> to vector<640x4xf32>
    %add3A_17 = arith.addf %dot_general3A_13, %add3A : vector<640x4xf32>
    %max3A = arith.constant 0.000000e+00 : f32
    %max3A_18 = vector.broadcast %max3A : f32 to vector<640x4xf32>
    %max3A_19 = arith.maximumf %add3A_17, %max3A_18 : vector<640x4xf32>
    %get3A_20 = arith.constant 0 : index
    %get3A_21 = arith.constant 0 : index
    %get3A_22 = vector.load %arg9[%get3A_20, %get3A_21] : memref<4x32xf32, #tpu.memory_space<vmem>>, vector<4x32xf32>
    %dot_general3A_23 = arith.constant dense<0.000000e+00> : vector<640x32xf32>
    %dot_general3A_24 = tpu.matmul %max3A_19, %get3A_22, %dot_general3A_23 {dimension_numbers = #tpu.dot_dimension_numbers<[1], [0], [0], [1], [0, 0, 1, 1], [], []>, transpose_lhs_hint = false} : vector<640x4xf32>, vector<4x32xf32>, vector<640x32xf32> -> vector<640x32xf32>
    %add3A_25 = arith.addf %dot_general3A_8, %dot_general3A_24 : vector<640x32xf32>
    %get3A_26 = arith.constant 0 : index
    %get3A_27 = arith.constant 0 : index
    %get3A_28 = vector.load %arg10[%get3A_26, %get3A_27] : memref<1x32xf32, #tpu.memory_space<vmem>>, vector<1x32xf32>
    %add3A_29 = vector.broadcast %get3A_28 : vector<1x32xf32> to vector<640x32xf32>
    %add3A_30 = arith.addf %add3A_25, %add3A_29 : vector<640x32xf32>
    %get3A_31 = arith.constant 0 : index
    %get3A_32 = arith.constant 0 : index
    %get3A_33 = vector.load %arg6[%get3A_31, %get3A_32] : memref<256x32xf32, #tpu.memory_space<vmem>>, vector<256x32xf32>
    %dot_general3A_34 = arith.constant dense<0.000000e+00> : vector<640x32xf32>
    %dot_general3A_35 = tpu.matmul %get3A_1, %get3A_33, %dot_general3A_34 {dimension_numbers = #tpu.dot_dimension_numbers<[1], [0], [0], [1], [0, 0, 1, 1], [], []>, transpose_lhs_hint = false} : vector<640x256xf32>, vector<256x32xf32>, vector<640x32xf32> -> vector<640x32xf32>
    %get3A_36 = arith.constant 0 : index
    %get3A_37 = arith.constant 0 : index
    %get3A_38 = vector.load %arg11[%get3A_36, %get3A_37] : memref<1x32xf32, #tpu.memory_space<vmem>>, vector<1x32xf32>
    %add3A_39 = vector.broadcast %get3A_38 : vector<1x32xf32> to vector<640x32xf32>
    %add3A_40 = arith.addf %dot_general3A_35, %add3A_39 : vector<640x32xf32>
    %get3A_41 = arith.constant 0 : index
    %get3A_42 = arith.constant 0 : index
    %get3A_43 = vector.load %arg2[%get3A_41, %get3A_42] : memref<640x256xf32, #tpu.memory_space<vmem>>, vector<640x256xf32>
    %get3A_44 = arith.constant 0 : index
    %get3A_45 = arith.constant 0 : index
    %get3A_46 = vector.load %arg4[%get3A_44, %get3A_45] : memref<640x4xf32, #tpu.memory_space<vmem>>, vector<640x4xf32>
    %get3A_47 = arith.constant 0 : index
    %get3A_48 = arith.constant 0 : index
    %get3A_49 = vector.load %arg5[%get3A_47, %get3A_48] : memref<256x32xf32, #tpu.memory_space<vmem>>, vector<256x32xf32>
    %dot_general3A_50 = arith.constant dense<0.000000e+00> : vector<640x32xf32>
    %dot_general3A_51 = tpu.matmul %get3A_43, %get3A_49, %dot_general3A_50 {dimension_numbers = #tpu.dot_dimension_numbers<[1], [0], [0], [1], [0, 0, 1, 1], [], []>, transpose_lhs_hint = false} : vector<640x256xf32>, vector<256x32xf32>, vector<640x32xf32> -> vector<640x32xf32>
    %get3A_52 = arith.constant 0 : index
    %get3A_53 = arith.constant 0 : index
    %get3A_54 = vector.load %arg7[%get3A_52, %get3A_53] : memref<4x4xf32, #tpu.memory_space<vmem>>, vector<4x4xf32>
    %dot_general3A_55 = arith.constant dense<0.000000e+00> : vector<640x4xf32>
    %dot_general3A_56 = tpu.matmul %get3A_46, %get3A_54, %dot_general3A_55 {dimension_numbers = #tpu.dot_dimension_numbers<[1], [0], [0], [1], [0, 0, 1, 1], [], []>, transpose_lhs_hint = false} : vector<640x4xf32>, vector<4x4xf32>, vector<640x4xf32> -> vector<640x4xf32>
    %get3A_57 = arith.constant 0 : index
    %get3A_58 = arith.constant 0 : index
    %get3A_59 = vector.load %arg8[%get3A_57, %get3A_58] : memref<1x4xf32, #tpu.memory_space<vmem>>, vector<1x4xf32>
    %add3A_60 = vector.broadcast %get3A_59 : vector<1x4xf32> to vector<640x4xf32>
    %add3A_61 = arith.addf %dot_general3A_56, %add3A_60 : vector<640x4xf32>
    %max3A_62 = arith.constant 0.000000e+00 : f32
    %max3A_63 = vector.broadcast %max3A_62 : f32 to vector<640x4xf32>
    %max3A_64 = arith.maximumf %add3A_61, %max3A_63 : vector<640x4xf32>
    %get3A_65 = arith.constant 0 : index
    %get3A_66 = arith.constant 0 : index
    %get3A_67 = vector.load %arg9[%get3A_65, %get3A_66] : memref<4x32xf32, #tpu.memory_space<vmem>>, vector<4x32xf32>
    %dot_general3A_68 = arith.constant dense<0.000000e+00> : vector<640x32xf32>
    %dot_general3A_69 = tpu.matmul %max3A_64, %get3A_67, %dot_general3A_68 {dimension_numbers = #tpu.dot_dimension_numbers<[1], [0], [0], [1], [0, 0, 1, 1], [], []>, transpose_lhs_hint = false} : vector<640x4xf32>, vector<4x32xf32>, vector<640x32xf32> -> vector<640x32xf32>
    %add3A_70 = arith.addf %dot_general3A_51, %dot_general3A_69 : vector<640x32xf32>
    %get3A_71 = arith.constant 0 : index
    %get3A_72 = arith.constant 0 : index
    %get3A_73 = vector.load %arg10[%get3A_71, %get3A_72] : memref<1x32xf32, #tpu.memory_space<vmem>>, vector<1x32xf32>
    %add3A_74 = vector.broadcast %get3A_73 : vector<1x32xf32> to vector<640x32xf32>
    %add3A_75 = arith.addf %add3A_70, %add3A_74 : vector<640x32xf32>
    %get3A_76 = arith.constant 0 : index
    %get3A_77 = arith.constant 0 : index
    %get3A_78 = vector.load %arg6[%get3A_76, %get3A_77] : memref<256x32xf32, #tpu.memory_space<vmem>>, vector<256x32xf32>
    %dot_general3A_79 = arith.constant dense<0.000000e+00> : vector<640x32xf32>
    %dot_general3A_80 = tpu.matmul %get3A_43, %get3A_78, %dot_general3A_79 {dimension_numbers = #tpu.dot_dimension_numbers<[1], [0], [0], [1], [0, 0, 1, 1], [], []>, transpose_lhs_hint = false} : vector<640x256xf32>, vector<256x32xf32>, vector<640x32xf32> -> vector<640x32xf32>
    %get3A_81 = arith.constant 0 : index
    %get3A_82 = arith.constant 0 : index
    %get3A_83 = vector.load %arg11[%get3A_81, %get3A_82] : memref<1x32xf32, #tpu.memory_space<vmem>>, vector<1x32xf32>
    %add3A_84 = vector.broadcast %get3A_83 : vector<1x32xf32> to vector<640x32xf32>
    %add3A_85 = arith.addf %dot_general3A_80, %add3A_84 : vector<640x32xf32>
    %concatenate3A = tpu.concatenate %add3A_30, %add3A_40, %add3A_75, %add3A_85 in 1 : vector<640x32xf32>, vector<640x32xf32>, vector<640x32xf32>, vector<640x32xf32> -> vector<640x128xf32>
    %swap3A = arith.constant 0 : index
    %swap3A_86 = arith.constant 0 : index
    %swap3A_87 = vector.load %arg12[%swap3A, %swap3A_86] : memref<640x128xf32, #tpu.memory_space<vmem>>, vector<640x128xf32>
    tpu.vector_store %arg12[%swap3A, %swap3A_86], %concatenate3A {strides = array<i32>} : memref<640x128xf32, #tpu.memory_space<vmem>>, vector<640x128xf32>,
    %eq3A = arith.constant 0 : i32
    %eq3A_88 = arith.cmpi eq, %arg0, %eq3A : i32
    %convert_element_type3A = arith.extui %eq3A_88 : i1 to i32
    %cond3A = arith.constant 0 : i32
    %cond3A_89 = arith.cmpi ne, %convert_element_type3A, %cond3A : i32
    scf.if %cond3A_89 {
      %swap3A_107 = arith.constant 0xFF800000 : f32
      %swap3A_108 = arith.constant 0 : index
      %swap3A_109 = arith.constant 0 : index
      %swap3A_110 = memref.load %arg13[%swap3A_108, %swap3A_109] : memref<1x1xf32, #tpu.memory_space<smem>>
      memref.store %swap3A_107, %arg13[%swap3A_108, %swap3A_109] : memref<1x1xf32, #tpu.memory_space<smem>>
    } else {
    }
    %get3A_90 = arith.constant 0 : index
    %get3A_91 = arith.constant 0 : index
    %get3A_92 = memref.load %arg13[%get3A_90, %get3A_91] : memref<1x1xf32, #tpu.memory_space<smem>>
    %reduce_max3A = vector.shape_cast %add3A_30 : vector<640x32xf32> to vector<1x640x32xf32>
    %reduce_max3A_93 = arith.constant dense<0xFF800000> : vector<1xf32>
    %reduce_max3A_94 = vector.multi_reduction <maximumf>, %reduce_max3A, %reduce_max3A_93 [1, 2] : vector<1x640x32xf32> to vector<1xf32>
    %reduce_max3A_95 = vector.shape_cast %reduce_max3A_94 : vector<1xf32> to vector<1x1x1xf32>
    %reduce_max3A_96 = vector.extract %reduce_max3A_95[0, 0, 0] : f32 from vector<1x1x1xf32>
    %reduce_max3A_97 = vector.shape_cast %add3A_75 : vector<640x32xf32> to vector<1x640x32xf32>
    %reduce_max3A_98 = arith.constant dense<0xFF800000> : vector<1xf32>
    %reduce_max3A_99 = vector.multi_reduction <maximumf>, %reduce_max3A_97, %reduce_max3A_98 [1, 2] : vector<1x640x32xf32> to vector<1xf32>
    %reduce_max3A_100 = vector.shape_cast %reduce_max3A_99 : vector<1xf32> to vector<1x1x1xf32>
    %reduce_max3A_101 = vector.extract %reduce_max3A_100[0, 0, 0] : f32 from vector<1x1x1xf32>
    %max3A_102 = arith.maximumf %reduce_max3A_96, %reduce_max3A_101 : f32
    %max3A_103 = arith.maximumf %get3A_92, %max3A_102 : f32
    %swap3A_104 = arith.constant 0 : index
    %swap3A_105 = arith.constant 0 : index
    %swap3A_106 = memref.load %arg13[%swap3A_104, %swap3A_105] : memref<1x1xf32, #tpu.memory_space<smem>>
    memref.store %max3A_103, %arg13[%swap3A_104, %swap3A_105] : memref<1x1xf32, #tpu.memory_space<smem>>
    return
  }
  func.func @transform_0(%arg0: i32) -> (i32, i32) {
    %add3A = arith.constant 128 : i32
    %add3A_0 = arith.addi %arg0, %add3A : i32
    %c0_i32 = arith.constant 0 : i32
    %c0_i32_1 = arith.constant 0 : i32
    return %add3A_0, %c0_i32 : i32, i32
  }
  func.func @transform_1(%arg0: i32) -> (i32, i32) {
    %add3A = arith.constant 189 : i32
    %add3A_0 = arith.addi %arg0, %add3A : i32
    %c0_i32 = arith.constant 0 : i32
    %c0_i32_1 = arith.constant 0 : i32
    return %add3A_0, %c0_i32 : i32, i32
  }
  func.func @transform_2(%arg0: i32) -> (i32, i32) {
    %add3A = arith.constant 128 : i32
    %add3A_0 = arith.addi %arg0, %add3A : i32
    %c0_i32 = arith.constant 0 : i32
    %c0_i32_1 = arith.constant 0 : i32
    return %add3A_0, %c0_i32 : i32, i32
  }
  func.func @transform_3(%arg0: i32) -> (i32, i32) {
    %add3A = arith.constant 189 : i32
    %add3A_0 = arith.addi %arg0, %add3A : i32
    %c0_i32 = arith.constant 0 : i32
    %c0_i32_1 = arith.constant 0 : i32
    return %add3A_0, %c0_i32 : i32, i32
  }
  func.func @transform_4(%arg0: i32) -> (i32, i32) {
    %c0_i32 = arith.constant 0 : i32
    %c0_i32_0 = arith.constant 0 : i32
    %c0_i32_1 = arith.constant 0 : i32
    return %c0_i32, %c0_i32_0 : i32, i32
  }
  func.func @transform_5(%arg0: i32) -> (i32, i32) {
    %c0_i32 = arith.constant 0 : i32
    %c0_i32_0 = arith.constant 0 : i32
    %c0_i32_1 = arith.constant 0 : i32
    return %c0_i32, %c0_i32_0 : i32, i32
  }
  func.func @transform_6(%arg0: i32) -> (i32, i32) {
    %c0_i32 = arith.constant 0 : i32
    %c0_i32_0 = arith.constant 0 : i32
    %c0_i32_1 = arith.constant 0 : i32
    return %c0_i32, %c0_i32_0 : i32, i32
  }
  func.func @transform_7(%arg0: i32) -> (i32, i32) {
    %c0_i32 = arith.constant 0 : i32
    %c0_i32_0 = arith.constant 0 : i32
    %c0_i32_1 = arith.constant 0 : i32
    return %c0_i32, %c0_i32_0 : i32, i32
  }
  func.func @transform_8(%arg0: i32) -> (i32, i32) {
    %c0_i32 = arith.constant 0 : i32
    %c0_i32_0 = arith.constant 0 : i32
    %c0_i32_1 = arith.constant 0 : i32
    return %c0_i32, %c0_i32_0 : i32, i32
  }
  func.func @transform_9(%arg0: i32) -> (i32, i32) {
    %c0_i32 = arith.constant 0 : i32
    %c0_i32_0 = arith.constant 0 : i32
    %c0_i32_1 = arith.constant 0 : i32
    return %c0_i32, %c0_i32_0 : i32, i32
  }
  func.func @transform_10(%arg0: i32) -> (i32, i32) {
    %c0_i32 = arith.constant 0 : i32
    %c0_i32_0 = arith.constant 0 : i32
    %c0_i32_1 = arith.constant 0 : i32
    return %c0_i32, %c0_i32_0 : i32, i32
  }
  func.func @transform_11(%arg0: i32) -> (i32, i32) {
    %c0_i32 = arith.constant 0 : i32
    %c0_i32_0 = arith.constant 0 : i32
    return %arg0, %c0_i32 : i32, i32
  }
  func.func @transform_12(%arg0: i32) -> (i32, i32) {
    %c0_i32 = arith.constant 0 : i32
    %c0_i32_0 = arith.constant 0 : i32
    %c0_i32_1 = arith.constant 0 : i32
    return %c0_i32, %c0_i32_0 : i32, i32
  }
}

module attributes {stable_mosaic.version = 14 : i64} {
  func.func @_combine_body(%arg0: i32, %arg1: memref<2000x128xf32, #tpu.memory_space<vmem>>, %arg2: memref<2000x128xf32, #tpu.memory_space<vmem>>, %arg3: memref<2000x128xf32, #tpu.memory_space<vmem>>, %arg4: memref<2000x128xf32, #tpu.memory_space<vmem>>, %arg5: memref<1x1xf32, #tpu.memory_space<smem>>, %arg6: memref<1x1xf32, #tpu.memory_space<smem>>, %arg7: memref<2000x256xf32, #tpu.memory_space<vmem>>, %arg8: memref<2000x256xf32, #tpu.memory_space<vmem>>) attributes {dimension_semantics = [#tpu.dimension_semantics<arbitrary>], iteration_bounds = array<i64: 5>, scalar_prefetch = 0 : i64, scratch_operands = 0 : i64, tpu.core_type = #tpu.core_type<tc>, window_params = [{transform_indices = @transform_0, window_bounds = array<i64: 2000, 128>}, {transform_indices = @transform_1, window_bounds = array<i64: 2000, 128>}, {transform_indices = @transform_2, window_bounds = array<i64: 2000, 128>}, {transform_indices = @transform_3, window_bounds = array<i64: 2000, 128>}, {transform_indices = @transform_4, window_bounds = array<i64: 1, 1>}, {transform_indices = @transform_5, window_bounds = array<i64: 1, 1>}, {transform_indices = @transform_6, window_bounds = array<i64: 2000, 256>}, {transform_indices = @transform_7, window_bounds = array<i64: 2000, 256>}]} {
    %get3A = arith.constant 0 : index
    %get3A_0 = arith.constant 0 : index
    %get3A_1 = memref.load %arg5[%get3A, %get3A_0] : memref<1x1xf32, #tpu.memory_space<smem>>
    %get3A_2 = arith.constant 0 : index
    %get3A_3 = arith.constant 0 : index
    %get3A_4 = memref.load %arg6[%get3A_2, %get3A_3] : memref<1x1xf32, #tpu.memory_space<smem>>
    %get3A_5 = arith.constant 0 : index
    %get3A_6 = arith.constant 0 : index
    %get3A_7 = vector.load %arg1[%get3A_5, %get3A_6] : memref<2000x128xf32, #tpu.memory_space<vmem>>, vector<2000x128xf32>
    %get3A_8 = arith.constant 0 : index
    %get3A_9 = arith.constant 0 : index
    %get3A_10 = vector.load %arg2[%get3A_8, %get3A_9] : memref<2000x128xf32, #tpu.memory_space<vmem>>, vector<2000x128xf32>
    %add3A = arith.addf %get3A_7, %get3A_10 : vector<2000x128xf32>
    %get3A_11 = arith.constant 0 : index
    %get3A_12 = arith.constant 0 : index
    %get3A_13 = vector.load %arg3[%get3A_11, %get3A_12] : memref<2000x128xf32, #tpu.memory_space<vmem>>, vector<2000x128xf32>
    %get3A_14 = arith.constant 0 : index
    %get3A_15 = arith.constant 0 : index
    %get3A_16 = vector.load %arg4[%get3A_14, %get3A_15] : memref<2000x128xf32, #tpu.memory_space<vmem>>, vector<2000x128xf32>
    %add3A_17 = arith.addf %get3A_13, %get3A_16 : vector<2000x128xf32>
    %slice3A = vector.extract_strided_slice %add3A {offsets = [0, 0], sizes = [2000, 32], strides = [1, 1]} : vector<2000x128xf32> to vector<2000x32xf32>
    %mul3A = vector.broadcast %get3A_1 : f32 to vector<2000x32xf32>
    %mul3A_18 = arith.mulf %mul3A, %slice3A : vector<2000x32xf32>
    %slice3A_19 = vector.extract_strided_slice %add3A_17 {offsets = [0, 0], sizes = [2000, 32], strides = [1, 1]} : vector<2000x128xf32> to vector<2000x32xf32>
    %mul3A_20 = vector.broadcast %get3A_4 : f32 to vector<2000x32xf32>
    %mul3A_21 = arith.mulf %mul3A_20, %slice3A_19 : vector<2000x32xf32>
    %add3A_22 = arith.addf %mul3A_18, %mul3A_21 : vector<2000x32xf32>
    %slice3A_23 = vector.extract_strided_slice %add3A {offsets = [0, 32], sizes = [2000, 32], strides = [1, 1]} : vector<2000x128xf32> to vector<2000x32xf32>
    %mul3A_24 = vector.broadcast %get3A_1 : f32 to vector<2000x32xf32>
    %mul3A_25 = arith.mulf %mul3A_24, %slice3A_23 : vector<2000x32xf32>
    %slice3A_26 = vector.extract_strided_slice %add3A_17 {offsets = [0, 32], sizes = [2000, 32], strides = [1, 1]} : vector<2000x128xf32> to vector<2000x32xf32>
    %mul3A_27 = vector.broadcast %get3A_4 : f32 to vector<2000x32xf32>
    %mul3A_28 = arith.mulf %mul3A_27, %slice3A_26 : vector<2000x32xf32>
    %add3A_29 = arith.addf %mul3A_25, %mul3A_28 : vector<2000x32xf32>
    %gt3A = arith.constant 0.000000e+00 : f32
    %gt3A_30 = vector.broadcast %gt3A : f32 to vector<2000x32xf32>
    %gt3A_31 = arith.cmpf ogt, %add3A_22, %gt3A_30 : vector<2000x32xf32>
    %div3A = arith.divf %add3A_29, %add3A_22 : vector<2000x32xf32>
    %jit3A = arith.constant 0.000000e+00 : f32
    %broadcast_in_dim3A = vector.broadcast %jit3A : f32 to vector<2000x32xf32>
    %select_n3A = arith.select %gt3A_31, %div3A, %broadcast_in_dim3A : vector<2000x32xi1>, vector<2000x32xf32>
    %get3A_32 = arith.constant 0 : index
    %get3A_33 = arith.constant 0 : index
    %get3A_34 = vector.load %arg7[%get3A_32, %get3A_33] : memref<2000x256xf32, #tpu.memory_space<vmem>>, vector<2000x256xf32>
    %concatenate3A = tpu.concatenate %select_n3A, %select_n3A, %select_n3A, %select_n3A, %select_n3A, %select_n3A, %select_n3A, %select_n3A in 1 : vector<2000x32xf32>, vector<2000x32xf32>, vector<2000x32xf32>, vector<2000x32xf32>, vector<2000x32xf32>, vector<2000x32xf32>, vector<2000x32xf32>, vector<2000x32xf32> -> vector<2000x256xf32>
    %add3A_35 = arith.addf %get3A_34, %concatenate3A : vector<2000x256xf32>
    %swap3A = arith.constant 0 : index
    %swap3A_36 = arith.constant 0 : index
    %swap3A_37 = vector.load %arg8[%swap3A, %swap3A_36] : memref<2000x256xf32, #tpu.memory_space<vmem>>, vector<2000x256xf32>
    tpu.vector_store %arg8[%swap3A, %swap3A_36], %add3A_35 {strides = array<i32>} : memref<2000x256xf32, #tpu.memory_space<vmem>>, vector<2000x256xf32>,
    return
  }
  func.func @transform_0(%arg0: i32) -> (i32, i32) {
    %c0_i32 = arith.constant 0 : i32
    %c0_i32_0 = arith.constant 0 : i32
    return %arg0, %c0_i32 : i32, i32
  }
  func.func @transform_1(%arg0: i32) -> (i32, i32) {
    %c0_i32 = arith.constant 0 : i32
    %c0_i32_0 = arith.constant 0 : i32
    return %arg0, %c0_i32 : i32, i32
  }
  func.func @transform_2(%arg0: i32) -> (i32, i32) {
    %c0_i32 = arith.constant 0 : i32
    %c0_i32_0 = arith.constant 0 : i32
    return %arg0, %c0_i32 : i32, i32
  }
  func.func @transform_3(%arg0: i32) -> (i32, i32) {
    %c0_i32 = arith.constant 0 : i32
    %c0_i32_0 = arith.constant 0 : i32
    return %arg0, %c0_i32 : i32, i32
  }
  func.func @transform_4(%arg0: i32) -> (i32, i32) {
    %c0_i32 = arith.constant 0 : i32
    %c0_i32_0 = arith.constant 0 : i32
    %c0_i32_1 = arith.constant 0 : i32
    return %c0_i32, %c0_i32_0 : i32, i32
  }
  func.func @transform_5(%arg0: i32) -> (i32, i32) {
    %c0_i32 = arith.constant 0 : i32
    %c0_i32_0 = arith.constant 0 : i32
    %c0_i32_1 = arith.constant 0 : i32
    return %c0_i32, %c0_i32_0 : i32, i32
  }
  func.func @transform_6(%arg0: i32) -> (i32, i32) {
    %c0_i32 = arith.constant 0 : i32
    %c0_i32_0 = arith.constant 0 : i32
    return %arg0, %c0_i32 : i32, i32
  }
  func.func @transform_7(%arg0: i32) -> (i32, i32) {
    %c0_i32 = arith.constant 0 : i32
    %c0_i32_0 = arith.constant 0 : i32
    return %arg0, %c0_i32 : i32, i32
  }
}

module attributes {stable_mosaic.version = 14 : i64} {
  func.func @_main_body(%arg0: i32, %arg1: memref<640x256xf32, #tpu.memory_space<vmem>>, %arg2: memref<640x256xf32, #tpu.memory_space<vmem>>, %arg3: memref<640x4xf32, #tpu.memory_space<vmem>>, %arg4: memref<640x4xf32, #tpu.memory_space<vmem>>, %arg5: memref<256x32xf32, #tpu.memory_space<vmem>>, %arg6: memref<256x32xf32, #tpu.memory_space<vmem>>, %arg7: memref<4x4xf32, #tpu.memory_space<vmem>>, %arg8: memref<1x4xf32, #tpu.memory_space<vmem>>, %arg9: memref<4x32xf32, #tpu.memory_space<vmem>>, %arg10: memref<1x32xf32, #tpu.memory_space<vmem>>, %arg11: memref<1x32xf32, #tpu.memory_space<vmem>>, %arg12: memref<640x128xf32, #tpu.memory_space<vmem>>, %arg13: memref<1x1xf32, #tpu.memory_space<smem>>) attributes {dimension_semantics = [#tpu.dimension_semantics<arbitrary>], iteration_bounds = array<i64: 64>, scalar_prefetch = 0 : i64, scratch_operands = 0 : i64, tpu.core_type = #tpu.core_type<tc>, window_params = [{transform_indices = @transform_0, window_bounds = array<i64: 640, 256>}, {transform_indices = @transform_1, window_bounds = array<i64: 640, 256>}, {transform_indices = @transform_2, window_bounds = array<i64: 640, 4>}, {transform_indices = @transform_3, window_bounds = array<i64: 640, 4>}, {pipeline_mode = #tpu.pipeline_mode<synchronous>, transform_indices = @transform_4, window_bounds = array<i64: 256, 32>}, {pipeline_mode = #tpu.pipeline_mode<synchronous>, transform_indices = @transform_5, window_bounds = array<i64: 256, 32>}, {pipeline_mode = #tpu.pipeline_mode<synchronous>, transform_indices = @transform_6, window_bounds = array<i64: 4, 4>}, {pipeline_mode = #tpu.pipeline_mode<synchronous>, transform_indices = @transform_7, window_bounds = array<i64: 1, 4>}, {pipeline_mode = #tpu.pipeline_mode<synchronous>, transform_indices = @transform_8, window_bounds = array<i64: 4, 32>}, {pipeline_mode = #tpu.pipeline_mode<synchronous>, transform_indices = @transform_9, window_bounds = array<i64: 1, 32>}, {pipeline_mode = #tpu.pipeline_mode<synchronous>, transform_indices = @transform_10, window_bounds = array<i64: 1, 32>}, {transform_indices = @transform_11, window_bounds = array<i64: 640, 128>}, {transform_indices = @transform_12, window_bounds = array<i64: 1, 1>}]} {
    %get3A = arith.constant 0 : index
    %get3A_0 = arith.constant 0 : index
    %get3A_1 = vector.load %arg1[%get3A, %get3A_0] : memref<640x256xf32, #tpu.memory_space<vmem>>, vector<640x256xf32>
    %get3A_2 = arith.constant 0 : index
    %get3A_3 = arith.constant 0 : index
    %get3A_4 = vector.load %arg3[%get3A_2, %get3A_3] : memref<640x4xf32, #tpu.memory_space<vmem>>, vector<640x4xf32>
    %get3A_5 = arith.constant 0 : index
    %get3A_6 = arith.constant 0 : index
    %get3A_7 = vector.load %arg5[%get3A_5, %get3A_6] : memref<256x32xf32, #tpu.memory_space<vmem>>, vector<256x32xf32>
    %dot_general3A = arith.constant dense<0.000000e+00> : vector<640x32xf32>
    %dot_general3A_8 = tpu.matmul %get3A_1, %get3A_7, %dot_general3A {dimension_numbers = #tpu.dot_dimension_numbers<[1], [0], [0], [1], [0, 0, 1, 1], [], []>, transpose_lhs_hint = false} : vector<640x256xf32>, vector<256x32xf32>, vector<640x32xf32> -> vector<640x32xf32>
    %get3A_9 = arith.constant 0 : index
    %get3A_10 = arith.constant 0 : index
    %get3A_11 = vector.load %arg7[%get3A_9, %get3A_10] : memref<4x4xf32, #tpu.memory_space<vmem>>, vector<4x4xf32>
    %dot_general3A_12 = arith.constant dense<0.000000e+00> : vector<640x4xf32>
    %dot_general3A_13 = tpu.matmul %get3A_4, %get3A_11, %dot_general3A_12 {dimension_numbers = #tpu.dot_dimension_numbers<[1], [0], [0], [1], [0, 0, 1, 1], [], []>, transpose_lhs_hint = false} : vector<640x4xf32>, vector<4x4xf32>, vector<640x4xf32> -> vector<640x4xf32>
    %get3A_14 = arith.constant 0 : index
    %get3A_15 = arith.constant 0 : index
    %get3A_16 = vector.load %arg8[%get3A_14, %get3A_15] : memref<1x4xf32, #tpu.memory_space<vmem>>, vector<1x4xf32>
    %add3A = vector.broadcast %get3A_16 : vector<1x4xf32> to vector<640x4xf32>
    %add3A_17 = arith.addf %dot_general3A_13, %add3A : vector<640x4xf32>
    %max3A = arith.constant 0.000000e+00 : f32
    %max3A_18 = vector.broadcast %max3A : f32 to vector<640x4xf32>
    %max3A_19 = arith.maximumf %add3A_17, %max3A_18 : vector<640x4xf32>
    %get3A_20 = arith.constant 0 : index
    %get3A_21 = arith.constant 0 : index
    %get3A_22 = vector.load %arg9[%get3A_20, %get3A_21] : memref<4x32xf32, #tpu.memory_space<vmem>>, vector<4x32xf32>
    %dot_general3A_23 = arith.constant dense<0.000000e+00> : vector<640x32xf32>
    %dot_general3A_24 = tpu.matmul %max3A_19, %get3A_22, %dot_general3A_23 {dimension_numbers = #tpu.dot_dimension_numbers<[1], [0], [0], [1], [0, 0, 1, 1], [], []>, transpose_lhs_hint = false} : vector<640x4xf32>, vector<4x32xf32>, vector<640x32xf32> -> vector<640x32xf32>
    %add3A_25 = arith.addf %dot_general3A_8, %dot_general3A_24 : vector<640x32xf32>
    %get3A_26 = arith.constant 0 : index
    %get3A_27 = arith.constant 0 : index
    %get3A_28 = vector.load %arg10[%get3A_26, %get3A_27] : memref<1x32xf32, #tpu.memory_space<vmem>>, vector<1x32xf32>
    %add3A_29 = vector.broadcast %get3A_28 : vector<1x32xf32> to vector<640x32xf32>
    %add3A_30 = arith.addf %add3A_25, %add3A_29 : vector<640x32xf32>
    %get3A_31 = arith.constant 0 : index
    %get3A_32 = arith.constant 0 : index
    %get3A_33 = vector.load %arg6[%get3A_31, %get3A_32] : memref<256x32xf32, #tpu.memory_space<vmem>>, vector<256x32xf32>
    %dot_general3A_34 = arith.constant dense<0.000000e+00> : vector<640x32xf32>
    %dot_general3A_35 = tpu.matmul %get3A_1, %get3A_33, %dot_general3A_34 {dimension_numbers = #tpu.dot_dimension_numbers<[1], [0], [0], [1], [0, 0, 1, 1], [], []>, transpose_lhs_hint = false} : vector<640x256xf32>, vector<256x32xf32>, vector<640x32xf32> -> vector<640x32xf32>
    %get3A_36 = arith.constant 0 : index
    %get3A_37 = arith.constant 0 : index
    %get3A_38 = vector.load %arg11[%get3A_36, %get3A_37] : memref<1x32xf32, #tpu.memory_space<vmem>>, vector<1x32xf32>
    %add3A_39 = vector.broadcast %get3A_38 : vector<1x32xf32> to vector<640x32xf32>
    %add3A_40 = arith.addf %dot_general3A_35, %add3A_39 : vector<640x32xf32>
    %get3A_41 = arith.constant 0 : index
    %get3A_42 = arith.constant 0 : index
    %get3A_43 = vector.load %arg2[%get3A_41, %get3A_42] : memref<640x256xf32, #tpu.memory_space<vmem>>, vector<640x256xf32>
    %get3A_44 = arith.constant 0 : index
    %get3A_45 = arith.constant 0 : index
    %get3A_46 = vector.load %arg4[%get3A_44, %get3A_45] : memref<640x4xf32, #tpu.memory_space<vmem>>, vector<640x4xf32>
    %get3A_47 = arith.constant 0 : index
    %get3A_48 = arith.constant 0 : index
    %get3A_49 = vector.load %arg5[%get3A_47, %get3A_48] : memref<256x32xf32, #tpu.memory_space<vmem>>, vector<256x32xf32>
    %dot_general3A_50 = arith.constant dense<0.000000e+00> : vector<640x32xf32>
    %dot_general3A_51 = tpu.matmul %get3A_43, %get3A_49, %dot_general3A_50 {dimension_numbers = #tpu.dot_dimension_numbers<[1], [0], [0], [1], [0, 0, 1, 1], [], []>, transpose_lhs_hint = false} : vector<640x256xf32>, vector<256x32xf32>, vector<640x32xf32> -> vector<640x32xf32>
    %get3A_52 = arith.constant 0 : index
    %get3A_53 = arith.constant 0 : index
    %get3A_54 = vector.load %arg7[%get3A_52, %get3A_53] : memref<4x4xf32, #tpu.memory_space<vmem>>, vector<4x4xf32>
    %dot_general3A_55 = arith.constant dense<0.000000e+00> : vector<640x4xf32>
    %dot_general3A_56 = tpu.matmul %get3A_46, %get3A_54, %dot_general3A_55 {dimension_numbers = #tpu.dot_dimension_numbers<[1], [0], [0], [1], [0, 0, 1, 1], [], []>, transpose_lhs_hint = false} : vector<640x4xf32>, vector<4x4xf32>, vector<640x4xf32> -> vector<640x4xf32>
    %get3A_57 = arith.constant 0 : index
    %get3A_58 = arith.constant 0 : index
    %get3A_59 = vector.load %arg8[%get3A_57, %get3A_58] : memref<1x4xf32, #tpu.memory_space<vmem>>, vector<1x4xf32>
    %add3A_60 = vector.broadcast %get3A_59 : vector<1x4xf32> to vector<640x4xf32>
    %add3A_61 = arith.addf %dot_general3A_56, %add3A_60 : vector<640x4xf32>
    %max3A_62 = arith.constant 0.000000e+00 : f32
    %max3A_63 = vector.broadcast %max3A_62 : f32 to vector<640x4xf32>
    %max3A_64 = arith.maximumf %add3A_61, %max3A_63 : vector<640x4xf32>
    %get3A_65 = arith.constant 0 : index
    %get3A_66 = arith.constant 0 : index
    %get3A_67 = vector.load %arg9[%get3A_65, %get3A_66] : memref<4x32xf32, #tpu.memory_space<vmem>>, vector<4x32xf32>
    %dot_general3A_68 = arith.constant dense<0.000000e+00> : vector<640x32xf32>
    %dot_general3A_69 = tpu.matmul %max3A_64, %get3A_67, %dot_general3A_68 {dimension_numbers = #tpu.dot_dimension_numbers<[1], [0], [0], [1], [0, 0, 1, 1], [], []>, transpose_lhs_hint = false} : vector<640x4xf32>, vector<4x32xf32>, vector<640x32xf32> -> vector<640x32xf32>
    %add3A_70 = arith.addf %dot_general3A_51, %dot_general3A_69 : vector<640x32xf32>
    %get3A_71 = arith.constant 0 : index
    %get3A_72 = arith.constant 0 : index
    %get3A_73 = vector.load %arg10[%get3A_71, %get3A_72] : memref<1x32xf32, #tpu.memory_space<vmem>>, vector<1x32xf32>
    %add3A_74 = vector.broadcast %get3A_73 : vector<1x32xf32> to vector<640x32xf32>
    %add3A_75 = arith.addf %add3A_70, %add3A_74 : vector<640x32xf32>
    %get3A_76 = arith.constant 0 : index
    %get3A_77 = arith.constant 0 : index
    %get3A_78 = vector.load %arg6[%get3A_76, %get3A_77] : memref<256x32xf32, #tpu.memory_space<vmem>>, vector<256x32xf32>
    %dot_general3A_79 = arith.constant dense<0.000000e+00> : vector<640x32xf32>
    %dot_general3A_80 = tpu.matmul %get3A_43, %get3A_78, %dot_general3A_79 {dimension_numbers = #tpu.dot_dimension_numbers<[1], [0], [0], [1], [0, 0, 1, 1], [], []>, transpose_lhs_hint = false} : vector<640x256xf32>, vector<256x32xf32>, vector<640x32xf32> -> vector<640x32xf32>
    %get3A_81 = arith.constant 0 : index
    %get3A_82 = arith.constant 0 : index
    %get3A_83 = vector.load %arg11[%get3A_81, %get3A_82] : memref<1x32xf32, #tpu.memory_space<vmem>>, vector<1x32xf32>
    %add3A_84 = vector.broadcast %get3A_83 : vector<1x32xf32> to vector<640x32xf32>
    %add3A_85 = arith.addf %dot_general3A_80, %add3A_84 : vector<640x32xf32>
    %concatenate3A = tpu.concatenate %add3A_30, %add3A_40, %add3A_75, %add3A_85 in 1 : vector<640x32xf32>, vector<640x32xf32>, vector<640x32xf32>, vector<640x32xf32> -> vector<640x128xf32>
    %swap3A = arith.constant 0 : index
    %swap3A_86 = arith.constant 0 : index
    %swap3A_87 = vector.load %arg12[%swap3A, %swap3A_86] : memref<640x128xf32, #tpu.memory_space<vmem>>, vector<640x128xf32>
    tpu.vector_store %arg12[%swap3A, %swap3A_86], %concatenate3A {strides = array<i32>} : memref<640x128xf32, #tpu.memory_space<vmem>>, vector<640x128xf32>,
    %eq3A = arith.constant 0 : i32
    %eq3A_88 = arith.cmpi eq, %arg0, %eq3A : i32
    %convert_element_type3A = arith.extui %eq3A_88 : i1 to i32
    %cond3A = arith.constant 0 : i32
    %cond3A_89 = arith.cmpi ne, %convert_element_type3A, %cond3A : i32
    scf.if %cond3A_89 {
      %swap3A_107 = arith.constant 0xFF800000 : f32
      %swap3A_108 = arith.constant 0 : index
      %swap3A_109 = arith.constant 0 : index
      %swap3A_110 = memref.load %arg13[%swap3A_108, %swap3A_109] : memref<1x1xf32, #tpu.memory_space<smem>>
      memref.store %swap3A_107, %arg13[%swap3A_108, %swap3A_109] : memref<1x1xf32, #tpu.memory_space<smem>>
    } else {
    }
    %get3A_90 = arith.constant 0 : index
    %get3A_91 = arith.constant 0 : index
    %get3A_92 = memref.load %arg13[%get3A_90, %get3A_91] : memref<1x1xf32, #tpu.memory_space<smem>>
    %reduce_max3A = vector.shape_cast %add3A_30 : vector<640x32xf32> to vector<1x640x32xf32>
    %reduce_max3A_93 = arith.constant dense<0xFF800000> : vector<1xf32>
    %reduce_max3A_94 = vector.multi_reduction <maximumf>, %reduce_max3A, %reduce_max3A_93 [1, 2] : vector<1x640x32xf32> to vector<1xf32>
    %reduce_max3A_95 = vector.shape_cast %reduce_max3A_94 : vector<1xf32> to vector<1x1x1xf32>
    %reduce_max3A_96 = vector.extract %reduce_max3A_95[0, 0, 0] : f32 from vector<1x1x1xf32>
    %reduce_max3A_97 = vector.shape_cast %add3A_75 : vector<640x32xf32> to vector<1x640x32xf32>
    %reduce_max3A_98 = arith.constant dense<0xFF800000> : vector<1xf32>
    %reduce_max3A_99 = vector.multi_reduction <maximumf>, %reduce_max3A_97, %reduce_max3A_98 [1, 2] : vector<1x640x32xf32> to vector<1xf32>
    %reduce_max3A_100 = vector.shape_cast %reduce_max3A_99 : vector<1xf32> to vector<1x1x1xf32>
    %reduce_max3A_101 = vector.extract %reduce_max3A_100[0, 0, 0] : f32 from vector<1x1x1xf32>
    %max3A_102 = arith.maximumf %reduce_max3A_96, %reduce_max3A_101 : f32
    %max3A_103 = arith.maximumf %get3A_92, %max3A_102 : f32
    %swap3A_104 = arith.constant 0 : index
    %swap3A_105 = arith.constant 0 : index
    %swap3A_106 = memref.load %arg13[%swap3A_104, %swap3A_105] : memref<1x1xf32, #tpu.memory_space<smem>>
    memref.store %max3A_103, %arg13[%swap3A_104, %swap3A_105] : memref<1x1xf32, #tpu.memory_space<smem>>
    return
  }
  func.func @transform_0(%arg0: i32) -> (i32, i32) {
    %add3A = arith.constant 0 : i32
    %add3A_0 = arith.addi %arg0, %add3A : i32
    %c0_i32 = arith.constant 0 : i32
    %c0_i32_1 = arith.constant 0 : i32
    return %add3A_0, %c0_i32 : i32, i32
  }
  func.func @transform_1(%arg0: i32) -> (i32, i32) {
    %add3A = arith.constant 64 : i32
    %add3A_0 = arith.addi %arg0, %add3A : i32
    %c0_i32 = arith.constant 0 : i32
    %c0_i32_1 = arith.constant 0 : i32
    return %add3A_0, %c0_i32 : i32, i32
  }
  func.func @transform_2(%arg0: i32) -> (i32, i32) {
    %add3A = arith.constant 0 : i32
    %add3A_0 = arith.addi %arg0, %add3A : i32
    %c0_i32 = arith.constant 0 : i32
    %c0_i32_1 = arith.constant 0 : i32
    return %add3A_0, %c0_i32 : i32, i32
  }
  func.func @transform_3(%arg0: i32) -> (i32, i32) {
    %add3A = arith.constant 64 : i32
    %add3A_0 = arith.addi %arg0, %add3A : i32
    %c0_i32 = arith.constant 0 : i32
    %c0_i32_1 = arith.constant 0 : i32
    return %add3A_0, %c0_i32 : i32, i32
  }
  func.func @transform_4(%arg0: i32) -> (i32, i32) {
    %c0_i32 = arith.constant 0 : i32
    %c0_i32_0 = arith.constant 0 : i32
    %c0_i32_1 = arith.constant 0 : i32
    return %c0_i32, %c0_i32_0 : i32, i32
  }
  func.func @transform_5(%arg0: i32) -> (i32, i32) {
    %c0_i32 = arith.constant 0 : i32
    %c0_i32_0 = arith.constant 0 : i32
    %c0_i32_1 = arith.constant 0 : i32
    return %c0_i32, %c0_i32_0 : i32, i32
  }
  func.func @transform_6(%arg0: i32) -> (i32, i32) {
    %c0_i32 = arith.constant 0 : i32
    %c0_i32_0 = arith.constant 0 : i32
    %c0_i32_1 = arith.constant 0 : i32
    return %c0_i32, %c0_i32_0 : i32, i32
  }
  func.func @transform_7(%arg0: i32) -> (i32, i32) {
    %c0_i32 = arith.constant 0 : i32
    %c0_i32_0 = arith.constant 0 : i32
    %c0_i32_1 = arith.constant 0 : i32
    return %c0_i32, %c0_i32_0 : i32, i32
  }
  func.func @transform_8(%arg0: i32) -> (i32, i32) {
    %c0_i32 = arith.constant 0 : i32
    %c0_i32_0 = arith.constant 0 : i32
    %c0_i32_1 = arith.constant 0 : i32
    return %c0_i32, %c0_i32_0 : i32, i32
  }
  func.func @transform_9(%arg0: i32) -> (i32, i32) {
    %c0_i32 = arith.constant 0 : i32
    %c0_i32_0 = arith.constant 0 : i32
    %c0_i32_1 = arith.constant 0 : i32
    return %c0_i32, %c0_i32_0 : i32, i32
  }
  func.func @transform_10(%arg0: i32) -> (i32, i32) {
    %c0_i32 = arith.constant 0 : i32
    %c0_i32_0 = arith.constant 0 : i32
    %c0_i32_1 = arith.constant 0 : i32
    return %c0_i32, %c0_i32_0 : i32, i32
  }
  func.func @transform_11(%arg0: i32) -> (i32, i32) {
    %c0_i32 = arith.constant 0 : i32
    %c0_i32_0 = arith.constant 0 : i32
    return %arg0, %c0_i32 : i32, i32
  }
  func.func @transform_12(%arg0: i32) -> (i32, i32) {
    %c0_i32 = arith.constant 0 : i32
    %c0_i32_0 = arith.constant 0 : i32
    %c0_i32_1 = arith.constant 0 : i32
    return %c0_i32, %c0_i32_0 : i32, i32
  }
}

</mosaic_0001>

<sc_bundles>
// kernel: kernel.11.cloned.1.call-start
scs
__scs_entry_jumppad:
0x0: {  	(pc) =	sbr.rel $0x88, $3  }
0x1: {  	(tag) =	ssettag $0x0;
	lr =	simm.s32 $0x1  }
0x2: {  	[smem:$0x3F94] =	sst lr;
	_ =	strace $0xD0000000  }
0x3: {  	_ = 	snop  }
0x4: {  	_ = 	snop  }
0x5: {  	_ = 	snop  }
0x6: {  	_ = 	snop  }
0x7: {  	_ = 	snop  }
__scs_overlays_trampoline_lowered:
0x8: {  	[smem:$0x3FA3] =	sst s0  }
0x9: {  	[smem:$0x3FA4] =	sst s1  }
0xa: {  	[smem:$0x3FA5] =	sst s2  }
0xb: {  	[smem:$0x3FA6] =	sst s3  }
0xc: {  	[smem:$0x3FA7] =	sst s4  }
0xd: {  	[smem:$0x3FA8] =	sst s5  }
0xe: {  	[smem:$0x3FA9] =	sst s6  }
0xf: {  	[smem:$0x3FAA] =	sst s7  }
0x10: {  	[smem:$0x3FAB] =	sst s8  }
0x11: {  	[smem:$0x3FAC] =	sst s9;
	s0 =	simm.s32 @!p0 $0x0  }
0x12: {  	s1 =	sld [smem:$0x3F92];
	s0 =	simm.s32 @p0 $0x1  }
0x13: {  	[smem:$0x3FAD] =	sst s0;
	s0 =	simm.s32 @!p1 $0x0  }
0x14: {  	s2 =	sld [smem:$0x3F91];
	s0 =	simm.s32 @p1 $0x1  }
0x15: {  	[smem:$0x3FAE] =	sst s0;
	s0 =	simm.s32 @!p2 $0x0  }
0x16: {  	s3 =	sld [smem:$0x3FDB];
	s0 =	simm.s32 @p2 $0x1  }
0x17: {  	s4 =	simm.s32 $0x1BF5;
	[smem:$0x3FB0] =	sst s0  }
0x18: {  	s0 =	sld [smem:$0x3F93];
	_ =	swait.ge [sflag:s4], $0x0  }
0x19: {  	s7 =	sld [smem:$0x3F94]  }
0x1a: {  	s8 =	sadd.s32 $0xFFFFE003, lr  }
0x1b: {  	s9 =	sadd.s32 $0xFFFFFEF7, lr;
	s5 =	simm.s32 $0xFFFFFFFF;
	p2 =	slt.u32 s8, $0xFFFFF086  }
0x1c: {  	p1 =	slt.u32 s9, $0xF7A;
	s5 =	simm.s32 @!p2 $0x0  }
0x1d: {  	s5 =	simm.s32 @p1 $0x1;
	p0 =	seq.s32 s7, s2  }
0x1e: {  	s7 =	smul.u32 @!p0 $0xF7A, s2;
	p2 =	seq.s32 @!p0 s5, $0x0  }
0x1f: {  	s9 =	smul.u32 $0xF7A, s1;
	s8 =	simm.s32 @!p0 $0x1BF5;
	p2 =	por !p2, p0  }
0x20: {  	[sflag:s8] =	ssyncset.s32 @!p0 $0xFFFFF086;
	s6 =	sadd.s32 @!p0 s3, s7;
	s7 =	simm.s32 @!p0 $0x108  }
0x21: {  	s3 =	sadd.s32 s3, s9;
	s6 =	sadd.s32 @!p0 $0x88, s6;
	s7 =	simm.s32 @p2 $0x1082  }
0x22: {  	[simem:s7], [sflag:s8] =	dma.local @!p0 [hbm:s6], $0xF7A  }
0x23: {  	s9 =	sor.u32 $0xD0000000, s2;
	s6 =	simm.s32 $0x108;
	_ =	swait.ge @!p0 [sflag:s8], $0x0  }
0x24: {  	s3 =	sadd.s32 $0x88, s3;
	s6 =	simm.s32 @!p1 $0x1082;
	[sflag:s4] =	ssyncset.s32 $0xFFFFF086  }
0x25: {  	[simem:s6], [sflag:s4] =	dma.local [hbm:s3], $0xF7A  }
0x26: {  	[smem:$0x3F94] =	sst s1;
	(tag) =	ssettag s2;
	_ =	strace s9  }
0x27: {  	s1 =	sld [smem:$0x3FA4]  }
0x28: {  	s2 =	sld [smem:$0x3FA5]  }
0x29: {  	s4 =	sld [smem:$0x3FA7]  }
0x2a: {  	p0 =	seq.s32 s5, $0x0;
	s5 =	sld [smem:$0x3FA8]  }
0x2b: {  	s6 =	sld [smem:$0x3FA9]  }
0x2c: {  	s7 =	sld [smem:$0x3FAA]  }
0x2d: {  	s3 =	simm.s32 $0x108;
	s8 =	sld [smem:$0x3FAB]  }
0x2e: {  	s3 =	simm.s32 @!p0 $0x1082;
	s9 =	sld [smem:$0x3FAC]  }
0x2f: {  	lr =	sadd.s32 s0, s3;
	s0 =	sld [smem:$0x3FA3]  }
0x30: {  	s3 =	sld [smem:$0x3FA6]  }
0x31: {  	[smem:$0x3FAF] =	sst s10  }
0x32: {  	s10 =	sld [smem:$0x3FAD];
	_ =	sdelay $0x3  }
0x33: {  	p0 =	seq.s32 s10, $0x1;
	s10 =	sld [smem:$0x3FAF];
	_ =	sdelay $0x3  }
0x34: {  	[smem:$0x3FAF] =	sst s10  }
0x35: {  	s10 =	sld [smem:$0x3FAE];
	_ =	sdelay $0x3  }
0x36: {  	p1 =	seq.s32 s10, $0x1;
	s10 =	sld [smem:$0x3FAF];
	_ =	sdelay $0x3  }
0x37: {  	[smem:$0x3FAF] =	sst s10  }
0x38: {  	s10 =	sld [smem:$0x3FB0]  }
0x39: {  	_ = 	snop;
	(pc) =	sbr.ind lr, $3  }
0x3a: {  	_ = 	snop  }
0x3b: {  	_ = 	snop  }
0x3c: {  	p2 =	seq.s32 s10, $0x1;
	s10 =	sld [smem:$0x3FAF]  }
0x3d: {  	_ =	shalt  }
0x3e: {  	_ =	shalt  }
0x3f: {  	_ =	shalt  }
0x40: {  	_ =	shalt  }
0x41: {  	_ =	shalt  }
0x42: {  	_ =	shalt  }
0x43: {  	_ =	shalt  }
0x44: {  	_ =	shalt  }
0x45: {  	_ =	shalt  }
0x46: {  	_ =	shalt  }
0x47: {  	_ =	shalt  }
0x48: {  	_ =	shalt  }
0x49: {  	_ =	shalt  }
0x4a: {  	_ =	shalt  }
0x4b: {  	_ =	shalt  }
0x4c: {  	_ =	shalt  }
0x4d: {  	_ =	shalt  }
0x4e: {  	_ =	shalt  }
0x4f: {  	_ =	shalt  }
0x50: {  	_ =	shalt  }
0x51: {  	_ =	shalt  }
0x52: {  	_ =	shalt  }
0x53: {  	_ =	shalt  }
0x54: {  	_ =	shalt  }
0x55: {  	_ =	shalt  }
0x56: {  	_ =	shalt  }
0x57: {  	_ =	shalt  }
0x58: {  	_ =	shalt  }
0x59: {  	_ =	shalt  }
0x5a: {  	_ =	shalt  }
0x5b: {  	_ =	shalt  }
0x5c: {  	_ =	shalt  }
0x5d: {  	_ =	shalt  }
0x5e: {  	_ =	shalt  }
0x5f: {  	_ =	shalt  }
0x60: {  	_ =	shalt  }
0x61: {  	_ =	shalt  }
0x62: {  	_ =	shalt  }
0x63: {  	_ =	shalt  }
0x64: {  	_ =	shalt  }
0x65: {  	_ =	shalt  }
0x66: {  	_ =	shalt  }
0x67: {  	_ =	shalt  }
0x68: {  	_ =	shalt  }
0x69: {  	_ =	shalt  }
0x6a: {  	_ =	shalt  }
0x6b: {  	_ =	shalt  }
0x6c: {  	_ =	shalt  }
0x6d: {  	_ =	shalt  }
0x6e: {  	_ =	shalt  }
0x6f: {  	_ =	shalt  }
0x70: {  	_ =	shalt  }
0x71: {  	_ =	shalt  }
0x72: {  	_ =	shalt  }
0x73: {  	_ =	shalt  }
0x74: {  	_ =	shalt  }
0x75: {  	_ =	shalt  }
0x76: {  	_ =	shalt  }
0x77: {  	_ =	shalt  }
0x78: {  	_ =	shalt  }
0x79: {  	_ =	shalt  }
0x7a: {  	_ =	shalt  }
0x7b: {  	_ =	shalt  }
0x7c: {  	_ =	shalt  }
0x7d: {  	_ =	shalt  }
0x7e: {  	_ =	shalt  }
0x7f: {  	_ =	shalt  }
0x80: {  	_ =	shalt  }
0x81: {  	_ =	shalt  }
0x82: {  	_ =	shalt  }
0x83: {  	_ =	shalt  }
0x84: {  	_ =	shalt  }
0x85: {  	_ =	shalt  }
0x86: {  	_ =	shalt  }
0x87: {  	_ =	shalt  }
.Lfunc_end0:
.L_simem_size_0:
called_computation.1_lowered:
.L_overlay_start_0:
0x88: {  	s2 =	sld [smem:$0x3FD9]  }
0x89: {  	s3 =	sld [smem:$0x3FFE];
	_ =	sdelay $0x1  }
0x8a: {  	s1 =	srdreg.scid  }
0x8b: {  	s0 =	sand.u32 $0x1, s1  }
0x8c: {  	s17 =	sshll.u32 s0, $0xA;
	s2 =	sadd.s32 s3, s2  }
0x8d: {  	s2 =	sadd.s32 s2, s17  }
0x8e: {  	[smem:$0x3FBB] =	sst s2  }
0x8f: {  	_ = 	snop  }
0x90: {  	s18 =	sld [smem:$0x3FD0];
	(tm) =	ssettm $0x1  }
0x91: {  	s19 =	sld [smem:$0x3FFB];
	_ =	sdelay $0x3  }
0x92: {  	_ =	strace s19  }
0x93: {  	s2 =	sld [smem:$0x3FFC];
	_ =	sdelay $0x3  }
0x94: {  	_ =	strace s2  }
0x95: {  	s2 =	sld [smem:$0x3FFD];
	_ =	sdelay $0x3  }
0x96: {  	_ =	strace s2  }
0x97: {  	_ =	strace $0x8FFFFFFF  }
0x98: {  	s20 =	sld [smem:$0x3FDB];
	_ =	sdelay $0x1  }
0x99: {  	s4 =	simm.s32 $_scs_section_size  }
0x9a: {  	s5 =	simm.s32 $_size__tile_overlayer_lowered;
	s6 =	simm.s32 $_tile_overlayer_lowered  }
0x9b: {  	s7 =	simm.s32 $0x1BFF;
	s21 =	sshll.u32 s6, $0x1;
	s4 =	sadd.s32 s4, s20  }
0x9c: {  	s22 =	simm.s32 $0x0;
	s5 =	sshll.u32 s5, $0x1;
	s6 =	sadd.s32 s21, s4  }
0x9d: {  	[timem:s22], [sflag:s7] =	dma.local [hbm:s6], s5  }
0x9e: {  	_ =	swait.ge [sflag:s7], s5  }
0x9f: {  	s5 =	ssub.s32 $0x0, s5;
	[sflag:s7] =	ssyncset.done $0x0  }
0xa0: {  	[sflag:s7] =	ssyncadd.s32 s5;
	_ =	sdelay $0x1  }
0xa1: {  	s23 =	simm.s32 $0x1B8B  }
0xa2: {  	_ =	swait.ge [sflag:s23], $0x1  }
0xa3: {  	[sflag:s23] =	ssyncset.done $0x0  }
0xa4: {  	[sflag:s23] =	ssyncadd.s32 $0xFFFFFFFF  }
0xa5: {  	s5 =	sld [smem:$0x0]  }
0xa6: {  	s6 =	sand.u32 $0xFFFFFFFE, s1  }
0xa7: {  	p0 =	sne.s32 s1, s6  }
0xa8: {  	s6 =	sshll.u32 @p0 s6, $0xE  }
0xa9: {  	s6 =	sadd.s32 @p0 $0x11B8D, s6;
	s7 =	sshll.u32 @p0 s5, $0x11  }
0xaa: {  	s6 =	sor.u32 @p0 s7, s6  }
0xab: {  	[sflag:s6] =	ssyncadd.remote.s32 @p0 $0x1;
	_ =	sdelay $0x1  }
0xac: {  	s6 =	simm.s32 @p0 $0x1B8D  }
0xad: {  	_ =	swait.eq @p0 [sflag:s6], $0x1  }
0xae: {  	[sflag:s6] =	ssyncadd.s32 @p0 $0xFFFFFFFF  }
0xaf: {  	s7 =	sshll.u32 @!p0 s1, $0xE  }
0xb0: {  	s7 =	sor.u32 @!p0 $0x4000, s7;
	s6 =	simm.s32 @!p0 $0x1B8D  }
0xb1: {  	s5 =	sshll.u32 @!p0 s5, $0x11;
	s7 =	sadd.s32 @!p0 $0x11B8D, s7;
	_ =	swait.eq @!p0 [sflag:s6], $0x1  }
0xb2: {  	s5 =	sor.u32 @!p0 s5, s7;
	[sflag:s6] =	ssyncadd.s32 @!p0 $0xFFFFFFFF  }
0xb3: {  	s25 =	simm.s32 $0x1B8E;
	s24 =	sld [smem:$0x3FFE];
	[sflag:s5] =	ssyncadd.remote.s32 @!p0 $0x1  }
0xb4: {  	s26 =	simm.s32 $execute0_lowered;
	[smem:$0x3FD2] =	sst s25  }
0xb5: {  	s6 =	sshll.u32 s26, $0x1;
	_ =	strace $0x80000049;
	[dreg:$0x1] =	wrdreg $0xFFFFFFFF  }
0xb6: {  	s28 =	simm.s32 $_size_execute0_lowered;
	s4 =	sadd.s32 s4, s6;
	[dreg:$0x0] =	wrdreg $0x0  }
0xb7: {  	s6 =	sshll.u32 s28, $0x1;
	[dreg:$0x2] =	wrdreg s4  }
0xb8: {  	[dreg:$0x3] =	wrdreg s6  }
0xb9: {  	[dreg:$0x4] =	wrdreg $0xC0  }
0xba: {  	_ =	task [dreg:s22], $0x5FFFF  }
0xbb: {  	[dreg:$0x1] =	wrdreg $0xFFFFFFFF  }
0xbc: {  	[dreg:$0x0] =	wrdreg $0x60  }
0xbd: {  	[dreg:$0x2] =	wrdreg s24  }
0xbe: {  	[dreg:$0x3] =	wrdreg s18  }
0xbf: {  	[dreg:$0x4] =	wrdreg $0xA2800  }
0xc0: {  	[dreg:$0x5] =	wrdreg $0xA  }
0xc1: {  	_ =	task.clear_ibuf [dreg:s22], $0x6FFFF;
	_ =	strace $0x90000049  }
0xc2: {  	s29 =	simm.s32 $0xA;
	_ =	strace $0x8000004B  }
0xc3: {  	_ =	swait.ge [sflag:s29], $0x1  }
0xc4: {  	[sflag:s29] =	ssyncadd.s32 $0xFFFFFFFF  }
0xc5: {  	_ =	strace $0x9000004B  }
0xc6: {  	_ =	sfence  }
0xc7: {  	s30 =	sld [smem:$0x0];
	_ =	sdelay $0x2  }
0xc8: {  	s31 =	sshll.u32 s1, $0xD;
	s1 =	sshrl.u32 s1, $0x2  }
0xc9: {  	s4 =	sand.u32 $0x4000, s31;
	s1 =	sadd.s32 s1, s30  }
0xca: {  	s0 =	sor.u32 s4, s0;
	s1 =	sshll.u32 s1, $0x11  }
0xcb: {  	s0 =	sor.u32 s1, s0  }
0xcc: {  	s0 =	sadd.s32 $0x8F2B, s0  }
0xcd: {  	[sflag:s0] =	ssyncadd.remote.s32 $0x1  }
0xce: {  	_ =	sfence.sel $0xFFFF  }
0xcf: {  	[dreg:$0x0] =	wrdreg $0xFFFFFFFF;
	(pc) =	sbr.abs _section_cstart, $3  }
0xd0: {  	[dreg:$0x1] =	wrdreg $0xFFFFFFFF  }
0xd1: {  	_ =	task.clear_ibuf [dreg:s22], $0x2FFFF;
	_ =	strace $0x9FFFFFFF  }
0xd2: {  	(tm) =	ssettm $0x7FFFFFFF  }
0xd3: {  	_ =	shalt  }
tec
execute0_lowered:
.L_overlay_start_1:
0x0: {  	(tag) =	ssettag $0x1  }
0x1: {  	s0 =	rddreg [dreg:$0x0]  }
0x2: {  	s3 =	rddreg [dreg:$0x1]  }
0x3: {  	s1 =	rddreg [dreg:$0x2];
	s2 =	simm.s32 $0x0  }
0x4: {  	s7 =	srdreg.scid;
	s13 =	stileid.u32;
	s16 =	simm.s32 $0x200  }
0x5: {  	s17 =	simm.s32 $0x3;
	s19 =	simm.s32 $0x100;
	s20 =	simm.s32 $0x1  }
0x6: {  	s21 =	simm.s32 $0x50;
	s22 =	simm.s32 $0x5200;
	s23 =	simm.s32 $0x4  }
0x7: {  	s24 =	simm.s32 $0x7A00;
	s28 =	simm.s32 $0x180;
	s29 =	simm.s32 $0x0  }
0x8: {  	[smem:$0x7FF] =	sst s2;
	s4 =	sadd.s32 $0xF4A00, s0;
	s5 =	sadd.s32 $0x18E600, s0  }
0x9: {  	s6 =	sadd.s32 $0x18D200, s0;
	s8 =	sadd.s32 $0x18FA00, s0;
	s7 =	sand.u32 $0x1, s7  }
0xa: {  	s25 =	sshll.u32 s13, $0x1;
	s26 =	smul.u32 $0x4F000, s13;
	s0 =	sadd.s32 $0x18FC00, s0  }
0xb: {  	s31 =	smul.u32 $0x2780, s13;
	_ =	strace $0x8000004A;
	s14 =	sor.u32 s7, s25  }
0xc: {  	[dreg:$0x4] =	wrdreg s8;
	s9 =	ssub.s32 $0x2, s7;
	s11 =	smul.u32 $0xA, s14  }
0xd: {  	p0 =	seq.s32 s7, $0x1;
	s25 =	simm.s32 $0x2;
	s12 =	smul.u32 $0x500, s14  }
.Ltmp0:
0xe: {  	s10 =	sshrl.u32 s9, $0x1;
	s8 =	sshrl.u32 s26, $0x2;
	(pc) =	sbr.rel .LBB2_1-.Ltmp0, $4  }
0xf: {  	s3 =	smov.u32 @p0 s0;
	s26 =	simm.s32 $0x80;
	s9 =	ssub.s32 s9, s10  }
0x10: {  	s8 =	sadd.s32 s8, s1;
	s15 =	sadd.s32 s3, s31;
	s30 =	sadd.s32 s5, s11  }
0x11: {  	s10 =	sadd.s32 s6, s11;
	s11 =	sadd.s32 s4, s12;
	s12 =	sor.u32 $0x40, s14  }
0x12: {  	v0 =	vimm.f32 $0.0e+00;
	s13 =	smax.u32 s9, $0x1;
	s14 =	sor.u32 $0x20, s14;
	[dreg:$0x5] =	wrdreg s30  }
.LBB2_13:
0x13: {  	s0 =	stileid.u32;
	s29 =	sadd.s32 $0x1, s29  }
0x14: {  	[bflag:$0x0] =	sbarrier.arrive $0xFFFF;
	s0 =	sshll.u32 s0, $0x6;
	p0 =	sne.s32 s29, s13  }
.Ltmp1:
0x15: {  	s3 =	sshrl.u32 s8, $0x3;
	s0 =	sor.u32 $0x1C03, s0;
	(pc) =	sbr.rel @!p0 .LBB2_14-.Ltmp1, $4  }
0x16: {  	[hbm:s15], [sflag:s0] =	dma.local [spmem:s3], $0x2780  }
0x17: {  	_ =	swait.ge [sflag:s17], $0x2780  }
0x18: {  	[sflag:s17] =	ssyncset.done $0x0  }
0x19: {  	[sflag:s17] =	ssyncadd.s32 $0xFFFFD880  }
.LBB2_1:
0x1a: {  	s0 =	simm.s32 $0x0;
	s3 =	simm.s32 $0x200  }
.LBB2_2:
0x1b: {  	p0 =	sne.s32 s3, $0x9E00;
	[tilespmem:s0+$0x7A70] =	vst v0  }
0x1c: {  	[tilespmem:s0+$0x200] =	vst v0  }
0x1d: {  	[tilespmem:s0+$0x210] =	vst v0  }
0x1e: {  	[tilespmem:s0+$0x220] =	vst v0  }
0x1f: {  	[tilespmem:s0+$0x230] =	vst v0  }
0x20: {  	[tilespmem:s0+$0x240] =	vst v0  }
0x21: {  	[tilespmem:s0+$0x250] =	vst v0  }
0x22: {  	[tilespmem:s0+$0x260] =	vst v0  }
0x23: {  	[tilespmem:s0+$0x270] =	vst v0  }
0x24: {  	[tilespmem:s0+$0x5240] =	vst v0  }
0x25: {  	[tilespmem:s0+$0x7A40] =	vst v0  }
.Ltmp2:
0x26: {  	[tilespmem:s0+$0x5250] =	vst v0;
	(pc) =	sbr.rel @p0 .LBB2_2-.Ltmp2, $4  }
0x27: {  	[tilespmem:s0+$0x7A50] =	vst v0  }
0x28: {  	[tilespmem:s0+$0x5260] =	vst v0  }
0x29: {  	[tilespmem:s0+$0x7A60] =	vst v0  }
0x2a: {  	[tilespmem:s0+$0x5270] =	vst v0;
	s0 =	sshra.s32 s3, $0x2;
	s3 =	sadd.s32 $0x200, s3  }
0x2b: {  	[tilespmem:s0+$0x7A70] =	vst v0  }
0x2c: {  	[tilespmem:s0+$0x200] =	vst v0  }
0x2d: {  	[tilespmem:s0+$0x210] =	vst v0  }
0x2e: {  	[tilespmem:s0+$0x220] =	vst v0  }
0x2f: {  	[tilespmem:s0+$0x230] =	vst v0  }
0x30: {  	[tilespmem:s0+$0x240] =	vst v0  }
0x31: {  	[tilespmem:s0+$0x250] =	vst v0  }
0x32: {  	[tilespmem:s0+$0x260] =	vst v0  }
0x33: {  	[tilespmem:s0+$0x270] =	vst v0  }
0x34: {  	[tilespmem:s0+$0x5240] =	vst v0  }
0x35: {  	[tilespmem:s0+$0x7A40] =	vst v0  }
0x36: {  	[tilespmem:s0+$0x5250] =	vst v0  }
0x37: {  	[tilespmem:s0+$0x7A50] =	vst v0  }
0x38: {  	[tilespmem:s0+$0x5260] =	vst v0  }
0x39: {  	[tilespmem:s0+$0x7A60] =	vst v0  }
0x3a: {  	[tilespmem:s0+$0x5270] =	vst v0;
	s31 =	sadd.s32 $0x0, s8  }
0x3b: {  	[spmem:s31] =	stream.linear.scatter [tilespmem:s16], [sflag:$0x3], $0x400, $0x38;
	[tilespmem:$0x1DE80] =	vst v63  }
0x3c: {  	s0 =	simm.s32 $0x1000;
	_ =	swait.ge [sflag:s17], $0x400  }
.LBB2_4:
0x3d: {  	s3 =	sshra.s32 s0, $0x2;
	[sflag:s17] =	ssyncset.done $0x0;
	p0 =	sne.s32 s0, $0x4E000  }
.Ltmp3:
0x3e: {  	s3 =	sadd.s32 s3, s8;
	[sflag:s17] =	ssyncadd.s32 $0xFFFFFC00;
	(pc) =	sbr.rel @p0 .LBB2_4-.Ltmp3, $3  }
0x3f: {  	[spmem:s3] =	stream.linear.scatter [tilespmem:s16], [sflag:$0x3], $0x400, $0x38;
	[tilespmem:$0x1DE80] =	vst v63  }
0x40: {  	s0 =	sadd.s32 $0x1000, s0;
	_ =	sdelay $0x1  }
0x41: {  	_ =	swait.ge [sflag:s17], $0x400  }
0x42: {  	[sflag:s17] =	ssyncset.done $0x0;
	s30 =	simm.s32 $0x0  }
0x43: {  	s0 =	rddreg [dreg:$0x4];
	s3 =	simm.s32 $0xA200;
	[sflag:s17] =	ssyncadd.s32 $0xFFFFFC00  }
0x44: {  	[tilespmem:s3], [sflag:$0x3] =	stream.linear.gather [hbm4b:s0+s30], $0x80, $0x38;
	[tilespmem:$0x1DE80] =	vst v63  }
0x45: {  	_ =	swait.ge [sflag:s17], $0x80  }
0x46: {  	[sflag:s17] =	ssyncset.done $0x0  }
0x47: {  	[sflag:s17] =	ssyncadd.s32 $0xFFFFFF80  }
0x48: {  	v1 =	vld [tilespmem:$0xA200];
	[bflag:$0x0] =	sbarrier.arrive $0xFFFF  }
0x49: {  	s31 =	rddreg [dreg:$0x5]  }
0x4a: {  	[tilespmem:s30], [sflag:$0x1] =	stream.linear.gather [hbm4b:s31+s30], $0x50, $0x38;
	[tilespmem:$0x1DE80] =	vst v63  }
.Ltmp4:
0x4b: {  	_ = 	snop;
	(pc) =	sbr.rel .LBB2_6-.Ltmp4, $4  }
0x4c: {  	_ = 	snop  }
0x4d: {  	[tilespmem:s19], [sflag:$0x1] =	stream.linear.gather [hbm4b:s10+s30], $0x50, $0x38;
	[tilespmem:$0x1DE80] =	vst v63  }
0x4e: {  	_ = 	snop  }
0x4f: {  	[tilespmem:s16], [sflag:$0x1] =	stream.linear.gather [hbm4b:s11+s30], $0x2800, $0x38;
	[tilespmem:$0x1DE80] =	vst v63  }
.LBB2_12:
0x50: {  	s30 =	sadd.s32 $0x1, s30  }
0x51: {  	p0 =	sne.s32 s30, $0x8  }
.Ltmp5:
0x52: {  	_ = 	snop;
	(pc) =	sbr.rel @!p0 .LBB2_13-.Ltmp5, $1  }
0x53: {  	_ =	sdelay $0x3  }
.LBB2_6:
0x54: {  	s31 =	sshll.u32 s30, $0x6  }
0x55: {  	s0 =	sor.u32 s14, s31  }
0x56: {  	p0 =	sgt.u32 s0, $0x1E7  }
0x57: {  	s3 =	smul.u32 @!p0 $0xA, s0;
	_ =	sdelay $0x1  }
0x58: {  	s9 =	simm.s32 @!p0 $0x0;
	s18 =	simm.s32 @!p0 $0x80;
	s7 =	sadd.s32 @!p0 s5, s3  }
0x59: {  	[tilespmem:s18], [sflag:$0x2] =	stream.linear.gather @!p0 [hbm4b:s7+s9], $0x50, $0x38;
	[tilespmem:$0x1DE80] =	vst v63  }
0x5a: {  	s0 =	smul.u32 @!p0 $0x500, s0;
	s3 =	sadd.s32 @!p0 s6, s3;
	s7 =	simm.s32 @!p0 $0x180  }
0x5b: {  	[tilespmem:s7], [sflag:$0x2] =	stream.linear.gather @!p0 [hbm4b:s3+s9], $0x50, $0x38;
	[tilespmem:$0x1DE80] =	vst v63  }
0x5c: {  	s0 =	sadd.s32 @!p0 s4, s0;
	s3 =	simm.s32 @!p0 $0x2A00  }
0x5d: {  	[tilespmem:s3], [sflag:$0x2] =	stream.linear.gather @!p0 [hbm4b:s0+s9], $0x2800, $0x38;
	[tilespmem:$0x1DE80] =	vst v63  }
0x5e: {  	_ =	swait.ge [sflag:s20], $0x50  }
0x5f: {  	[sflag:s20] =	ssyncset.done $0x0  }
0x60: {  	[sflag:s20] =	ssyncadd.s32 $0xFFFFFFB0  }
0x61: {  	_ =	swait.ge [sflag:s20], $0x50  }
0x62: {  	[sflag:s20] =	ssyncset.done $0x0  }
0x63: {  	[sflag:s20] =	ssyncadd.s32 $0xFFFFFFB0  }
0x64: {  	_ =	swait.ge [sflag:s20], $0x2800  }
0x65: {  	[sflag:s20] =	ssyncset.done $0x0  }
0x66: {  	s3 =	simm.s32 $0x0;
	[sflag:s20] =	ssyncadd.s32 $0xFFFFD800  }
0x67: {  	v2 =	vld [tilespmem:s3+$0x250]  }
0x68: {  	v3 =	vld [tilespmem:s3+$0x200];
	_ =	sdelay $0x1  }
0x69: {  	v4 =	vld [tilespmem:s3+$0x210]  }
0x6a: {  	v7 =	vld [tilespmem:s3+$0x240]  }
0x6b: {  	v9 =	vld [tilespmem:s3+$0x220];
	v2 =	vsub.f32 v2, v1  }
0x6c: {  	v11 =	vld [tilespmem:s3+$0x230];
	v3 =	vsub.f32 v3, v1  }
0x6d: {  	s18 =	simm.s32 $0x80;
	v13 =	vld [tilespmem:s3+$0x260];
	v2 =	vmul.f32 $1.442695020e+00, v2  }
0x6e: {  	v8 =	vld [tilespmem:s18+$0x250];
	v3 =	vmul.f32 $1.442695020e+00, v3  }
0x6f: {  	v10 =	vld [tilespmem:s18+$0x200];
	(erf) = vpow2.f32 v2  }
0x70: {  	v12 =	vld [tilespmem:s18+$0x210];
	v2 =	vsub.f32 v4, v1;
	(erf) = vpow2.f32 v3  }
0x71: {  	v14 =	vld [tilespmem:s18+$0x240];
	v3 =	vsub.f32 v7, v1  }
0x72: {  	v6 =	vld [tilespmem:s18+$0x220];
	v2 =	vmul.f32 $1.442695020e+00, v2  }
0x73: {  	v5 =	vld [tilespmem:s18+$0x230];
	v3 =	vmul.f32 $1.442695020e+00, v3  }
0x74: {  	s0 =	simm.s32 $0x100;
	v7 =	vld [tilespmem:s3+$0x270];
	(erf) = vpow2.f32 v2  }
0x75: {  	v15 =	vld [tilespmem:s0+$0x250];
	(erf) = vpow2.f32 v3  }
0x76: {  	v16 =	vld [tilespmem:s0+$0x200];
	v2 =	vsub.f32 v8, v1  }
0x77: {  	v17 =	vld [tilespmem:s0+$0x210];
	v10 =	vsub.f32 v10, v1  }
0x78: {  	v12 =	vsub.f32 v12, v1;
	v4 =	vld [tilespmem:s18+$0x260];
	v18 =	vmul.f32 $1.442695020e+00, v2;
	v3 =	vpop (erf)  }
0x79: {  	v14 =	vsub.f32 v14, v1;
	v10 =	vmul.f32 $1.442695020e+00, v10;
	v8 =	vld [tilespmem:s0+$0x240];
	[tilespmem:s3+$0x7A10] =	vst v3;
	v19 =	vpop (erf);
	v7 =	vmul.f32 v7, v3  }
0x7a: {  	v12 =	vmul.f32 $1.442695020e+00, v12;
	(erf) = vpow2.f32 v18;
	v2 =	vld [tilespmem:s0+$0x220];
	[tilespmem:s3+$0x5200] =	vst v19  }
0x7b: {  	(erf) = vpow2.f32 v10;
	v3 =	vld [tilespmem:s0+$0x230];
	[tilespmem:s3+$0x7A30] =	vst v7;
	v7 =	vmul.f32 $1.442695020e+00, v14  }
0x7c: {  	(erf) = vpow2.f32 v12  }
0x7d: {  	v62 =	vmul.f32 v9, v19;
	v10 =	vpop (erf);
	(erf) = vpow2.f32 v7  }
0x7e: {  	v14 =	vsub.f32 v15, v1;
	v63 =	vmul.f32 v11, v10;
	v11 =	vpop (erf)  }
0x7f: {  	v12 =	vsub.f32 v16, v1;
	v9 =	vld [tilespmem:s18+$0x270];
	[tilespmem:s3+$0x5220] =	vst v62;
	v15 =	vmul.f32 v13, v11  }
0x80: {  	s7 =	simm.s32 $0x180;
	s9 =	simm.s32 $0x800;
	v7 =	vld [tilespmem:s0+$0x260];
	v14 =	vmul.f32 $1.442695020e+00, v14;
	v13 =	vsub.f32 v17, v1;
	[tilespmem:s3+$0x5230] =	vst v63  }
.LBB2_7:
0x81: {  	p1 =	sne.s32 s9, $0x9E00;
	v16 =	vld [tilespmem:s7+$0x250];
	v17 =	vmul.f32 $1.442695020e+00, v12;
	v8 =	vsub.f32 v8, v1;
	[tilespmem:s3+$0x7A20] =	vst v15  }
0x82: {  	v15 =	vld [tilespmem:s7+$0x200];
	v13 =	vmul.f32 $1.442695020e+00, v13;
	(erf) = vpow2.f32 v14;
	[tilespmem:s3+$0x5210] =	vst v10  }
0x83: {  	v14 =	vld [tilespmem:s7+$0x210];
	v18 =	vmul.f32 $1.442695020e+00, v8;
	(erf) = vpow2.f32 v17;
	v12 =	vpop (erf);
	[tilespmem:s3+$0x7A00] =	vst v11;
	s3 =	smov.u32 s18;
	s18 =	smov.u32 s0;
	s0 =	smov.u32 s7  }
.Ltmp6:
0x84: {  	v8 =	vld [tilespmem:s0+$0x240];
	(erf) = vpow2.f32 v13;
	[tilespmem:s3+$0x7A10] =	vst v12;
	v9 =	vmul.f32 v9, v12;
	v11 =	vpop (erf);
	(pc) =	sbr.rel @p1 .LBB2_7-.Ltmp6, $4  }
0x85: {  	(erf) = vpow2.f32 v18;
	[tilespmem:s3+$0x5200] =	vst v11;
	v13 =	vmul.f32 v6, v11;
	v10 =	vpop (erf);
	v6 =	vmov v2;
	v2 =	vld [tilespmem:s0+$0x220]  }
0x86: {  	v16 =	vsub.f32 v16, v1;
	v17 =	vmul.f32 v5, v10;
	[tilespmem:s3+$0x7A30] =	vst v9;
	v11 =	vpop (erf);
	v5 =	vmov v3;
	v3 =	vld [tilespmem:s0+$0x230]  }
0x87: {  	v12 =	vsub.f32 v15, v1;
	v9 =	vld [tilespmem:s18+$0x270];
	[tilespmem:s3+$0x5220] =	vst v13;
	v15 =	vmul.f32 v4, v11;
	v4 =	vmov v7  }
0x88: {  	s7 =	sshra.s32 s9, $0x2;
	s9 =	sadd.s32 $0x200, s9;
	v13 =	vsub.f32 v14, v1;
	v14 =	vmul.f32 $1.442695020e+00, v16;
	v7 =	vld [tilespmem:s0+$0x260];
	[tilespmem:s3+$0x5230] =	vst v17  }
0x89: {  	_ =	sdelay $0x1  }
0x8a: {  	v16 =	vld [tilespmem:s7+$0x250];
	[tilespmem:s3+$0x7A20] =	vst v15;
	v12 =	vmul.f32 $1.442695020e+00, v12;
	v8 =	vsub.f32 v8, v1;
	v43 =	vpop (erf)  }
0x8b: {  	v15 =	vld [tilespmem:s7+$0x200];
	[tilespmem:s3+$0x5210] =	vst v10;
	v44 =	vmul.f32 $1.442695020e+00, v13;
	v18 =	vpop (erf);
	(erf) = vpow2.f32 v14  }
0x8c: {  	v10 =	vld [tilespmem:s7+$0x210];
	[tilespmem:s3+$0x7A00] =	vst v11;
	v8 =	vmul.f32 $1.442695020e+00, v8;
	(erf) = vpow2.f32 v12  }
0x8d: {  	v17 =	vld [tilespmem:s7+$0x240];
	[tilespmem:s18+$0x7A10] =	vst v43;
	v9 =	vmul.f32 v9, v43;
	(erf) = vpow2.f32 v44  }
0x8e: {  	v19 =	vld [tilespmem:s7+$0x220];
	[tilespmem:s18+$0x5200] =	vst v18;
	v6 =	vmul.f32 v6, v18;
	v46 =	vpop (erf);
	(erf) = vpow2.f32 v8  }
0x8f: {  	v45 =	vld [tilespmem:s7+$0x230];
	[tilespmem:s18+$0x7A30] =	vst v9;
	v5 =	vmul.f32 v5, v46;
	v49 =	vsub.f32 v16, v1  }
0x90: {  	v47 =	vld [tilespmem:s0+$0x270];
	[tilespmem:s18+$0x5220] =	vst v6;
	v51 =	vsub.f32 v15, v1  }
0x91: {  	v48 =	vpop (erf);
	v50 =	vld [tilespmem:s7+$0x260];
	[tilespmem:s18+$0x5230] =	vst v5;
	v52 =	vmul.f32 $1.442695020e+00, v49  }
0x92: {  	v4 =	vmul.f32 v4, v48;
	v10 =	vsub.f32 v10, v1;
	[tilespmem:s18+$0x5210] =	vst v46;
	v54 =	vmul.f32 $1.442695020e+00, v51  }
0x93: {  	[tilespmem:s18+$0x7A00] =	vst v48;
	v53 =	vsub.f32 v17, v1;
	(erf) = vpow2.f32 v52  }
0x94: {  	[tilespmem:s18+$0x7A20] =	vst v4;
	v10 =	vmul.f32 $1.442695020e+00, v10;
	(erf) = vpow2.f32 v54;
	v56 =	vpop (erf)  }
0x95: {  	v55 =	vmul.f32 $1.442695020e+00, v53;
	[tilespmem:s0+$0x7A10] =	vst v56;
	v57 =	vmul.f32 v47, v56;
	v58 =	vpop (erf)  }
0x96: {  	(erf) = vpow2.f32 v10;
	[tilespmem:s0+$0x5200] =	vst v58;
	v2 =	vmul.f32 v2, v58;
	v59 =	vpop (erf)  }
0x97: {  	[tilespmem:s0+$0x7A30] =	vst v57;
	v60 =	vpop (erf)  }
0x98: {  	(erf) = vpow2.f32 v55;
	v61 =	vld [tilespmem:s7+$0x270];
	[tilespmem:s0+$0x5220] =	vst v2;
	v2 =	vmul.f32 v7, v60  }
0x99: {  	v3 =	vmul.f32 v3, v59;
	[tilespmem:s0+$0x5210] =	vst v59  }
0x9a: {  	[tilespmem:s0+$0x7A00] =	vst v60  }
0x9b: {  	[tilespmem:s0+$0x5230] =	vst v3  }
0x9c: {  	[tilespmem:s0+$0x7A20] =	vst v2;
	v2 =	vpop (erf)  }
0x9d: {  	[tilespmem:s7+$0x7A10] =	vst v2;
	v2 =	vmul.f32 v61, v2;
	v3 =	vpop (erf)  }
0x9e: {  	[tilespmem:s7+$0x5200] =	vst v3  }
0x9f: {  	v3 =	vmul.f32 v19, v3;
	v62 =	vpop (erf);
	[tilespmem:s7+$0x7A30] =	vst v2  }
0xa0: {  	v63 =	vmul.f32 v45, v62;
	[tilespmem:s7+$0x5210] =	vst v62  }
0xa1: {  	[tilespmem:s7+$0x5220] =	vst v3;
	v2 =	vpop (erf)  }
0xa2: {  	[tilespmem:s7+$0x5230] =	vst v63;
	v3 =	vmul.f32 v50, v2  }
0xa3: {  	[tilespmem:s7+$0x7A00] =	vst v2  }
0xa4: {  	[tilespmem:s7+$0x7A20] =	vst v3  }
0xa5: {  	[spmem:s1] =	stream.indirect.scatter.add.f32 [tilespmem:s22], [sflag:$0x4], $0x80, s2, s21, $0xb8;
	[tilespmem:$0x1DE80] =	vst v63  }
0xa6: {  	_ =	swait.ge [sflag:s23], $0x2800  }
0xa7: {  	s0 =	sadd.s32 s12, s31;
	[sflag:s23] =	ssyncset.done $0x0  }
0xa8: {  	p1 =	sgt.u32 s0, $0x1E7;
	[sflag:s23] =	ssyncadd.s32 $0xFFFFD800  }
0xa9: {  	[spmem:s1] =	stream.indirect.scatter.add.f32 [tilespmem:s24], [sflag:$0x4], $0x80, s19, s21, $0xb8;
	[tilespmem:$0x1DE80] =	vst v63  }
0xaa: {  	s3 =	smul.u32 @!p1 $0xA, s0;
	_ =	swait.ge [sflag:s23], $0x2800  }
0xab: {  	[sflag:s23] =	ssyncset.done $0x0  }
0xac: {  	s9 =	simm.s32 @!p1 $0x0;
	s7 =	sadd.s32 @!p1 s5, s3;
	[sflag:s23] =	ssyncadd.s32 $0xFFFFD800  }
0xad: {  	[tilespmem:s9], [sflag:$0x1] =	stream.linear.gather @!p1 [hbm4b:s7+s9], $0x50, $0x38;
	[tilespmem:$0x1DE80] =	vst v63  }
.Ltmp7:
0xae: {  	_ = 	snop;
	(pc) =	sbr.rel @p0 .LBB2_12-.Ltmp7, $4  }
0xaf: {  	s0 =	smul.u32 @!p1 $0x500, s0;
	s3 =	sadd.s32 @!p1 s6, s3;
	s7 =	simm.s32 @!p1 $0x100  }
0xb0: {  	[tilespmem:s7], [sflag:$0x1] =	stream.linear.gather @!p1 [hbm4b:s3+s9], $0x50, $0x38;
	[tilespmem:$0x1DE80] =	vst v63  }
0xb1: {  	s0 =	sadd.s32 @!p1 s4, s0;
	s3 =	simm.s32 @!p1 $0x200  }
0xb2: {  	[tilespmem:s3], [sflag:$0x1] =	stream.linear.gather @!p1 [hbm4b:s0+s9], $0x2800, $0x38;
	[tilespmem:$0x1DE80] =	vst v63  }
0xb3: {  	_ =	swait.ge [sflag:s25], $0x50  }
0xb4: {  	[sflag:s25] =	ssyncset.done $0x0  }
0xb5: {  	[sflag:s25] =	ssyncadd.s32 $0xFFFFFFB0  }
0xb6: {  	_ =	swait.ge [sflag:s25], $0x50  }
0xb7: {  	[sflag:s25] =	ssyncset.done $0x0  }
0xb8: {  	[sflag:s25] =	ssyncadd.s32 $0xFFFFFFB0  }
0xb9: {  	_ =	swait.ge [sflag:s25], $0x2800  }
0xba: {  	[sflag:s25] =	ssyncset.done $0x0  }
0xbb: {  	s3 =	simm.s32 $0x0;
	[sflag:s25] =	ssyncadd.s32 $0xFFFFD800  }
0xbc: {  	v2 =	vld [tilespmem:s3+$0x2A50]  }
0xbd: {  	v3 =	vld [tilespmem:s3+$0x2A00];
	_ =	sdelay $0x1  }
0xbe: {  	v4 =	vld [tilespmem:s3+$0x2A10]  }
0xbf: {  	v7 =	vld [tilespmem:s3+$0x2A40]  }
0xc0: {  	v9 =	vld [tilespmem:s3+$0x2A20];
	v2 =	vsub.f32 v2, v1  }
0xc1: {  	v11 =	vld [tilespmem:s3+$0x2A30];
	v3 =	vsub.f32 v3, v1  }
0xc2: {  	s18 =	simm.s32 $0x80;
	v13 =	vld [tilespmem:s3+$0x2A60];
	v2 =	vmul.f32 $1.442695020e+00, v2  }
0xc3: {  	v8 =	vld [tilespmem:s18+$0x2A50];
	v3 =	vmul.f32 $1.442695020e+00, v3  }
0xc4: {  	v10 =	vld [tilespmem:s18+$0x2A00];
	(erf) = vpow2.f32 v2  }
0xc5: {  	v12 =	vld [tilespmem:s18+$0x2A10];
	v2 =	vsub.f32 v4, v1;
	(erf) = vpow2.f32 v3  }
0xc6: {  	v14 =	vld [tilespmem:s18+$0x2A40];
	v3 =	vsub.f32 v7, v1  }
0xc7: {  	v6 =	vld [tilespmem:s18+$0x2A20];
	v2 =	vmul.f32 $1.442695020e+00, v2  }
0xc8: {  	v5 =	vld [tilespmem:s18+$0x2A30];
	v3 =	vmul.f32 $1.442695020e+00, v3  }
0xc9: {  	s0 =	simm.s32 $0x100;
	v7 =	vld [tilespmem:s3+$0x2A70];
	(erf) = vpow2.f32 v2  }
0xca: {  	v15 =	vld [tilespmem:s0+$0x2A50];
	(erf) = vpow2.f32 v3  }
0xcb: {  	v16 =	vld [tilespmem:s0+$0x2A00];
	v2 =	vsub.f32 v8, v1  }
0xcc: {  	v17 =	vld [tilespmem:s0+$0x2A10];
	v10 =	vsub.f32 v10, v1  }
0xcd: {  	v12 =	vsub.f32 v12, v1;
	v4 =	vld [tilespmem:s18+$0x2A60];
	v18 =	vmul.f32 $1.442695020e+00, v2;
	v3 =	vpop (erf)  }
0xce: {  	v14 =	vsub.f32 v14, v1;
	v10 =	vmul.f32 $1.442695020e+00, v10;
	v8 =	vld [tilespmem:s0+$0x2A40];
	[tilespmem:s3+$0x7A10] =	vst v3;
	v19 =	vpop (erf);
	v7 =	vmul.f32 v7, v3  }
0xcf: {  	v12 =	vmul.f32 $1.442695020e+00, v12;
	(erf) = vpow2.f32 v18;
	v2 =	vld [tilespmem:s0+$0x2A20];
	[tilespmem:s3+$0x5200] =	vst v19  }
0xd0: {  	(erf) = vpow2.f32 v10;
	v3 =	vld [tilespmem:s0+$0x2A30];
	[tilespmem:s3+$0x7A30] =	vst v7;
	v7 =	vmul.f32 $1.442695020e+00, v14  }
0xd1: {  	(erf) = vpow2.f32 v12  }
0xd2: {  	v62 =	vmul.f32 v9, v19;
	v10 =	vpop (erf);
	(erf) = vpow2.f32 v7  }
0xd3: {  	v14 =	vsub.f32 v15, v1;
	v63 =	vmul.f32 v11, v10;
	v11 =	vpop (erf)  }
0xd4: {  	v12 =	vsub.f32 v16, v1;
	v9 =	vld [tilespmem:s18+$0x2A70];
	[tilespmem:s3+$0x5220] =	vst v62;
	v15 =	vmul.f32 v13, v11  }
0xd5: {  	s7 =	simm.s32 $0x180;
	s9 =	simm.s32 $0x800;
	v7 =	vld [tilespmem:s0+$0x2A60];
	v14 =	vmul.f32 $1.442695020e+00, v14;
	v13 =	vsub.f32 v17, v1;
	[tilespmem:s3+$0x5230] =	vst v63  }
.LBB2_10:
0xd6: {  	p0 =	sne.s32 s9, $0x9E00;
	v16 =	vld [tilespmem:s7+$0x2A50];
	v17 =	vmul.f32 $1.442695020e+00, v12;
	v8 =	vsub.f32 v8, v1;
	[tilespmem:s3+$0x7A20] =	vst v15  }
0xd7: {  	v15 =	vld [tilespmem:s7+$0x2A00];
	v13 =	vmul.f32 $1.442695020e+00, v13;
	(erf) = vpow2.f32 v14;
	[tilespmem:s3+$0x5210] =	vst v10  }
0xd8: {  	v14 =	vld [tilespmem:s7+$0x2A10];
	v18 =	vmul.f32 $1.442695020e+00, v8;
	(erf) = vpow2.f32 v17;
	v12 =	vpop (erf);
	[tilespmem:s3+$0x7A00] =	vst v11;
	s3 =	smov.u32 s18;
	s18 =	smov.u32 s0;
	s0 =	smov.u32 s7  }
.Ltmp8:
0xd9: {  	v8 =	vld [tilespmem:s0+$0x2A40];
	(erf) = vpow2.f32 v13;
	[tilespmem:s3+$0x7A10] =	vst v12;
	v9 =	vmul.f32 v9, v12;
	v11 =	vpop (erf);
	(pc) =	sbr.rel @p0 .LBB2_10-.Ltmp8, $4  }
0xda: {  	(erf) = vpow2.f32 v18;
	[tilespmem:s3+$0x5200] =	vst v11;
	v13 =	vmul.f32 v6, v11;
	v10 =	vpop (erf);
	v6 =	vmov v2;
	v2 =	vld [tilespmem:s0+$0x2A20]  }
0xdb: {  	v16 =	vsub.f32 v16, v1;
	v17 =	vmul.f32 v5, v10;
	[tilespmem:s3+$0x7A30] =	vst v9;
	v11 =	vpop (erf);
	v5 =	vmov v3;
	v3 =	vld [tilespmem:s0+$0x2A30]  }
0xdc: {  	v12 =	vsub.f32 v15, v1;
	v9 =	vld [tilespmem:s18+$0x2A70];
	[tilespmem:s3+$0x5220] =	vst v13;
	v15 =	vmul.f32 v4, v11;
	v4 =	vmov v7  }
0xdd: {  	s7 =	sshra.s32 s9, $0x2;
	s9 =	sadd.s32 $0x200, s9;
	v13 =	vsub.f32 v14, v1;
	v14 =	vmul.f32 $1.442695020e+00, v16;
	v7 =	vld [tilespmem:s0+$0x2A60];
	[tilespmem:s3+$0x5230] =	vst v17  }
0xde: {  	_ =	sdelay $0x1  }
0xdf: {  	v16 =	vld [tilespmem:s7+$0x2A50];
	[tilespmem:s3+$0x7A20] =	vst v15;
	v12 =	vmul.f32 $1.442695020e+00, v12;
	v8 =	vsub.f32 v8, v1;
	v43 =	vpop (erf)  }
0xe0: {  	v15 =	vld [tilespmem:s7+$0x2A00];
	[tilespmem:s3+$0x5210] =	vst v10;
	v44 =	vmul.f32 $1.442695020e+00, v13;
	v18 =	vpop (erf);
	(erf) = vpow2.f32 v14  }
0xe1: {  	v10 =	vld [tilespmem:s7+$0x2A10];
	[tilespmem:s3+$0x7A00] =	vst v11;
	v8 =	vmul.f32 $1.442695020e+00, v8;
	(erf) = vpow2.f32 v12  }
0xe2: {  	v17 =	vld [tilespmem:s7+$0x2A40];
	[tilespmem:s18+$0x7A10] =	vst v43;
	v9 =	vmul.f32 v9, v43;
	(erf) = vpow2.f32 v44  }
0xe3: {  	v19 =	vld [tilespmem:s7+$0x2A20];
	[tilespmem:s18+$0x5200] =	vst v18;
	v6 =	vmul.f32 v6, v18;
	v46 =	vpop (erf);
	(erf) = vpow2.f32 v8  }
0xe4: {  	v45 =	vld [tilespmem:s7+$0x2A30];
	[tilespmem:s18+$0x7A30] =	vst v9;
	v5 =	vmul.f32 v5, v46;
	v49 =	vsub.f32 v16, v1  }
0xe5: {  	v47 =	vld [tilespmem:s0+$0x2A70];
	[tilespmem:s18+$0x5220] =	vst v6;
	v51 =	vsub.f32 v15, v1  }
0xe6: {  	v48 =	vpop (erf);
	v50 =	vld [tilespmem:s7+$0x2A60];
	[tilespmem:s18+$0x5230] =	vst v5;
	v52 =	vmul.f32 $1.442695020e+00, v49  }
0xe7: {  	v4 =	vmul.f32 v4, v48;
	v10 =	vsub.f32 v10, v1;
	[tilespmem:s18+$0x5210] =	vst v46;
	v54 =	vmul.f32 $1.442695020e+00, v51  }
0xe8: {  	[tilespmem:s18+$0x7A00] =	vst v48;
	v53 =	vsub.f32 v17, v1;
	(erf) = vpow2.f32 v52  }
0xe9: {  	[tilespmem:s18+$0x7A20] =	vst v4;
	v10 =	vmul.f32 $1.442695020e+00, v10;
	(erf) = vpow2.f32 v54;
	v56 =	vpop (erf)  }
0xea: {  	v55 =	vmul.f32 $1.442695020e+00, v53;
	[tilespmem:s0+$0x7A10] =	vst v56;
	v57 =	vmul.f32 v47, v56;
	v58 =	vpop (erf)  }
0xeb: {  	(erf) = vpow2.f32 v10;
	[tilespmem:s0+$0x5200] =	vst v58;
	v2 =	vmul.f32 v2, v58;
	v59 =	vpop (erf)  }
0xec: {  	[tilespmem:s0+$0x7A30] =	vst v57;
	v60 =	vpop (erf)  }
0xed: {  	(erf) = vpow2.f32 v55;
	v61 =	vld [tilespmem:s7+$0x2A70];
	[tilespmem:s0+$0x5220] =	vst v2;
	v2 =	vmul.f32 v7, v60  }
0xee: {  	v3 =	vmul.f32 v3, v59;
	[tilespmem:s0+$0x5210] =	vst v59  }
0xef: {  	[tilespmem:s0+$0x7A00] =	vst v60  }
0xf0: {  	[tilespmem:s0+$0x5230] =	vst v3  }
0xf1: {  	[tilespmem:s0+$0x7A20] =	vst v2;
	v2 =	vpop (erf)  }
0xf2: {  	[tilespmem:s7+$0x7A10] =	vst v2;
	v2 =	vmul.f32 v61, v2;
	v3 =	vpop (erf)  }
0xf3: {  	[tilespmem:s7+$0x5200] =	vst v3  }
0xf4: {  	v3 =	vmul.f32 v19, v3;
	v62 =	vpop (erf);
	[tilespmem:s7+$0x7A30] =	vst v2  }
0xf5: {  	v63 =	vmul.f32 v45, v62;
	[tilespmem:s7+$0x5210] =	vst v62  }
0xf6: {  	[tilespmem:s7+$0x5220] =	vst v3;
	v2 =	vpop (erf)  }
0xf7: {  	[tilespmem:s7+$0x5230] =	vst v63;
	v3 =	vmul.f32 v50, v2  }
0xf8: {  	[tilespmem:s7+$0x7A00] =	vst v2  }
0xf9: {  	[tilespmem:s7+$0x7A20] =	vst v3  }
0xfa: {  	[spmem:s1] =	stream.indirect.scatter.add.f32 [tilespmem:s22], [sflag:$0x4], $0x80, s26, s21, $0xb8;
	[tilespmem:$0x1DE80] =	vst v63  }
0xfb: {  	_ =	swait.ge [sflag:s23], $0x2800  }
0xfc: {  	[sflag:s23] =	ssyncset.done $0x0  }
.Ltmp9:
0xfd: {  	[sflag:s23] =	ssyncadd.s32 $0xFFFFD800;
	(pc) =	sbr.rel .LBB2_12-.Ltmp9, $4  }
0xfe: {  	[spmem:s1] =	stream.indirect.scatter.add.f32 [tilespmem:s24], [sflag:$0x3], $0x80, s28, s21, $0xb8;
	[tilespmem:$0x1DE80] =	vst v63  }
0xff: {  	_ =	swait.ge [sflag:s17], $0x2800  }
0x100: {  	[sflag:s17] =	ssyncset.done $0x0  }
0x101: {  	[sflag:s17] =	ssyncadd.s32 $0xFFFFD800  }
.LBB2_14:
0x102: {  	_ =	sfence.sel $0x180000  }
0x103: {  	[bflag:$0x0] =	sbarrier.arrive $0xFFFF  }
0x104: {  	_ =	strace $0x9000004A  }
0x105: {  	s0 =	stileid.u32;
	[bflag:$0x2] =	sbarrier.arrive $0xFFFF  }
0x106: {  	p0 =	sne.s32 s0, $0x0;
	s0 =	rddreg [dreg:$0x3]  }
0x107: {  	s0 =	sadd.s32 @!p0 $0x100000, s0  }
0x108: {  	[sflag:s0] =	ssyncadd.tile.s32 @!p0 $0x1;
	_ =	shalt  }
.Lfunc_end2:
_tile_overlayer_lowered:
.L_overlay_start_2:
0x109: {  	(tag) =	ssettag $0x2  }
0x10a: {  	s0 =	rddreg [dreg:$0x0];
	s2 =	stileid.u32  }
0x10b: {  	s1 =	rddreg [dreg:$0x1];
	p0 =	sne.s32 s2, $0x0  }
0x10c: {  	s3 =	rddreg [dreg:$0x2];
	[bflag:$0x3] =	sbarrier.arrive $0xFFFF;
	s2 =	simm.s32 @!p0 $0x1C03  }
0x10d: {  	[timem:s3], [sflag:s2] =	dma.local @!p0 [hbm:s0], s1  }
0x10e: {  	s0 =	simm.s32 @!p0 $0x3  }
0x10f: {  	_ =	swait.ge @!p0 [sflag:s0], s1  }
0x110: {  	s1 =	ssub.s32 @!p0 $0x0, s1;
	[sflag:s0] =	ssyncset.done @!p0 $0x0  }
0x111: {  	[sflag:s0] =	ssyncadd.s32 @!p0 s1  }
0x112: {  	[bflag:$0x3] =	sbarrier.arrive $0xFFFF  }
0x113: {  	_ =	shalt  }

// kernel: kernel.8.cloned.1.call-start
scs
__scs_entry_jumppad:
0x0: {  	(pc) =	sbr.rel $0x88, $3  }
0x1: {  	(tag) =	ssettag $0x0;
	lr =	simm.s32 $0x1  }
0x2: {  	[smem:$0x3F94] =	sst lr;
	_ =	strace $0xD0000000  }
0x3: {  	_ = 	snop  }
0x4: {  	_ = 	snop  }
0x5: {  	_ = 	snop  }
0x6: {  	_ = 	snop  }
0x7: {  	_ = 	snop  }
__scs_overlays_trampoline_lowered:
0x8: {  	[smem:$0x3FA3] =	sst s0  }
0x9: {  	[smem:$0x3FA4] =	sst s1  }
0xa: {  	[smem:$0x3FA5] =	sst s2  }
0xb: {  	[smem:$0x3FA6] =	sst s3  }
0xc: {  	[smem:$0x3FA7] =	sst s4  }
0xd: {  	[smem:$0x3FA8] =	sst s5  }
0xe: {  	[smem:$0x3FA9] =	sst s6  }
0xf: {  	[smem:$0x3FAA] =	sst s7  }
0x10: {  	[smem:$0x3FAB] =	sst s8  }
0x11: {  	[smem:$0x3FAC] =	sst s9;
	s0 =	simm.s32 @!p0 $0x0  }
0x12: {  	s1 =	sld [smem:$0x3F92];
	s0 =	simm.s32 @p0 $0x1  }
0x13: {  	[smem:$0x3FAD] =	sst s0;
	s0 =	simm.s32 @!p1 $0x0  }
0x14: {  	s2 =	sld [smem:$0x3F91];
	s0 =	simm.s32 @p1 $0x1  }
0x15: {  	[smem:$0x3FAE] =	sst s0;
	s0 =	simm.s32 @!p2 $0x0  }
0x16: {  	s3 =	sld [smem:$0x3FDB];
	s0 =	simm.s32 @p2 $0x1  }
0x17: {  	s4 =	simm.s32 $0x1BF5;
	[smem:$0x3FB0] =	sst s0  }
0x18: {  	s0 =	sld [smem:$0x3F93];
	_ =	swait.ge [sflag:s4], $0x0  }
0x19: {  	s7 =	sld [smem:$0x3F94]  }
0x1a: {  	s8 =	sadd.s32 $0xFFFFE003, lr  }
0x1b: {  	s9 =	sadd.s32 $0xFFFFFEF7, lr;
	s5 =	simm.s32 $0xFFFFFFFF;
	p2 =	slt.u32 s8, $0xFFFFF086  }
0x1c: {  	p1 =	slt.u32 s9, $0xF7A;
	s5 =	simm.s32 @!p2 $0x0  }
0x1d: {  	s5 =	simm.s32 @p1 $0x1;
	p0 =	seq.s32 s7, s2  }
0x1e: {  	s7 =	smul.u32 @!p0 $0xF7A, s2;
	p2 =	seq.s32 @!p0 s5, $0x0  }
0x1f: {  	s9 =	smul.u32 $0xF7A, s1;
	s8 =	simm.s32 @!p0 $0x1BF5;
	p2 =	por !p2, p0  }
0x20: {  	[sflag:s8] =	ssyncset.s32 @!p0 $0xFFFFF086;
	s6 =	sadd.s32 @!p0 s3, s7;
	s7 =	simm.s32 @!p0 $0x108  }
0x21: {  	s3 =	sadd.s32 s3, s9;
	s6 =	sadd.s32 @!p0 $0x88, s6;
	s7 =	simm.s32 @p2 $0x1082  }
0x22: {  	[simem:s7], [sflag:s8] =	dma.local @!p0 [hbm:s6], $0xF7A  }
0x23: {  	s9 =	sor.u32 $0xD0000000, s2;
	s6 =	simm.s32 $0x108;
	_ =	swait.ge @!p0 [sflag:s8], $0x0  }
0x24: {  	s3 =	sadd.s32 $0x88, s3;
	s6 =	simm.s32 @!p1 $0x1082;
	[sflag:s4] =	ssyncset.s32 $0xFFFFF086  }
0x25: {  	[simem:s6], [sflag:s4] =	dma.local [hbm:s3], $0xF7A  }
0x26: {  	[smem:$0x3F94] =	sst s1;
	(tag) =	ssettag s2;
	_ =	strace s9  }
0x27: {  	s1 =	sld [smem:$0x3FA4]  }
0x28: {  	s2 =	sld [smem:$0x3FA5]  }
0x29: {  	s4 =	sld [smem:$0x3FA7]  }
0x2a: {  	p0 =	seq.s32 s5, $0x0;
	s5 =	sld [smem:$0x3FA8]  }
0x2b: {  	s6 =	sld [smem:$0x3FA9]  }
0x2c: {  	s7 =	sld [smem:$0x3FAA]  }
0x2d: {  	s3 =	simm.s32 $0x108;
	s8 =	sld [smem:$0x3FAB]  }
0x2e: {  	s3 =	simm.s32 @!p0 $0x1082;
	s9 =	sld [smem:$0x3FAC]  }
0x2f: {  	lr =	sadd.s32 s0, s3;
	s0 =	sld [smem:$0x3FA3]  }
0x30: {  	s3 =	sld [smem:$0x3FA6]  }
0x31: {  	[smem:$0x3FAF] =	sst s10  }
0x32: {  	s10 =	sld [smem:$0x3FAD];
	_ =	sdelay $0x3  }
0x33: {  	p0 =	seq.s32 s10, $0x1;
	s10 =	sld [smem:$0x3FAF];
	_ =	sdelay $0x3  }
0x34: {  	[smem:$0x3FAF] =	sst s10  }
0x35: {  	s10 =	sld [smem:$0x3FAE];
	_ =	sdelay $0x3  }
0x36: {  	p1 =	seq.s32 s10, $0x1;
	s10 =	sld [smem:$0x3FAF];
	_ =	sdelay $0x3  }
0x37: {  	[smem:$0x3FAF] =	sst s10  }
0x38: {  	s10 =	sld [smem:$0x3FB0]  }
0x39: {  	_ = 	snop;
	(pc) =	sbr.ind lr, $3  }
0x3a: {  	_ = 	snop  }
0x3b: {  	_ = 	snop  }
0x3c: {  	p2 =	seq.s32 s10, $0x1;
	s10 =	sld [smem:$0x3FAF]  }
0x3d: {  	_ =	shalt  }
0x3e: {  	_ =	shalt  }
0x3f: {  	_ =	shalt  }
0x40: {  	_ =	shalt  }
0x41: {  	_ =	shalt  }
0x42: {  	_ =	shalt  }
0x43: {  	_ =	shalt  }
0x44: {  	_ =	shalt  }
0x45: {  	_ =	shalt  }
0x46: {  	_ =	shalt  }
0x47: {  	_ =	shalt  }
0x48: {  	_ =	shalt  }
0x49: {  	_ =	shalt  }
0x4a: {  	_ =	shalt  }
0x4b: {  	_ =	shalt  }
0x4c: {  	_ =	shalt  }
0x4d: {  	_ =	shalt  }
0x4e: {  	_ =	shalt  }
0x4f: {  	_ =	shalt  }
0x50: {  	_ =	shalt  }
0x51: {  	_ =	shalt  }
0x52: {  	_ =	shalt  }
0x53: {  	_ =	shalt  }
0x54: {  	_ =	shalt  }
0x55: {  	_ =	shalt  }
0x56: {  	_ =	shalt  }
0x57: {  	_ =	shalt  }
0x58: {  	_ =	shalt  }
0x59: {  	_ =	shalt  }
0x5a: {  	_ =	shalt  }
0x5b: {  	_ =	shalt  }
0x5c: {  	_ =	shalt  }
0x5d: {  	_ =	shalt  }
0x5e: {  	_ =	shalt  }
0x5f: {  	_ =	shalt  }
0x60: {  	_ =	shalt  }
0x61: {  	_ =	shalt  }
0x62: {  	_ =	shalt  }
0x63: {  	_ =	shalt  }
0x64: {  	_ =	shalt  }
0x65: {  	_ =	shalt  }
0x66: {  	_ =	shalt  }
0x67: {  	_ =	shalt  }
0x68: {  	_ =	shalt  }
0x69: {  	_ =	shalt  }
0x6a: {  	_ =	shalt  }
0x6b: {  	_ =	shalt  }
0x6c: {  	_ =	shalt  }
0x6d: {  	_ =	shalt  }
0x6e: {  	_ =	shalt  }
0x6f: {  	_ =	shalt  }
0x70: {  	_ =	shalt  }
0x71: {  	_ =	shalt  }
0x72: {  	_ =	shalt  }
0x73: {  	_ =	shalt  }
0x74: {  	_ =	shalt  }
0x75: {  	_ =	shalt  }
0x76: {  	_ =	shalt  }
0x77: {  	_ =	shalt  }
0x78: {  	_ =	shalt  }
0x79: {  	_ =	shalt  }
0x7a: {  	_ =	shalt  }
0x7b: {  	_ =	shalt  }
0x7c: {  	_ =	shalt  }
0x7d: {  	_ =	shalt  }
0x7e: {  	_ =	shalt  }
0x7f: {  	_ =	shalt  }
0x80: {  	_ =	shalt  }
0x81: {  	_ =	shalt  }
0x82: {  	_ =	shalt  }
0x83: {  	_ =	shalt  }
0x84: {  	_ =	shalt  }
0x85: {  	_ =	shalt  }
0x86: {  	_ =	shalt  }
0x87: {  	_ =	shalt  }
.Lfunc_end0:
.L_simem_size_0:
called_computation_lowered:
.L_overlay_start_0:
0x88: {  	s2 =	sld [smem:$0x3FD9]  }
0x89: {  	s3 =	sld [smem:$0x3FFE];
	_ =	sdelay $0x1  }
0x8a: {  	s1 =	srdreg.scid  }
0x8b: {  	s0 =	sand.u32 $0x1, s1  }
0x8c: {  	s16 =	sshll.u32 s0, $0xA;
	s2 =	sadd.s32 s3, s2  }
0x8d: {  	s2 =	sadd.s32 s2, s16  }
0x8e: {  	[smem:$0x3FBB] =	sst s2  }
0x8f: {  	_ = 	snop  }
0x90: {  	(tm) =	ssettm $0x1  }
0x91: {  	s17 =	sld [smem:$0x3FFB];
	_ =	sdelay $0x3  }
0x92: {  	_ =	strace s17  }
0x93: {  	s2 =	sld [smem:$0x3FFC];
	_ =	sdelay $0x3  }
0x94: {  	_ =	strace s2  }
0x95: {  	s2 =	sld [smem:$0x3FFD];
	_ =	sdelay $0x3  }
0x96: {  	_ =	strace s2  }
0x97: {  	_ =	strace $0x8FFFFFFF  }
0x98: {  	s18 =	sld [smem:$0x3FDB];
	_ =	sdelay $0x1  }
0x99: {  	s19 =	simm.s32 $_scs_section_size  }
0x9a: {  	s4 =	simm.s32 $_size__tile_overlayer_lowered;
	s5 =	simm.s32 $_tile_overlayer_lowered  }
0x9b: {  	s22 =	simm.s32 $0x1BFF;
	s21 =	sshll.u32 s5, $0x1;
	s2 =	sadd.s32 s19, s18  }
0x9c: {  	s6 =	simm.s32 $0x0;
	s20 =	sshll.u32 s4, $0x1;
	s4 =	sadd.s32 s21, s2  }
0x9d: {  	[timem:s6], [sflag:s22] =	dma.local [hbm:s4], s20  }
0x9e: {  	_ =	swait.ge [sflag:s22], s20  }
0x9f: {  	s3 =	ssub.s32 $0x0, s20;
	[sflag:s22] =	ssyncset.done $0x0  }
0xa0: {  	[sflag:s22] =	ssyncadd.s32 s3;
	_ =	sdelay $0x1  }
0xa1: {  	s23 =	simm.s32 $0x1B8B  }
0xa2: {  	_ =	swait.ge [sflag:s23], $0x1  }
0xa3: {  	[sflag:s23] =	ssyncset.done $0x0  }
0xa4: {  	s25 =	simm.s32 $0x1B8E;
	s24 =	sld [smem:$0x3FFE];
	[sflag:s23] =	ssyncadd.s32 $0xFFFFFFFF  }
0xa5: {  	s26 =	simm.s32 $execute0_lowered;
	[smem:$0x3FD2] =	sst s25  }
0xa6: {  	s4 =	sshll.u32 s26, $0x1;
	_ =	strace $0x80000046;
	[dreg:$0x1] =	wrdreg $0xFFFFFFFF  }
0xa7: {  	s28 =	simm.s32 $_size_execute0_lowered;
	s2 =	sadd.s32 s2, s4;
	[dreg:$0x0] =	wrdreg $0x0  }
0xa8: {  	s4 =	sshll.u32 s28, $0x1;
	[dreg:$0x2] =	wrdreg s2  }
0xa9: {  	[dreg:$0x3] =	wrdreg s4  }
0xaa: {  	[dreg:$0x4] =	wrdreg $0xC0  }
0xab: {  	_ =	task [dreg:s6], $0x5FFFF  }
0xac: {  	[dreg:$0x1] =	wrdreg $0xFFFFFFFF  }
0xad: {  	[dreg:$0x0] =	wrdreg $0x60  }
0xae: {  	[dreg:$0x2] =	wrdreg s24  }
0xaf: {  	[dreg:$0x3] =	wrdreg $0xA2800  }
0xb0: {  	[dreg:$0x4] =	wrdreg $0x9  }
0xb1: {  	_ =	task.clear_ibuf [dreg:s6], $0x5FFFF;
	_ =	strace $0x90000046  }
0xb2: {  	s29 =	simm.s32 $0x9;
	_ =	strace $0x80000048  }
0xb3: {  	_ =	swait.ge [sflag:s29], $0x1  }
0xb4: {  	[sflag:s29] =	ssyncadd.s32 $0xFFFFFFFF  }
0xb5: {  	_ =	strace $0x90000048  }
0xb6: {  	_ =	sfence  }
0xb7: {  	s30 =	sld [smem:$0x0];
	_ =	sdelay $0x2  }
0xb8: {  	s31 =	sshll.u32 s1, $0xD;
	s1 =	sshrl.u32 s1, $0x2  }
0xb9: {  	s3 =	sand.u32 $0x4000, s31;
	s1 =	sadd.s32 s1, s30  }
0xba: {  	s0 =	sor.u32 s3, s0;
	s1 =	sshll.u32 s1, $0x11  }
0xbb: {  	s0 =	sor.u32 s1, s0  }
0xbc: {  	s0 =	sadd.s32 $0x8F2B, s0  }
0xbd: {  	[sflag:s0] =	ssyncadd.remote.s32 $0x1  }
0xbe: {  	_ =	sfence.sel $0xFFFF  }
0xbf: {  	[dreg:$0x0] =	wrdreg $0xFFFFFFFF;
	(pc) =	sbr.abs _section_cstart, $3  }
0xc0: {  	[dreg:$0x1] =	wrdreg $0xFFFFFFFF  }
0xc1: {  	_ =	task.clear_ibuf [dreg:s6], $0x2FFFF;
	_ =	strace $0x9FFFFFFF  }
0xc2: {  	(tm) =	ssettm $0x7FFFFFFF  }
0xc3: {  	_ =	shalt  }
tec
execute0_lowered:
.L_overlay_start_1:
0x0: {  	(tag) =	ssettag $0x1  }
0x1: {  	s0 =	rddreg [dreg:$0x0]  }
0x2: {  	s1 =	rddreg [dreg:$0x1];
	s2 =	simm.s32 $0x0;
	s3 =	srdreg.scid  }
0x3: {  	s13 =	stileid.u32;
	s16 =	simm.s32 $0x200;
	s17 =	simm.s32 $0x3  }
0x4: {  	s19 =	simm.s32 $0x100;
	s20 =	simm.s32 $0x80;
	s21 =	simm.s32 $0x180  }
0x5: {  	s22 =	simm.s32 $0x2A00;
	s28 =	simm.s32 $0x7A00;
	s29 =	simm.s32 $0x2  }
0x6: {  	s30 =	simm.s32 $0x0;
	s31 =	simm.s32 $0x0;
	[smem:$0x7FF] =	sst s2  }
0x7: {  	s4 =	sadd.s32 $0x5600, s0;
	s5 =	sadd.s32 $0x2C00, s0;
	s6 =	sadd.s32 $0x4000, s0  }
0x8: {  	s3 =	sand.u32 $0x1, s3;
	s7 =	sshll.u32 s13, $0x1;
	s9 =	smul.u32 $0x4F000, s13  }
0x9: {  	s10 =	sadd.s32 $0xA5600, s0;
	s26 =	smul.u32 $0x2780, s13;
	_ =	strace $0x80000047  }
0xa: {  	s8 =	ssub.s32 $0x2, s3;
	s7 =	sor.u32 s3, s7;
	[dreg:$0x3] =	wrdreg s10  }
0xb: {  	p0 =	seq.s32 s3, $0x1;
	s3 =	simm.s32 $0xCD000;
	s11 =	smul.u32 $0xA, s7  }
0xc: {  	s23 =	sshrl.u32 s8, $0x1;
	s24 =	sshrl.u32 s9, $0x2;
	s25 =	smul.u32 $0x500, s7  }
0xd: {  	s3 =	simm.s32 @!p0 $0xA5800;
	s14 =	sor.u32 $0x20, s7;
	s10 =	ssub.s32 s8, s23  }
0xe: {  	s8 =	sadd.s32 s24, s1;
	s0 =	sadd.s32 s3, s0;
	s23 =	simm.s32 $0x1  }
0xf: {  	s24 =	simm.s32 $0x50;
	s12 =	sadd.s32 s5, s11;
	s11 =	sadd.s32 s6, s11  }
0x10: {  	s9 =	sadd.s32 s4, s25;
	s13 =	smax.u32 s10, $0x1;
	[dreg:$0x4] =	wrdreg s12  }
0x11: {  	s15 =	sadd.s32 s0, s26;
	s25 =	simm.s32 $0x5200;
	[dreg:$0x5] =	wrdreg s11  }
0x12: {  	v0 =	vimm.f32 $0.0e+00;
	s26 =	simm.s32 $0x4;
	[dreg:$0x6] =	wrdreg s9;
	s12 =	sor.u32 $0x40, s7  }
.LBB2_1:
0x13: {  	s0 =	simm.s32 $0x0;
	s3 =	simm.s32 $0x200  }
.LBB2_2:
0x14: {  	p0 =	sne.s32 s3, $0x9E00;
	[tilespmem:s0+$0x7A70] =	vst v0  }
0x15: {  	[tilespmem:s0+$0x200] =	vst v0  }
0x16: {  	[tilespmem:s0+$0x210] =	vst v0  }
0x17: {  	[tilespmem:s0+$0x220] =	vst v0  }
0x18: {  	[tilespmem:s0+$0x230] =	vst v0  }
0x19: {  	[tilespmem:s0+$0x240] =	vst v0  }
0x1a: {  	[tilespmem:s0+$0x250] =	vst v0  }
0x1b: {  	[tilespmem:s0+$0x260] =	vst v0  }
0x1c: {  	[tilespmem:s0+$0x270] =	vst v0  }
0x1d: {  	[tilespmem:s0+$0x5240] =	vst v0  }
0x1e: {  	[tilespmem:s0+$0x7A40] =	vst v0  }
.Ltmp0:
0x1f: {  	[tilespmem:s0+$0x5250] =	vst v0;
	(pc) =	sbr.rel @p0 .LBB2_2-.Ltmp0, $4  }
0x20: {  	[tilespmem:s0+$0x7A50] =	vst v0  }
0x21: {  	[tilespmem:s0+$0x5260] =	vst v0  }
0x22: {  	[tilespmem:s0+$0x7A60] =	vst v0  }
0x23: {  	[tilespmem:s0+$0x5270] =	vst v0;
	s0 =	sshra.s32 s3, $0x2;
	s3 =	sadd.s32 $0x200, s3  }
0x24: {  	[tilespmem:s0+$0x7A70] =	vst v0  }
0x25: {  	[tilespmem:s0+$0x200] =	vst v0  }
0x26: {  	[tilespmem:s0+$0x210] =	vst v0  }
0x27: {  	[tilespmem:s0+$0x220] =	vst v0  }
0x28: {  	[tilespmem:s0+$0x230] =	vst v0  }
0x29: {  	[tilespmem:s0+$0x240] =	vst v0  }
0x2a: {  	[tilespmem:s0+$0x250] =	vst v0  }
0x2b: {  	[tilespmem:s0+$0x260] =	vst v0  }
0x2c: {  	[tilespmem:s0+$0x270] =	vst v0  }
0x2d: {  	[tilespmem:s0+$0x5240] =	vst v0  }
0x2e: {  	[tilespmem:s0+$0x7A40] =	vst v0  }
0x2f: {  	[tilespmem:s0+$0x5250] =	vst v0  }
0x30: {  	[tilespmem:s0+$0x7A50] =	vst v0  }
0x31: {  	[tilespmem:s0+$0x5260] =	vst v0  }
0x32: {  	[tilespmem:s0+$0x7A60] =	vst v0  }
0x33: {  	[tilespmem:s0+$0x5270] =	vst v0;
	s18 =	sadd.s32 $0x0, s8  }
0x34: {  	[spmem:s18] =	stream.linear.scatter [tilespmem:s16], [sflag:$0x3], $0x400, $0x38;
	[tilespmem:$0x1DE80] =	vst v63  }
0x35: {  	s0 =	simm.s32 $0x1000;
	_ =	swait.ge [sflag:s17], $0x400  }
.LBB2_4:
0x36: {  	s3 =	sshra.s32 s0, $0x2;
	[sflag:s17] =	ssyncset.done $0x0;
	p0 =	sne.s32 s0, $0x4E000  }
.Ltmp1:
0x37: {  	s3 =	sadd.s32 s3, s8;
	[sflag:s17] =	ssyncadd.s32 $0xFFFFFC00;
	(pc) =	sbr.rel @p0 .LBB2_4-.Ltmp1, $3  }
0x38: {  	[spmem:s3] =	stream.linear.scatter [tilespmem:s16], [sflag:$0x3], $0x400, $0x38;
	[tilespmem:$0x1DE80] =	vst v63  }
0x39: {  	s0 =	sadd.s32 $0x1000, s0;
	_ =	sdelay $0x1  }
0x3a: {  	_ =	swait.ge [sflag:s17], $0x400  }
0x3b: {  	[sflag:s17] =	ssyncset.done $0x0  }
0x3c: {  	s0 =	rddreg [dreg:$0x3];
	s3 =	simm.s32 $0xA200;
	[sflag:s17] =	ssyncadd.s32 $0xFFFFFC00  }
0x3d: {  	[tilespmem:s3], [sflag:$0x3] =	stream.linear.gather [hbm4b:s0+s31], $0x80, $0x38;
	[tilespmem:$0x1DE80] =	vst v63  }
0x3e: {  	_ =	swait.ge [sflag:s17], $0x80  }
0x3f: {  	[sflag:s17] =	ssyncset.done $0x0  }
0x40: {  	[sflag:s17] =	ssyncadd.s32 $0xFFFFFF80  }
0x41: {  	v1 =	vld [tilespmem:$0xA200];
	[bflag:$0x0] =	sbarrier.arrive $0xFFFF  }
0x42: {  	s10 =	rddreg [dreg:$0x4]  }
0x43: {  	[tilespmem:s31], [sflag:$0x1] =	stream.linear.gather [hbm4b:s10+s31], $0x50, $0x38;
	[tilespmem:$0x1DE80] =	vst v63  }
0x44: {  	s11 =	rddreg [dreg:$0x5]  }
0x45: {  	[tilespmem:s19], [sflag:$0x1] =	stream.linear.gather [hbm4b:s11+s31], $0x50, $0x38;
	[tilespmem:$0x1DE80] =	vst v63  }
0x46: {  	s0 =	simm.s32 $0x0;
	s18 =	rddreg [dreg:$0x6]  }
0x47: {  	[tilespmem:s16], [sflag:$0x1] =	stream.linear.gather [hbm4b:s18+s31], $0x2800, $0x38;
	[tilespmem:$0x1DE80] =	vst v63  }
.LBB2_6:
0x48: {  	s18 =	sshll.u32 s0, $0x6  }
0x49: {  	s3 =	sor.u32 s14, s18  }
0x4a: {  	s7 =	smul.u32 $0xA, s3;
	_ =	sdelay $0x1  }
0x4b: {  	s9 =	sadd.s32 s5, s7  }
0x4c: {  	[tilespmem:s20], [sflag:$0x2] =	stream.linear.gather [hbm4b:s9+s31], $0x50, $0x38;
	[tilespmem:$0x1DE80] =	vst v63  }
0x4d: {  	s3 =	smul.u32 $0x500, s3;
	s7 =	sadd.s32 s6, s7  }
0x4e: {  	[tilespmem:s21], [sflag:$0x2] =	stream.linear.gather [hbm4b:s7+s31], $0x50, $0x38;
	[tilespmem:$0x1DE80] =	vst v63  }
0x4f: {  	s3 =	sadd.s32 s4, s3  }
0x50: {  	[tilespmem:s22], [sflag:$0x2] =	stream.linear.gather [hbm4b:s3+s31], $0x2800, $0x38;
	[tilespmem:$0x1DE80] =	vst v63  }
0x51: {  	_ =	swait.ge [sflag:s23], $0x50  }
0x52: {  	[sflag:s23] =	ssyncset.done $0x0  }
0x53: {  	[sflag:s23] =	ssyncadd.s32 $0xFFFFFFB0  }
0x54: {  	_ =	swait.ge [sflag:s23], $0x50  }
0x55: {  	[sflag:s23] =	ssyncset.done $0x0  }
0x56: {  	[sflag:s23] =	ssyncadd.s32 $0xFFFFFFB0  }
0x57: {  	_ =	swait.ge [sflag:s23], $0x2800  }
0x58: {  	[sflag:s23] =	ssyncset.done $0x0  }
0x59: {  	s9 =	simm.s32 $0x0;
	[sflag:s23] =	ssyncadd.s32 $0xFFFFD800  }
0x5a: {  	v2 =	vld [tilespmem:s9+$0x250]  }
0x5b: {  	v3 =	vld [tilespmem:s9+$0x200];
	_ =	sdelay $0x1  }
0x5c: {  	v4 =	vld [tilespmem:s9+$0x210]  }
0x5d: {  	v7 =	vld [tilespmem:s9+$0x240]  }
0x5e: {  	v9 =	vld [tilespmem:s9+$0x220];
	v2 =	vsub.f32 v2, v1  }
0x5f: {  	v11 =	vld [tilespmem:s9+$0x230];
	v3 =	vsub.f32 v3, v1  }
0x60: {  	s7 =	simm.s32 $0x80;
	v13 =	vld [tilespmem:s9+$0x260];
	v2 =	vmul.f32 $1.442695020e+00, v2  }
0x61: {  	v8 =	vld [tilespmem:s7+$0x250];
	v3 =	vmul.f32 $1.442695020e+00, v3  }
0x62: {  	v10 =	vld [tilespmem:s7+$0x200];
	(erf) = vpow2.f32 v2  }
0x63: {  	v12 =	vld [tilespmem:s7+$0x210];
	v2 =	vsub.f32 v4, v1;
	(erf) = vpow2.f32 v3  }
0x64: {  	v14 =	vld [tilespmem:s7+$0x240];
	v3 =	vsub.f32 v7, v1  }
0x65: {  	v6 =	vld [tilespmem:s7+$0x220];
	v2 =	vmul.f32 $1.442695020e+00, v2  }
0x66: {  	v5 =	vld [tilespmem:s7+$0x230];
	v3 =	vmul.f32 $1.442695020e+00, v3  }
0x67: {  	s3 =	simm.s32 $0x100;
	v7 =	vld [tilespmem:s9+$0x270];
	(erf) = vpow2.f32 v2  }
0x68: {  	v15 =	vld [tilespmem:s3+$0x250];
	(erf) = vpow2.f32 v3  }
0x69: {  	v16 =	vld [tilespmem:s3+$0x200];
	v2 =	vsub.f32 v8, v1  }
0x6a: {  	v17 =	vld [tilespmem:s3+$0x210];
	v10 =	vsub.f32 v10, v1  }
0x6b: {  	v12 =	vsub.f32 v12, v1;
	v4 =	vld [tilespmem:s7+$0x260];
	v18 =	vmul.f32 $1.442695020e+00, v2;
	v3 =	vpop (erf)  }
0x6c: {  	v14 =	vsub.f32 v14, v1;
	v10 =	vmul.f32 $1.442695020e+00, v10;
	v8 =	vld [tilespmem:s3+$0x240];
	[tilespmem:s9+$0x7A10] =	vst v3;
	v19 =	vpop (erf);
	v7 =	vmul.f32 v7, v3  }
0x6d: {  	v12 =	vmul.f32 $1.442695020e+00, v12;
	(erf) = vpow2.f32 v18;
	v2 =	vld [tilespmem:s3+$0x220];
	[tilespmem:s9+$0x5200] =	vst v19  }
0x6e: {  	(erf) = vpow2.f32 v10;
	v3 =	vld [tilespmem:s3+$0x230];
	[tilespmem:s9+$0x7A30] =	vst v7;
	v7 =	vmul.f32 $1.442695020e+00, v14  }
0x6f: {  	(erf) = vpow2.f32 v12  }
0x70: {  	v62 =	vmul.f32 v9, v19;
	v10 =	vpop (erf);
	(erf) = vpow2.f32 v7  }
0x71: {  	v14 =	vsub.f32 v15, v1;
	v63 =	vmul.f32 v11, v10;
	v11 =	vpop (erf)  }
0x72: {  	v12 =	vsub.f32 v16, v1;
	v9 =	vld [tilespmem:s7+$0x270];
	[tilespmem:s9+$0x5220] =	vst v62;
	v15 =	vmul.f32 v13, v11  }
0x73: {  	s10 =	simm.s32 $0x180;
	s11 =	simm.s32 $0x800;
	v7 =	vld [tilespmem:s3+$0x260];
	v14 =	vmul.f32 $1.442695020e+00, v14;
	v13 =	vsub.f32 v17, v1;
	[tilespmem:s9+$0x5230] =	vst v63  }
.LBB2_7:
0x74: {  	p0 =	sne.s32 s11, $0x9E00;
	v16 =	vld [tilespmem:s10+$0x250];
	v17 =	vmul.f32 $1.442695020e+00, v12;
	v8 =	vsub.f32 v8, v1;
	[tilespmem:s9+$0x7A20] =	vst v15  }
0x75: {  	v15 =	vld [tilespmem:s10+$0x200];
	v13 =	vmul.f32 $1.442695020e+00, v13;
	(erf) = vpow2.f32 v14;
	[tilespmem:s9+$0x5210] =	vst v10  }
0x76: {  	v14 =	vld [tilespmem:s10+$0x210];
	v18 =	vmul.f32 $1.442695020e+00, v8;
	(erf) = vpow2.f32 v17;
	v12 =	vpop (erf);
	[tilespmem:s9+$0x7A00] =	vst v11;
	s9 =	smov.u32 s7;
	s7 =	smov.u32 s3;
	s3 =	smov.u32 s10  }
.Ltmp2:
0x77: {  	v8 =	vld [tilespmem:s3+$0x240];
	(erf) = vpow2.f32 v13;
	[tilespmem:s9+$0x7A10] =	vst v12;
	v9 =	vmul.f32 v9, v12;
	v11 =	vpop (erf);
	(pc) =	sbr.rel @p0 .LBB2_7-.Ltmp2, $4  }
0x78: {  	(erf) = vpow2.f32 v18;
	[tilespmem:s9+$0x5200] =	vst v11;
	v13 =	vmul.f32 v6, v11;
	v10 =	vpop (erf);
	v6 =	vmov v2;
	v2 =	vld [tilespmem:s3+$0x220]  }
0x79: {  	v16 =	vsub.f32 v16, v1;
	v17 =	vmul.f32 v5, v10;
	[tilespmem:s9+$0x7A30] =	vst v9;
	v11 =	vpop (erf);
	v5 =	vmov v3;
	v3 =	vld [tilespmem:s3+$0x230]  }
0x7a: {  	v12 =	vsub.f32 v15, v1;
	v9 =	vld [tilespmem:s7+$0x270];
	[tilespmem:s9+$0x5220] =	vst v13;
	v15 =	vmul.f32 v4, v11;
	v4 =	vmov v7  }
0x7b: {  	s10 =	sshra.s32 s11, $0x2;
	s11 =	sadd.s32 $0x200, s11;
	v13 =	vsub.f32 v14, v1;
	v14 =	vmul.f32 $1.442695020e+00, v16;
	v7 =	vld [tilespmem:s3+$0x260];
	[tilespmem:s9+$0x5230] =	vst v17  }
0x7c: {  	v16 =	vld [tilespmem:s10+$0x250];
	[tilespmem:s9+$0x7A20] =	vst v15  }
0x7d: {  	v15 =	vld [tilespmem:s10+$0x200];
	[tilespmem:s9+$0x5210] =	vst v10  }
0x7e: {  	v10 =	vld [tilespmem:s10+$0x210];
	[tilespmem:s9+$0x7A00] =	vst v11;
	v11 =	vpop (erf)  }
0x7f: {  	v8 =	vsub.f32 v8, v1;
	v9 =	vmul.f32 v9, v11  }
0x80: {  	v12 =	vmul.f32 $1.442695020e+00, v12  }
0x81: {  	v8 =	vmul.f32 $1.442695020e+00, v8;
	v17 =	vld [tilespmem:s10+$0x240];
	[tilespmem:s7+$0x7A10] =	vst v11;
	v18 =	vpop (erf);
	(erf) = vpow2.f32 v14  }
0x82: {  	v11 =	vmul.f32 $1.442695020e+00, v13;
	v19 =	vld [tilespmem:s10+$0x220];
	[tilespmem:s7+$0x5200] =	vst v18;
	v6 =	vmul.f32 v6, v18  }
0x83: {  	(erf) = vpow2.f32 v12;
	v12 =	vld [tilespmem:s10+$0x230];
	[tilespmem:s7+$0x7A30] =	vst v9;
	v9 =	vpop (erf)  }
0x84: {  	(erf) = vpow2.f32 v11;
	v11 =	vld [tilespmem:s3+$0x270];
	[tilespmem:s7+$0x5220] =	vst v6;
	v6 =	vsub.f32 v16, v1;
	v5 =	vmul.f32 v5, v9;
	_ =	sdelay $0x1  }
0x85: {  	(erf) = vpow2.f32 v8;
	v13 =	vld [tilespmem:s10+$0x260];
	v8 =	vpop (erf);
	[tilespmem:s7+$0x5230] =	vst v5;
	v5 =	vmul.f32 $1.442695020e+00, v6;
	v6 =	vsub.f32 v17, v1  }
0x86: {  	v14 =	vsub.f32 v15, v1;
	v10 =	vsub.f32 v10, v1;
	v4 =	vmul.f32 v4, v8;
	_ =	sdelay $0x1  }
0x87: {  	v10 =	vmul.f32 $1.442695020e+00, v10;
	[tilespmem:s7+$0x7A20] =	vst v4;
	v4 =	vmul.f32 $1.442695020e+00, v14  }
0x88: {  	(erf) = vpow2.f32 v5;
	v5 =	vmul.f32 $1.442695020e+00, v6;
	v6 =	vpop (erf)  }
0x89: {  	[tilespmem:s7+$0x5210] =	vst v9;
	(erf) = vpow2.f32 v4;
	v4 =	vmul.f32 v11, v6  }
0x8a: {  	[tilespmem:s7+$0x7A00] =	vst v8  }
0x8b: {  	(erf) = vpow2.f32 v10;
	[tilespmem:s3+$0x7A10] =	vst v6;
	v6 =	vpop (erf)  }
0x8c: {  	(erf) = vpow2.f32 v5;
	[tilespmem:s3+$0x5200] =	vst v6;
	v2 =	vmul.f32 v2, v6;
	v5 =	vpop (erf)  }
0x8d: {  	[tilespmem:s3+$0x7A30] =	vst v4;
	v4 =	vpop (erf)  }
0x8e: {  	v3 =	vmul.f32 v3, v5;
	v6 =	vld [tilespmem:s10+$0x270];
	[tilespmem:s3+$0x5220] =	vst v2;
	v2 =	vmul.f32 v7, v4  }
0x8f: {  	[tilespmem:s3+$0x5210] =	vst v5  }
0x90: {  	[tilespmem:s3+$0x5230] =	vst v3  }
0x91: {  	[tilespmem:s3+$0x7A00] =	vst v4  }
0x92: {  	[tilespmem:s3+$0x7A20] =	vst v2;
	v2 =	vpop (erf)  }
0x93: {  	[tilespmem:s10+$0x7A10] =	vst v2;
	v2 =	vmul.f32 v6, v2;
	v3 =	vpop (erf)  }
0x94: {  	[tilespmem:s10+$0x5200] =	vst v3  }
0x95: {  	v3 =	vmul.f32 v19, v3;
	v4 =	vpop (erf);
	[tilespmem:s10+$0x7A30] =	vst v2  }
0x96: {  	v5 =	vmul.f32 v12, v4;
	[tilespmem:s10+$0x5210] =	vst v4  }
0x97: {  	[tilespmem:s10+$0x5220] =	vst v3;
	v2 =	vpop (erf)  }
0x98: {  	[tilespmem:s10+$0x5230] =	vst v5;
	v3 =	vmul.f32 v13, v2  }
0x99: {  	[tilespmem:s10+$0x7A00] =	vst v2  }
0x9a: {  	[tilespmem:s10+$0x7A20] =	vst v3  }
0x9b: {  	[spmem:s1] =	stream.indirect.scatter.add.f32 [tilespmem:s25], [sflag:$0x4], $0x80, s2, s24, $0xb8;
	[tilespmem:$0x1DE80] =	vst v63  }
0x9c: {  	_ =	swait.ge [sflag:s26], $0x2800  }
0x9d: {  	p0 =	seq.s32 s0, $0x7;
	[sflag:s26] =	ssyncset.done $0x0  }
0x9e: {  	s3 =	sadd.s32 @!p0 s12, s18;
	[sflag:s26] =	ssyncadd.s32 $0xFFFFD800  }
0x9f: {  	[spmem:s1] =	stream.indirect.scatter.add.f32 [tilespmem:s28], [sflag:$0x4], $0x80, s19, s24, $0xb8;
	[tilespmem:$0x1DE80] =	vst v63  }
0xa0: {  	s7 =	smul.u32 @!p0 $0xA, s3;
	_ =	swait.ge [sflag:s26], $0x2800  }
0xa1: {  	[sflag:s26] =	ssyncset.done $0x0  }
0xa2: {  	s9 =	sadd.s32 @!p0 s5, s7;
	s10 =	simm.s32 @!p0 $0x0;
	[sflag:s26] =	ssyncadd.s32 $0xFFFFD800  }
0xa3: {  	[tilespmem:s10], [sflag:$0x1] =	stream.linear.gather @!p0 [hbm4b:s9+s10], $0x50, $0x38;
	[tilespmem:$0x1DE80] =	vst v63  }
0xa4: {  	s3 =	smul.u32 @!p0 $0x500, s3;
	s7 =	sadd.s32 @!p0 s6, s7;
	s9 =	simm.s32 @!p0 $0x100  }
0xa5: {  	[tilespmem:s9], [sflag:$0x1] =	stream.linear.gather @!p0 [hbm4b:s7+s10], $0x50, $0x38;
	[tilespmem:$0x1DE80] =	vst v63  }
0xa6: {  	s3 =	sadd.s32 @!p0 s4, s3;
	s7 =	simm.s32 @!p0 $0x200  }
0xa7: {  	[tilespmem:s7], [sflag:$0x1] =	stream.linear.gather @!p0 [hbm4b:s3+s10], $0x2800, $0x38;
	[tilespmem:$0x1DE80] =	vst v63  }
0xa8: {  	_ =	swait.ge [sflag:s29], $0x50  }
0xa9: {  	[sflag:s29] =	ssyncset.done $0x0  }
0xaa: {  	[sflag:s29] =	ssyncadd.s32 $0xFFFFFFB0  }
0xab: {  	_ =	swait.ge [sflag:s29], $0x50  }
0xac: {  	[sflag:s29] =	ssyncset.done $0x0  }
0xad: {  	[sflag:s29] =	ssyncadd.s32 $0xFFFFFFB0  }
0xae: {  	_ =	swait.ge [sflag:s29], $0x2800  }
0xaf: {  	[sflag:s29] =	ssyncset.done $0x0  }
0xb0: {  	s9 =	simm.s32 $0x0;
	[sflag:s29] =	ssyncadd.s32 $0xFFFFD800  }
0xb1: {  	v2 =	vld [tilespmem:s9+$0x2A50]  }
0xb2: {  	v3 =	vld [tilespmem:s9+$0x2A00];
	_ =	sdelay $0x1  }
0xb3: {  	v4 =	vld [tilespmem:s9+$0x2A10]  }
0xb4: {  	v7 =	vld [tilespmem:s9+$0x2A40]  }
0xb5: {  	v9 =	vld [tilespmem:s9+$0x2A20];
	v2 =	vsub.f32 v2, v1  }
0xb6: {  	v11 =	vld [tilespmem:s9+$0x2A30];
	v3 =	vsub.f32 v3, v1  }
0xb7: {  	s7 =	simm.s32 $0x80;
	v13 =	vld [tilespmem:s9+$0x2A60];
	v2 =	vmul.f32 $1.442695020e+00, v2  }
0xb8: {  	v8 =	vld [tilespmem:s7+$0x2A50];
	v3 =	vmul.f32 $1.442695020e+00, v3  }
0xb9: {  	v10 =	vld [tilespmem:s7+$0x2A00];
	(erf) = vpow2.f32 v2  }
0xba: {  	v12 =	vld [tilespmem:s7+$0x2A10];
	v2 =	vsub.f32 v4, v1;
	(erf) = vpow2.f32 v3  }
0xbb: {  	v14 =	vld [tilespmem:s7+$0x2A40];
	v3 =	vsub.f32 v7, v1  }
0xbc: {  	v6 =	vld [tilespmem:s7+$0x2A20];
	v2 =	vmul.f32 $1.442695020e+00, v2  }
0xbd: {  	v5 =	vld [tilespmem:s7+$0x2A30];
	v3 =	vmul.f32 $1.442695020e+00, v3  }
0xbe: {  	s3 =	simm.s32 $0x100;
	v7 =	vld [tilespmem:s9+$0x2A70];
	(erf) = vpow2.f32 v2  }
0xbf: {  	v15 =	vld [tilespmem:s3+$0x2A50];
	(erf) = vpow2.f32 v3  }
0xc0: {  	v16 =	vld [tilespmem:s3+$0x2A00];
	v2 =	vsub.f32 v8, v1  }
0xc1: {  	v17 =	vld [tilespmem:s3+$0x2A10];
	v10 =	vsub.f32 v10, v1  }
0xc2: {  	v12 =	vsub.f32 v12, v1;
	v4 =	vld [tilespmem:s7+$0x2A60];
	v60 =	vmul.f32 $1.442695020e+00, v2;
	v3 =	vpop (erf)  }
0xc3: {  	v14 =	vsub.f32 v14, v1;
	v10 =	vmul.f32 $1.442695020e+00, v10;
	v8 =	vld [tilespmem:s3+$0x2A40];
	[tilespmem:s9+$0x7A10] =	vst v3;
	v61 =	vpop (erf);
	v7 =	vmul.f32 v7, v3  }
0xc4: {  	v12 =	vmul.f32 $1.442695020e+00, v12;
	(erf) = vpow2.f32 v60;
	v2 =	vld [tilespmem:s3+$0x2A20];
	[tilespmem:s9+$0x5200] =	vst v61  }
0xc5: {  	(erf) = vpow2.f32 v10;
	v3 =	vld [tilespmem:s3+$0x2A30];
	[tilespmem:s9+$0x7A30] =	vst v7;
	v7 =	vmul.f32 $1.442695020e+00, v14  }
0xc6: {  	(erf) = vpow2.f32 v12  }
0xc7: {  	v62 =	vmul.f32 v9, v61;
	v10 =	vpop (erf);
	(erf) = vpow2.f32 v7  }
0xc8: {  	v14 =	vsub.f32 v15, v1;
	v63 =	vmul.f32 v11, v10;
	v11 =	vpop (erf)  }
0xc9: {  	v12 =	vsub.f32 v16, v1;
	v9 =	vld [tilespmem:s7+$0x2A70];
	[tilespmem:s9+$0x5220] =	vst v62;
	v15 =	vmul.f32 v13, v11  }
0xca: {  	s11 =	simm.s32 $0x800;
	s10 =	simm.s32 $0x180;
	v7 =	vld [tilespmem:s3+$0x2A60];
	v14 =	vmul.f32 $1.442695020e+00, v14;
	v13 =	vsub.f32 v17, v1;
	[tilespmem:s9+$0x5230] =	vst v63  }
.LBB2_9:
0xcb: {  	p0 =	sne.s32 s11, $0x9E00;
	v16 =	vld [tilespmem:s10+$0x2A50];
	v17 =	vmul.f32 $1.442695020e+00, v12;
	v8 =	vsub.f32 v8, v1;
	[tilespmem:s9+$0x7A20] =	vst v15  }
0xcc: {  	v15 =	vld [tilespmem:s10+$0x2A00];
	v13 =	vmul.f32 $1.442695020e+00, v13;
	(erf) = vpow2.f32 v14;
	[tilespmem:s9+$0x5210] =	vst v10  }
0xcd: {  	v14 =	vld [tilespmem:s10+$0x2A10];
	v18 =	vmul.f32 $1.442695020e+00, v8;
	(erf) = vpow2.f32 v17;
	v12 =	vpop (erf);
	[tilespmem:s9+$0x7A00] =	vst v11;
	s9 =	smov.u32 s7;
	s7 =	smov.u32 s3;
	s3 =	smov.u32 s10  }
.Ltmp3:
0xce: {  	v8 =	vld [tilespmem:s3+$0x2A40];
	(erf) = vpow2.f32 v13;
	[tilespmem:s9+$0x7A10] =	vst v12;
	v9 =	vmul.f32 v9, v12;
	v11 =	vpop (erf);
	(pc) =	sbr.rel @p0 .LBB2_9-.Ltmp3, $4  }
0xcf: {  	(erf) = vpow2.f32 v18;
	[tilespmem:s9+$0x5200] =	vst v11;
	v13 =	vmul.f32 v6, v11;
	v10 =	vpop (erf);
	v6 =	vmov v2;
	v2 =	vld [tilespmem:s3+$0x2A20]  }
0xd0: {  	v16 =	vsub.f32 v16, v1;
	v17 =	vmul.f32 v5, v10;
	[tilespmem:s9+$0x7A30] =	vst v9;
	v11 =	vpop (erf);
	v5 =	vmov v3;
	v3 =	vld [tilespmem:s3+$0x2A30]  }
0xd1: {  	v12 =	vsub.f32 v15, v1;
	v9 =	vld [tilespmem:s7+$0x2A70];
	[tilespmem:s9+$0x5220] =	vst v13;
	v15 =	vmul.f32 v4, v11;
	v4 =	vmov v7  }
0xd2: {  	s10 =	sshra.s32 s11, $0x2;
	s11 =	sadd.s32 $0x200, s11;
	v13 =	vsub.f32 v14, v1;
	v14 =	vmul.f32 $1.442695020e+00, v16;
	v7 =	vld [tilespmem:s3+$0x2A60];
	[tilespmem:s9+$0x5230] =	vst v17  }
0xd3: {  	_ =	sdelay $0x1  }
0xd4: {  	v16 =	vld [tilespmem:s10+$0x2A50];
	[tilespmem:s9+$0x7A20] =	vst v15;
	v12 =	vmul.f32 $1.442695020e+00, v12;
	v8 =	vsub.f32 v8, v1;
	v43 =	vpop (erf)  }
0xd5: {  	v15 =	vld [tilespmem:s10+$0x2A00];
	[tilespmem:s9+$0x5210] =	vst v10;
	v44 =	vmul.f32 $1.442695020e+00, v13;
	v18 =	vpop (erf);
	(erf) = vpow2.f32 v14  }
0xd6: {  	v10 =	vld [tilespmem:s10+$0x2A10];
	[tilespmem:s9+$0x7A00] =	vst v11;
	v8 =	vmul.f32 $1.442695020e+00, v8;
	(erf) = vpow2.f32 v12  }
0xd7: {  	v17 =	vld [tilespmem:s10+$0x2A40];
	[tilespmem:s7+$0x7A10] =	vst v43;
	v9 =	vmul.f32 v9, v43;
	(erf) = vpow2.f32 v44  }
0xd8: {  	v19 =	vld [tilespmem:s10+$0x2A20];
	[tilespmem:s7+$0x5200] =	vst v18;
	v6 =	vmul.f32 v6, v18;
	v46 =	vpop (erf);
	(erf) = vpow2.f32 v8  }
0xd9: {  	v45 =	vld [tilespmem:s10+$0x2A30];
	[tilespmem:s7+$0x7A30] =	vst v9;
	v5 =	vmul.f32 v5, v46;
	v49 =	vsub.f32 v16, v1  }
0xda: {  	v47 =	vld [tilespmem:s3+$0x2A70];
	[tilespmem:s7+$0x5220] =	vst v6;
	v51 =	vsub.f32 v15, v1  }
0xdb: {  	v48 =	vpop (erf);
	v50 =	vld [tilespmem:s10+$0x2A60];
	[tilespmem:s7+$0x5230] =	vst v5;
	v52 =	vmul.f32 $1.442695020e+00, v49  }
0xdc: {  	v4 =	vmul.f32 v4, v48;
	v10 =	vsub.f32 v10, v1;
	[tilespmem:s7+$0x5210] =	vst v46;
	v54 =	vmul.f32 $1.442695020e+00, v51  }
0xdd: {  	[tilespmem:s7+$0x7A00] =	vst v48;
	v53 =	vsub.f32 v17, v1;
	(erf) = vpow2.f32 v52  }
0xde: {  	[tilespmem:s7+$0x7A20] =	vst v4;
	v10 =	vmul.f32 $1.442695020e+00, v10;
	(erf) = vpow2.f32 v54;
	v56 =	vpop (erf)  }
0xdf: {  	v55 =	vmul.f32 $1.442695020e+00, v53;
	[tilespmem:s3+$0x7A10] =	vst v56;
	v57 =	vmul.f32 v47, v56;
	v58 =	vpop (erf)  }
0xe0: {  	(erf) = vpow2.f32 v10;
	[tilespmem:s3+$0x5200] =	vst v58;
	v2 =	vmul.f32 v2, v58;
	v59 =	vpop (erf)  }
0xe1: {  	[tilespmem:s3+$0x7A30] =	vst v57;
	v60 =	vpop (erf)  }
0xe2: {  	(erf) = vpow2.f32 v55;
	v61 =	vld [tilespmem:s10+$0x2A70];
	[tilespmem:s3+$0x5220] =	vst v2;
	v2 =	vmul.f32 v7, v60  }
0xe3: {  	v3 =	vmul.f32 v3, v59;
	[tilespmem:s3+$0x5210] =	vst v59  }
0xe4: {  	[tilespmem:s3+$0x7A00] =	vst v60  }
0xe5: {  	[tilespmem:s3+$0x5230] =	vst v3  }
0xe6: {  	[tilespmem:s3+$0x7A20] =	vst v2;
	v2 =	vpop (erf)  }
0xe7: {  	[tilespmem:s10+$0x7A10] =	vst v2;
	v2 =	vmul.f32 v61, v2;
	v3 =	vpop (erf)  }
0xe8: {  	[tilespmem:s10+$0x5200] =	vst v3  }
0xe9: {  	v3 =	vmul.f32 v19, v3;
	v62 =	vpop (erf);
	[tilespmem:s10+$0x7A30] =	vst v2  }
0xea: {  	v63 =	vmul.f32 v45, v62;
	[tilespmem:s10+$0x5210] =	vst v62  }
0xeb: {  	[tilespmem:s10+$0x5220] =	vst v3;
	v2 =	vpop (erf)  }
0xec: {  	[tilespmem:s10+$0x5230] =	vst v63;
	v3 =	vmul.f32 v50, v2  }
0xed: {  	[tilespmem:s10+$0x7A00] =	vst v2  }
0xee: {  	[tilespmem:s10+$0x7A20] =	vst v3  }
0xef: {  	[spmem:s1] =	stream.indirect.scatter.add.f32 [tilespmem:s25], [sflag:$0x4], $0x80, s20, s24, $0xb8;
	[tilespmem:$0x1DE80] =	vst v63  }
0xf0: {  	s0 =	sadd.s32 $0x1, s0;
	_ =	swait.ge [sflag:s26], $0x2800  }
0xf1: {  	p0 =	sne.s32 s0, $0x8;
	[sflag:s26] =	ssyncset.done $0x0  }
.Ltmp4:
0xf2: {  	[sflag:s26] =	ssyncadd.s32 $0xFFFFD800;
	(pc) =	sbr.rel @p0 .LBB2_6-.Ltmp4, $4  }
0xf3: {  	[spmem:s1] =	stream.indirect.scatter.add.f32 [tilespmem:s28], [sflag:$0x3], $0x80, s21, s24, $0xb8;
	[tilespmem:$0x1DE80] =	vst v63  }
0xf4: {  	_ =	swait.ge [sflag:s17], $0x2800  }
0xf5: {  	[sflag:s17] =	ssyncset.done $0x0  }
0xf6: {  	[sflag:s17] =	ssyncadd.s32 $0xFFFFD800  }
0xf7: {  	s0 =	stileid.u32;
	s30 =	sadd.s32 $0x1, s30  }
0xf8: {  	[bflag:$0x0] =	sbarrier.arrive $0xFFFF;
	s0 =	sshll.u32 s0, $0x6;
	p0 =	sne.s32 s30, s13  }
.Ltmp5:
0xf9: {  	s3 =	sshrl.u32 s8, $0x3;
	s0 =	sor.u32 $0x1C03, s0;
	(pc) =	sbr.rel @p0 .LBB2_1-.Ltmp5, $4  }
0xfa: {  	[hbm:s15], [sflag:s0] =	dma.local [spmem:s3], $0x2780  }
0xfb: {  	_ =	swait.ge [sflag:s17], $0x2780  }
0xfc: {  	[sflag:s17] =	ssyncset.done $0x0  }
0xfd: {  	[sflag:s17] =	ssyncadd.s32 $0xFFFFD880  }
0xfe: {  	_ =	sfence.sel $0x180000  }
0xff: {  	[bflag:$0x0] =	sbarrier.arrive $0xFFFF  }
0x100: {  	_ =	strace $0x90000047  }
0x101: {  	s0 =	stileid.u32;
	[bflag:$0x2] =	sbarrier.arrive $0xFFFF  }
0x102: {  	p0 =	sne.s32 s0, $0x0;
	s0 =	rddreg [dreg:$0x2]  }
0x103: {  	s0 =	sadd.s32 @!p0 $0x100000, s0  }
0x104: {  	[sflag:s0] =	ssyncadd.tile.s32 @!p0 $0x1;
	_ =	shalt  }
.Lfunc_end2:
_tile_overlayer_lowered:
.L_overlay_start_2:
0x105: {  	(tag) =	ssettag $0x2  }
0x106: {  	s0 =	rddreg [dreg:$0x0];
	s2 =	stileid.u32  }
0x107: {  	s1 =	rddreg [dreg:$0x1];
	p0 =	sne.s32 s2, $0x0  }
0x108: {  	s3 =	rddreg [dreg:$0x2];
	[bflag:$0x3] =	sbarrier.arrive $0xFFFF;
	s2 =	simm.s32 @!p0 $0x1C03  }
0x109: {  	[timem:s3], [sflag:s2] =	dma.local @!p0 [hbm:s0], s1  }
0x10a: {  	s0 =	simm.s32 @!p0 $0x3  }
0x10b: {  	_ =	swait.ge @!p0 [sflag:s0], s1  }
0x10c: {  	s1 =	ssub.s32 @!p0 $0x0, s1;
	[sflag:s0] =	ssyncset.done @!p0 $0x0  }
0x10d: {  	[sflag:s0] =	ssyncadd.s32 @!p0 s1  }
0x10e: {  	[bflag:$0x3] =	sbarrier.arrive $0xFFFF  }
0x10f: {  	_ =	shalt  }

</sc_bundles>
